<compile_context>
chip_gen: v7x
topology: tpu7x:2x2x1
jax: 0.10.2.dev20260603
libtpu: 0.0.44.dev20260713+nightly
codegen_flags: <defaults>
</compile_context>

<pallas_src>
import functools

import jax
import jax.numpy as jnp
from jax import lax
from jax.experimental import pallas as pl
from jax.experimental.pallas import tpu as pltpu
from jax.experimental.pallas import tpu_sc as plsc

NC = 2
NS = 16
L = 16
SPAN = 128
CHUNK = 256
NBUF = 6
CAP = 16
PBLK = 8192


def _make_sweep_kernel(batch: int, n_factors: int, n_rows: int):
  n_full = (n_rows // SPAN) * SPAN
  tail = n_rows - n_full
  max_off = n_full - SPAN
  base_chunks = n_full // CHUNK // NS
  rows_per_tec = base_chunks * CHUNK
  last_extra = n_full // CHUNK - base_chunks * NS
  nch = base_chunks + last_extra + 1
  n_groups = batch // L
  mesh = plsc.VectorSubcoreMesh(
      core_axis_name="c", subcore_axis_name="s", num_cores=NC, num_subcores=NS)

  @functools.partial(
      pl.kernel,
      out_type=(jax.ShapeDtypeStruct((batch, n_factors), jnp.float32),
                jax.ShapeDtypeStruct((batch, n_factors), jnp.float32)),
      mesh=mesh,
      compiler_params=pltpu.CompilerParams(needs_layout_passes=False),
      scratch_types=dict(
          pbuf=pltpu.VMEM((PBLK,), jnp.int32),
          lid=pltpu.VMEM((batch + L,), jnp.int32),
          lpd=pltpu.VMEM((batch + L,), jnp.int32),
          bid=pltpu.VMEM((nch * CAP + L,), jnp.int32),
          bpd=pltpu.VMEM((nch * CAP + L,), jnp.int32),
          counts=pltpu.SMEM((nch,), jnp.int32),
          wins=pltpu.VMEM((NBUF, n_factors, CHUNK), jnp.float32),
          ovwin=pltpu.VMEM((n_factors, SPAN), jnp.float32),
          rowbuf=pltpu.VMEM((CAP, n_factors), jnp.float32),
          tails=pltpu.VMEM((2 * tail * n_factors,), jnp.float32),
          sems=pltpu.SemaphoreType.DMA((NBUF,)),
          sem_w=pltpu.SemaphoreType.DMA,
      ),
  )
  def sweep(data_hbm, uft_hbm, ift_hbm, utail_hbm, itail_hbm, urows_hbm,
            irows_hbm, *, pbuf, lid, lpd, bid, bpd, counts, wins, ovwin,
            rowbuf, tails, sems, sem_w):
    c = lax.axis_index("c")
    t = lax.axis_index("s")
    lo = t * rows_per_tec
    is_last = t == NS - 1
    hi = jnp.where(is_last, n_rows, lo + rows_per_tec)
    n_sweep = jnp.where(is_last, base_chunks + last_extra, base_chunks)

    pltpu.sync_copy(utail_hbm, tails.at[pl.ds(0, tail * n_factors)])
    pltpu.sync_copy(itail_hbm,
                    tails.at[pl.ds(tail * n_factors, tail * n_factors)])
    lanes = lax.iota(jnp.int32, L)
    lane0 = lanes < 1

    def zero_counts(i, carry):
      counts[i] = 0
      return carry

    lax.fori_loop(0, nch, zero_counts, 0)

    def extract_row(win, pre, id_s, r_s):
      r = jnp.full((L,), r_s, jnp.int32)
      g0 = plsc.load_gather(win, pre + [lanes, r])
      g1 = plsc.load_gather(win, pre + [lanes + L, r])
      tb = (jnp.maximum(id_s - n_full, 0) * n_factors
            + c * (tail * n_factors))
      t0 = plsc.load_gather(tails, [tb + lanes])
      t1 = plsc.load_gather(tails, [tb + L + lanes])
      in_tail = jnp.full((L,), id_s >= n_full, jnp.bool_)
      return jnp.where(in_tail, t0, g0), jnp.where(in_tail, t1, g1)

    def put_row(slot, r0, r1):
      s = jnp.full((L,), slot, jnp.int32)
      plsc.store_scatter(rowbuf, [s, lanes], r0)
      plsc.store_scatter(rowbuf, [s, lanes + L], r1)

    def run(tbl, out_hbm):
      def fire(ck, buf):
        off = pl.multiple_of(lo + ck * CHUNK, SPAN)
        pltpu.async_copy(tbl.at[:, pl.ds(off, CHUNK)], wins.at[buf],
                         sems.at[buf])

      for j in range(NBUF - 1):

        @pl.when(j < n_sweep)
        def _(j=j):
          fire(j, j)

      def ablk(blk, cnt0):
        pltpu.sync_copy(data_hbm.at[pl.ds(blk * PBLK, PBLK)], pbuf)

        def filt(g, cnt2):
          ids = plsc.load_gather(pbuf, [(g * L + lanes) * 2 + c])
          m = (ids >= lo) & (ids < hi)
          plsc.store_compressed(lid.at[pl.ds(cnt2, L)], ids, mask=m)
          plsc.store_compressed(lpd.at[pl.ds(cnt2, L)],
                                blk * (PBLK // 2) + g * L + lanes, mask=m)
          return cnt2 + plsc.all_reduce_population_count(m)[0]

        return lax.fori_loop(0, PBLK // 2 // L, filt, cnt0)

      cnt = lax.fori_loop(0, 2 * batch // PBLK, ablk, 0)

      def bucketize(h, carry):
        id_s = lid[pl.ds(h, L)][0]
        p_s = lpd[pl.ds(h, L)][0]
        ch = (id_s - lo) // CHUNK
        slot = counts[ch]
        counts[ch] = slot + 1

        @pl.when(slot < CAP)
        def _():
          pos = jnp.full((L,), ch * CAP + slot, jnp.int32)
          plsc.store_scatter(bid, [pos], jnp.full((L,), id_s, jnp.int32),
                             mask=lane0)
          plsc.store_scatter(bpd, [pos], jnp.full((L,), p_s, jnp.int32),
                             mask=lane0)

        @pl.when(slot >= CAP)
        def _():
          off = pl.multiple_of(
              jnp.minimum((id_s // SPAN) * SPAN, max_off), SPAN)
          pltpu.sync_copy(tbl.at[:, pl.ds(off, SPAN)], ovwin)
          r0, r1 = extract_row(ovwin, [], id_s, id_s % SPAN)
          put_row(0, r0, r1)
          pltpu.sync_copy(rowbuf.at[0], out_hbm.at[p_s])

        return carry

      lax.fori_loop(0, cnt, bucketize, 0)

      def chunk_step(ck, carry):
        buf = ck % NBUF

        @pl.when(ck + NBUF - 1 < n_sweep)
        def _():
          fire(ck + NBUF - 1, (ck + NBUF - 1) % NBUF)

        pltpu.make_async_copy(tbl.at[:, pl.ds(0, CHUNK)], wins.at[buf],
                              sems.at[buf]).wait()
        nh = jnp.minimum(counts[ck], CAP)

        def hit(h, carry2):
          id_s = bid[pl.ds(ck * CAP + h, L)][0]
          p_s = bpd[pl.ds(ck * CAP + h, L)][0]
          r0, r1 = extract_row(wins, [jnp.full((L,), buf, jnp.int32)], id_s,
                               id_s - (lo + ck * CHUNK))
          put_row(h, r0, r1)
          pltpu.async_copy(rowbuf.at[h], out_hbm.at[p_s], sem_w)
          return carry2

        lax.fori_loop(0, nh, hit, 0)

        def drain(h, carry2):
          pltpu.make_async_copy(rowbuf.at[0], out_hbm.at[0], sem_w).wait()
          return carry2

        lax.fori_loop(0, nh, drain, 0)
        return carry

      lax.fori_loop(0, n_sweep, chunk_step, 0)

      @pl.when(is_last)
      def _():
        tch = nch - 1
        nh = jnp.minimum(counts[tch], CAP)

        def thit(h, carry2):
          id_s = bid[pl.ds(tch * CAP + h, L)][0]
          p_s = bpd[pl.ds(tch * CAP + h, L)][0]
          r0, r1 = extract_row(ovwin, [], id_s, 0)
          put_row(h, r0, r1)
          pltpu.async_copy(rowbuf.at[h], out_hbm.at[p_s], sem_w)
          return carry2

        lax.fori_loop(0, nh, thit, 0)

        def tdrain(h, carry2):
          pltpu.make_async_copy(rowbuf.at[0], out_hbm.at[0], sem_w).wait()
          return carry2

        lax.fori_loop(0, nh, tdrain, 0)

    @pl.when(c == 0)
    def _():
      run(uft_hbm, urows_hbm)

    @pl.when(c == 1)
    def _():
      run(ift_hbm, irows_hbm)

  return sweep


def _make_dot_kernel(batch: int, n_factors: int, blk: int = 512):
  def body(u_ref, v_ref, o_ref):
    o_ref[...] = jnp.sum(u_ref[...] * v_ref[...], axis=1)

  return pl.pallas_call(
      body,
      grid=(batch // blk,),
      in_specs=[pl.BlockSpec((blk, n_factors), lambda i: (i, 0))] * 2,
      out_specs=pl.BlockSpec((blk,), lambda i: (i,)),
      out_shape=jax.ShapeDtypeStruct((batch,), jnp.float32),
  )


def kernel(data, user_factors, item_factors):
  batch, _ = data.shape
  n_rows, n_factors = user_factors.shape
  n_full = (n_rows // SPAN) * SPAN
  sweep = _make_sweep_kernel(batch, n_factors, n_rows)
  urows, irows = sweep(data.reshape(-1), user_factors.T, item_factors.T,
                       user_factors[n_full:].reshape(-1),
                       item_factors[n_full:].reshape(-1))
  return _make_dot_kernel(batch, n_factors)(urows, irows)

# --- scband reference (transcript-rebuilt; emitter-appended) ---
"""Pipeline reference for scband-matrix-factorization-43095701848679 (READ-ONLY COPY).

The authoritative reference and input builder live on the scoring server;
editing this copy changes nothing except your own understanding.
"""

import jax, jax.numpy as jnp
import numpy as np

N_USERS = 1000000
N_ITEMS = 1000000
N_FACTORS = 32
BATCH = 16384


def setup_inputs(seed: int = 0) -> dict:
    key = jax.random.key(seed)
    k1, k2, k3 = jax.random.split(key, 3)
    data = jax.random.randint(k1, (BATCH, 2), 0, N_USERS, dtype=jnp.int64 if jax.config.read('jax_enable_x64') else jnp.int32)
    data = data.astype(jnp.int32)
    user_factors = jax.random.uniform(k2, (N_USERS, N_FACTORS), dtype=jnp.float32, minval=0.0, maxval=0.05)
    item_factors = jax.random.uniform(k3, (N_ITEMS, N_FACTORS), dtype=jnp.float32, minval=0.0, maxval=0.05)
    return {"data": data, "user_factors": user_factors, "item_factors": item_factors}


def reference(data, user_factors, item_factors):
    users = data[:, 0]
    items = data[:, 1]
    u = jnp.take(user_factors, users, axis=0)
    v = jnp.take(item_factors, items, axis=0)
    return (u * v).sum(axis=1)

if __name__ == "__main__":
    import jax
    _d = setup_inputs()
    print(jax.jit(kernel)(*tuple(_d.values())))

</pallas_src>

<mosaic_0001>
#map = affine_map<(d0, d1) -> (0)>
#map1 = affine_map<(d0, d1) -> (0, 0)>
module attributes {stable_mosaic.version = 14 : i64} {
  func.func @sweep(%arg0: i32, %arg1: i32, %arg2: memref<32768xi32, #tpu.memory_space<hbm>>, %arg3: memref<32x1000000xf32, #tpu.memory_space<hbm>>, %arg4: memref<32x1000000xf32, #tpu.memory_space<hbm>>, %arg5: memref<2048xf32, #tpu.memory_space<hbm>>, %arg6: memref<2048xf32, #tpu.memory_space<hbm>>, %arg7: memref<16384x32xf32, #tpu.memory_space<hbm>>, %arg8: memref<16384x32xf32, #tpu.memory_space<hbm>>, %arg9: memref<3968xi32, #tpu.memory_space<vmem>>, %arg10: memref<3968xi32, #tpu.memory_space<vmem>>, %arg11: memref<247xi32, #tpu.memory_space<smem>>, %arg12: memref<16400xi32, #tpu.memory_space<vmem>>, %arg13: memref<16400xi32, #tpu.memory_space<vmem>>, %arg14: memref<32x128xf32, #tpu.memory_space<vmem>>, %arg15: memref<8192xi32, #tpu.memory_space<vmem>>, %arg16: memref<16x32xf32, #tpu.memory_space<vmem>>, %arg17: memref<!tpu.dma_semaphore, #tpu.memory_space<semaphore_mem>>, %arg18: memref<6x!tpu.dma_semaphore, #tpu.memory_space<semaphore_mem>>, %arg19: memref<4096xf32, #tpu.memory_space<vmem>>, %arg20: memref<6x32x256xf32, #tpu.memory_space<vmem>>) attributes {dimension_semantics = [#tpu.dimension_semantics<core_parallel>, #tpu.dimension_semantics<subcore_parallel>], iteration_bounds = array<i64: 2, 16>, scalar_prefetch = 0 : i64, scratch_operands = 12 : i64, tpu.core_type = #tpu.core_type<sc_vector_subcore>, window_params = [{transform_indices = #map}, {transform_indices = #map1}, {transform_indices = #map1}, {transform_indices = #map}, {transform_indices = #map}, {transform_indices = #map1}, {transform_indices = #map1}]} {
    %mul3A = arith.constant 62464 : i32
    %mul3A_0 = arith.muli %arg1, %mul3A : i32
    %eq3A = arith.constant 15 : i32
    %eq3A_1 = arith.cmpi eq, %arg1, %eq3A : i32
    %add3A = arith.constant 62464 : i32
    %add3A_2 = arith.addi %mul3A_0, %add3A : i32
    %jit3A = arith.constant 1000000 : i32
    %select_n3A = arith.select %eq3A_1, %jit3A, %add3A_2 : i32
    %jit3A_3 = arith.constant 246 : i32
    %jit3A_4 = arith.constant 244 : i32
    %select_n3A_5 = arith.select %eq3A_1, %jit3A_3, %jit3A_4 : i32
    "tpu.region"() ({
      %run_scoped3A = tpu.sem_alloc : memref<!tpu.dma_semaphore, #tpu.memory_space<semaphore_mem>>
      %dma_start3A = arith.constant 0 : i32
      %dma_start3A_21 = tpu.memref_slice %arg19[%dma_start3A] : memref<4096xf32, #tpu.memory_space<vmem>> -> memref<2048xf32, #tpu.memory_space<vmem>>
      %dma_start3A_22 = arith.constant 0 : i32
      %dma_start3A_23 = tpu.memref_slice %arg19[%dma_start3A_22] : memref<4096xf32, #tpu.memory_space<vmem>> -> memref<2048xf32, #tpu.memory_space<vmem>>
      tpu.enqueue_dma source(%arg5 : memref<2048xf32, #tpu.memory_space<hbm>>) target(%dma_start3A_23 : memref<2048xf32, #tpu.memory_space<vmem>>) target_semaphore(%run_scoped3A : memref<!tpu.dma_semaphore, #tpu.memory_space<semaphore_mem>>)
      %dma_wait3A = arith.constant 0 : i32
      %dma_wait3A_24 = tpu.memref_slice %arg19[%dma_wait3A] : memref<4096xf32, #tpu.memory_space<vmem>> -> memref<2048xf32, #tpu.memory_space<vmem>>
      %dma_wait3A_25 = arith.constant 0 : i32
      %dma_wait3A_26 = tpu.memref_slice %arg19[%dma_wait3A_25] : memref<4096xf32, #tpu.memory_space<vmem>> -> memref<2048xf32, #tpu.memory_space<vmem>>
      tpu.wait_dma2 semaphore(%run_scoped3A : memref<!tpu.dma_semaphore, #tpu.memory_space<semaphore_mem>>) src(%arg5 : memref<2048xf32, #tpu.memory_space<hbm>>) dst(%dma_wait3A_26 : memref<2048xf32, #tpu.memory_space<vmem>>)
      tpu.yield
    }) : () -> ()
    "tpu.region"() ({
      %run_scoped3A = tpu.sem_alloc : memref<!tpu.dma_semaphore, #tpu.memory_space<semaphore_mem>>
      %dma_start3A = arith.constant 2048 : i32
      %dma_start3A_21 = tpu.memref_slice %arg19[%dma_start3A] : memref<4096xf32, #tpu.memory_space<vmem>> -> memref<2048xf32, #tpu.memory_space<vmem>>
      %dma_start3A_22 = arith.constant 2048 : i32
      %dma_start3A_23 = tpu.memref_slice %arg19[%dma_start3A_22] : memref<4096xf32, #tpu.memory_space<vmem>> -> memref<2048xf32, #tpu.memory_space<vmem>>
      tpu.enqueue_dma source(%arg6 : memref<2048xf32, #tpu.memory_space<hbm>>) target(%dma_start3A_23 : memref<2048xf32, #tpu.memory_space<vmem>>) target_semaphore(%run_scoped3A : memref<!tpu.dma_semaphore, #tpu.memory_space<semaphore_mem>>)
      %dma_wait3A = arith.constant 2048 : i32
      %dma_wait3A_24 = tpu.memref_slice %arg19[%dma_wait3A] : memref<4096xf32, #tpu.memory_space<vmem>> -> memref<2048xf32, #tpu.memory_space<vmem>>
      %dma_wait3A_25 = arith.constant 2048 : i32
      %dma_wait3A_26 = tpu.memref_slice %arg19[%dma_wait3A_25] : memref<4096xf32, #tpu.memory_space<vmem>> -> memref<2048xf32, #tpu.memory_space<vmem>>
      tpu.wait_dma2 semaphore(%run_scoped3A : memref<!tpu.dma_semaphore, #tpu.memory_space<semaphore_mem>>) src(%arg6 : memref<2048xf32, #tpu.memory_space<hbm>>) dst(%dma_wait3A_26 : memref<2048xf32, #tpu.memory_space<vmem>>)
      tpu.yield
    }) : () -> ()
    %iota3A = tpu.iota {dimensions = array<i32: 0>} : vector<16xi32>
    %lt3A = arith.constant 1 : i32
    %lt3A_6 = vector.broadcast %lt3A : i32 to vector<16xi32>
    %lt3A_7 = arith.cmpi slt, %iota3A, %lt3A_6 : vector<16xi32>
    %scan3A = arith.constant 0 : i32
    %scan3A_8 = arith.constant 0 : i32
    %scan3A_9 = arith.constant 247 : i32
    %scan3A_10 = arith.addi %scan3A_8, %scan3A_9 : i32
    %scan3A_11 = arith.constant 1 : i32
    scf.for %scan3A_21 = %scan3A_8 to %scan3A_10 step %scan3A_11  : i32 {
      %swap3A = arith.constant 0 : i32
      %swap3A_22 = arith.index_cast %scan3A_21 : i32 to index
      %swap3A_23 = memref.load %arg11[%swap3A_22] : memref<247xi32, #tpu.memory_space<smem>>
      memref.store %swap3A, %arg11[%swap3A_22] : memref<247xi32, #tpu.memory_space<smem>>
    }
    %scan3A_12 = arith.constant 247 : i32
    %eq3A_13 = arith.constant 0 : i32
    %eq3A_14 = arith.cmpi eq, %arg0, %eq3A_13 : i32
    %convert_element_type3A = arith.extui %eq3A_14 : i1 to i32
    %cond3A = arith.constant 0 : i32
    %cond3A_15 = arith.cmpi ne, %convert_element_type3A, %cond3A : i32
    scf.if %cond3A_15 {
      %gt3A = arith.constant 0 : i32
      %gt3A_21 = arith.cmpi sgt, %select_n3A_5, %gt3A : i32
      %convert_element_type3A_22 = arith.extui %gt3A_21 : i1 to i32
      %cond3A_23 = arith.constant 0 : i32
      %cond3A_24 = arith.cmpi ne, %convert_element_type3A_22, %cond3A_23 : i32
      scf.if %cond3A_24 {
        %add3A_74 = arith.constant 0 : i32
        %add3A_75 = arith.addi %mul3A_0, %add3A_74 : i32
        %multiple_of3A = tpu.assume_multiple %add3A_75, 128 : i32
        %dma_start3A = arith.constant 0 : i32
        %dma_start3A_76 = arith.constant 0 : i32
        %dma_start3A_77 = arith.constant 0 : i32
        %dma_start3A_78 = arith.constant 0 : i32
        %dma_start3A_79 = tpu.memref_slice %arg20[%dma_start3A, %dma_start3A_77, %dma_start3A_78] : memref<6x32x256xf32, #tpu.memory_space<vmem>> -> memref<1x32x256xf32, #tpu.memory_space<vmem>>
        %dma_start3A_80 = tpu.memref_squeeze %dma_start3A_79 : memref<1x32x256xf32, #tpu.memory_space<vmem>> -> memref<32x256xf32, #tpu.memory_space<vmem>>
        %dma_start3A_81 = arith.constant 0 : i32
        %dma_start3A_82 = tpu.memref_slice %arg3[%dma_start3A_81, %multiple_of3A] : memref<32x1000000xf32, #tpu.memory_space<hbm>> -> memref<32x256xf32, #tpu.memory_space<hbm>>
        %dma_start3A_83 = tpu.memref_slice %arg18[%dma_start3A_76] : memref<6x!tpu.dma_semaphore, #tpu.memory_space<semaphore_mem>> -> memref<1x!tpu.dma_semaphore, #tpu.memory_space<semaphore_mem>>
        %dma_start3A_84 = tpu.memref_squeeze %dma_start3A_83 : memref<1x!tpu.dma_semaphore, #tpu.memory_space<semaphore_mem>> -> memref<!tpu.dma_semaphore, #tpu.memory_space<semaphore_mem>>
        %dma_start3A_85 = arith.constant 0 : i32
        %dma_start3A_86 = arith.constant 0 : i32
        %dma_start3A_87 = tpu.memref_slice %arg20[%dma_start3A, %dma_start3A_85, %dma_start3A_86] : memref<6x32x256xf32, #tpu.memory_space<vmem>> -> memref<1x32x256xf32, #tpu.memory_space<vmem>>
        %dma_start3A_88 = tpu.memref_squeeze %dma_start3A_87 : memref<1x32x256xf32, #tpu.memory_space<vmem>> -> memref<32x256xf32, #tpu.memory_space<vmem>>
        %dma_start3A_89 = arith.constant 0 : i32
        %dma_start3A_90 = tpu.memref_slice %arg3[%dma_start3A_89, %multiple_of3A] : memref<32x1000000xf32, #tpu.memory_space<hbm>> -> memref<32x256xf32, #tpu.memory_space<hbm>>
        tpu.enqueue_dma source(%dma_start3A_90 : memref<32x256xf32, #tpu.memory_space<hbm>>) target(%dma_start3A_88 : memref<32x256xf32, #tpu.memory_space<vmem>>) target_semaphore(%dma_start3A_84 : memref<!tpu.dma_semaphore, #tpu.memory_space<semaphore_mem>>)
      } else {
      }
      %gt3A_25 = arith.constant 1 : i32
      %gt3A_26 = arith.cmpi sgt, %select_n3A_5, %gt3A_25 : i32
      %convert_element_type3A_27 = arith.extui %gt3A_26 : i1 to i32
      %cond3A_28 = arith.constant 0 : i32
      %cond3A_29 = arith.cmpi ne, %convert_element_type3A_27, %cond3A_28 : i32
      scf.if %cond3A_29 {
        %add3A_74 = arith.constant 256 : i32
        %add3A_75 = arith.addi %mul3A_0, %add3A_74 : i32
        %multiple_of3A = tpu.assume_multiple %add3A_75, 128 : i32
        %dma_start3A = arith.constant 1 : i32
        %dma_start3A_76 = arith.constant 1 : i32
        %dma_start3A_77 = arith.constant 0 : i32
        %dma_start3A_78 = arith.constant 0 : i32
        %dma_start3A_79 = tpu.memref_slice %arg20[%dma_start3A, %dma_start3A_77, %dma_start3A_78] : memref<6x32x256xf32, #tpu.memory_space<vmem>> -> memref<1x32x256xf32, #tpu.memory_space<vmem>>
        %dma_start3A_80 = tpu.memref_squeeze %dma_start3A_79 : memref<1x32x256xf32, #tpu.memory_space<vmem>> -> memref<32x256xf32, #tpu.memory_space<vmem>>
        %dma_start3A_81 = arith.constant 0 : i32
        %dma_start3A_82 = tpu.memref_slice %arg3[%dma_start3A_81, %multiple_of3A] : memref<32x1000000xf32, #tpu.memory_space<hbm>> -> memref<32x256xf32, #tpu.memory_space<hbm>>
        %dma_start3A_83 = tpu.memref_slice %arg18[%dma_start3A_76] : memref<6x!tpu.dma_semaphore, #tpu.memory_space<semaphore_mem>> -> memref<1x!tpu.dma_semaphore, #tpu.memory_space<semaphore_mem>>
        %dma_start3A_84 = tpu.memref_squeeze %dma_start3A_83 : memref<1x!tpu.dma_semaphore, #tpu.memory_space<semaphore_mem>> -> memref<!tpu.dma_semaphore, #tpu.memory_space<semaphore_mem>>
        %dma_start3A_85 = arith.constant 0 : i32
        %dma_start3A_86 = arith.constant 0 : i32
        %dma_start3A_87 = tpu.memref_slice %arg20[%dma_start3A, %dma_start3A_85, %dma_start3A_86] : memref<6x32x256xf32, #tpu.memory_space<vmem>> -> memref<1x32x256xf32, #tpu.memory_space<vmem>>
        %dma_start3A_88 = tpu.memref_squeeze %dma_start3A_87 : memref<1x32x256xf32, #tpu.memory_space<vmem>> -> memref<32x256xf32, #tpu.memory_space<vmem>>
        %dma_start3A_89 = arith.constant 0 : i32
        %dma_start3A_90 = tpu.memref_slice %arg3[%dma_start3A_89, %multiple_of3A] : memref<32x1000000xf32, #tpu.memory_space<hbm>> -> memref<32x256xf32, #tpu.memory_space<hbm>>
        tpu.enqueue_dma source(%dma_start3A_90 : memref<32x256xf32, #tpu.memory_space<hbm>>) target(%dma_start3A_88 : memref<32x256xf32, #tpu.memory_space<vmem>>) target_semaphore(%dma_start3A_84 : memref<!tpu.dma_semaphore, #tpu.memory_space<semaphore_mem>>)
      } else {
      }
      %gt3A_30 = arith.constant 2 : i32
      %gt3A_31 = arith.cmpi sgt, %select_n3A_5, %gt3A_30 : i32
      %convert_element_type3A_32 = arith.extui %gt3A_31 : i1 to i32
      %cond3A_33 = arith.constant 0 : i32
      %cond3A_34 = arith.cmpi ne, %convert_element_type3A_32, %cond3A_33 : i32
      scf.if %cond3A_34 {
        %add3A_74 = arith.constant 512 : i32
        %add3A_75 = arith.addi %mul3A_0, %add3A_74 : i32
        %multiple_of3A = tpu.assume_multiple %add3A_75, 128 : i32
        %dma_start3A = arith.constant 2 : i32
        %dma_start3A_76 = arith.constant 2 : i32
        %dma_start3A_77 = arith.constant 0 : i32
        %dma_start3A_78 = arith.constant 0 : i32
        %dma_start3A_79 = tpu.memref_slice %arg20[%dma_start3A, %dma_start3A_77, %dma_start3A_78] : memref<6x32x256xf32, #tpu.memory_space<vmem>> -> memref<1x32x256xf32, #tpu.memory_space<vmem>>
        %dma_start3A_80 = tpu.memref_squeeze %dma_start3A_79 : memref<1x32x256xf32, #tpu.memory_space<vmem>> -> memref<32x256xf32, #tpu.memory_space<vmem>>
        %dma_start3A_81 = arith.constant 0 : i32
        %dma_start3A_82 = tpu.memref_slice %arg3[%dma_start3A_81, %multiple_of3A] : memref<32x1000000xf32, #tpu.memory_space<hbm>> -> memref<32x256xf32, #tpu.memory_space<hbm>>
        %dma_start3A_83 = tpu.memref_slice %arg18[%dma_start3A_76] : memref<6x!tpu.dma_semaphore, #tpu.memory_space<semaphore_mem>> -> memref<1x!tpu.dma_semaphore, #tpu.memory_space<semaphore_mem>>
        %dma_start3A_84 = tpu.memref_squeeze %dma_start3A_83 : memref<1x!tpu.dma_semaphore, #tpu.memory_space<semaphore_mem>> -> memref<!tpu.dma_semaphore, #tpu.memory_space<semaphore_mem>>
        %dma_start3A_85 = arith.constant 0 : i32
        %dma_start3A_86 = arith.constant 0 : i32
        %dma_start3A_87 = tpu.memref_slice %arg20[%dma_start3A, %dma_start3A_85, %dma_start3A_86] : memref<6x32x256xf32, #tpu.memory_space<vmem>> -> memref<1x32x256xf32, #tpu.memory_space<vmem>>
        %dma_start3A_88 = tpu.memref_squeeze %dma_start3A_87 : memref<1x32x256xf32, #tpu.memory_space<vmem>> -> memref<32x256xf32, #tpu.memory_space<vmem>>
        %dma_start3A_89 = arith.constant 0 : i32
        %dma_start3A_90 = tpu.memref_slice %arg3[%dma_start3A_89, %multiple_of3A] : memref<32x1000000xf32, #tpu.memory_space<hbm>> -> memref<32x256xf32, #tpu.memory_space<hbm>>
        tpu.enqueue_dma source(%dma_start3A_90 : memref<32x256xf32, #tpu.memory_space<hbm>>) target(%dma_start3A_88 : memref<32x256xf32, #tpu.memory_space<vmem>>) target_semaphore(%dma_start3A_84 : memref<!tpu.dma_semaphore, #tpu.memory_space<semaphore_mem>>)
      } else {
      }
      %gt3A_35 = arith.constant 3 : i32
      %gt3A_36 = arith.cmpi sgt, %select_n3A_5, %gt3A_35 : i32
      %convert_element_type3A_37 = arith.extui %gt3A_36 : i1 to i32
      %cond3A_38 = arith.constant 0 : i32
      %cond3A_39 = arith.cmpi ne, %convert_element_type3A_37, %cond3A_38 : i32
      scf.if %cond3A_39 {
        %add3A_74 = arith.constant 768 : i32
        %add3A_75 = arith.addi %mul3A_0, %add3A_74 : i32
        %multiple_of3A = tpu.assume_multiple %add3A_75, 128 : i32
        %dma_start3A = arith.constant 3 : i32
        %dma_start3A_76 = arith.constant 3 : i32
        %dma_start3A_77 = arith.constant 0 : i32
        %dma_start3A_78 = arith.constant 0 : i32
        %dma_start3A_79 = tpu.memref_slice %arg20[%dma_start3A, %dma_start3A_77, %dma_start3A_78] : memref<6x32x256xf32, #tpu.memory_space<vmem>> -> memref<1x32x256xf32, #tpu.memory_space<vmem>>
        %dma_start3A_80 = tpu.memref_squeeze %dma_start3A_79 : memref<1x32x256xf32, #tpu.memory_space<vmem>> -> memref<32x256xf32, #tpu.memory_space<vmem>>
        %dma_start3A_81 = arith.constant 0 : i32
        %dma_start3A_82 = tpu.memref_slice %arg3[%dma_start3A_81, %multiple_of3A] : memref<32x1000000xf32, #tpu.memory_space<hbm>> -> memref<32x256xf32, #tpu.memory_space<hbm>>
        %dma_start3A_83 = tpu.memref_slice %arg18[%dma_start3A_76] : memref<6x!tpu.dma_semaphore, #tpu.memory_space<semaphore_mem>> -> memref<1x!tpu.dma_semaphore, #tpu.memory_space<semaphore_mem>>
        %dma_start3A_84 = tpu.memref_squeeze %dma_start3A_83 : memref<1x!tpu.dma_semaphore, #tpu.memory_space<semaphore_mem>> -> memref<!tpu.dma_semaphore, #tpu.memory_space<semaphore_mem>>
        %dma_start3A_85 = arith.constant 0 : i32
        %dma_start3A_86 = arith.constant 0 : i32
        %dma_start3A_87 = tpu.memref_slice %arg20[%dma_start3A, %dma_start3A_85, %dma_start3A_86] : memref<6x32x256xf32, #tpu.memory_space<vmem>> -> memref<1x32x256xf32, #tpu.memory_space<vmem>>
        %dma_start3A_88 = tpu.memref_squeeze %dma_start3A_87 : memref<1x32x256xf32, #tpu.memory_space<vmem>> -> memref<32x256xf32, #tpu.memory_space<vmem>>
        %dma_start3A_89 = arith.constant 0 : i32
        %dma_start3A_90 = tpu.memref_slice %arg3[%dma_start3A_89, %multiple_of3A] : memref<32x1000000xf32, #tpu.memory_space<hbm>> -> memref<32x256xf32, #tpu.memory_space<hbm>>
        tpu.enqueue_dma source(%dma_start3A_90 : memref<32x256xf32, #tpu.memory_space<hbm>>) target(%dma_start3A_88 : memref<32x256xf32, #tpu.memory_space<vmem>>) target_semaphore(%dma_start3A_84 : memref<!tpu.dma_semaphore, #tpu.memory_space<semaphore_mem>>)
      } else {
      }
      %gt3A_40 = arith.constant 4 : i32
      %gt3A_41 = arith.cmpi sgt, %select_n3A_5, %gt3A_40 : i32
      %convert_element_type3A_42 = arith.extui %gt3A_41 : i1 to i32
      %cond3A_43 = arith.constant 0 : i32
      %cond3A_44 = arith.cmpi ne, %convert_element_type3A_42, %cond3A_43 : i32
      scf.if %cond3A_44 {
        %add3A_74 = arith.constant 1024 : i32
        %add3A_75 = arith.addi %mul3A_0, %add3A_74 : i32
        %multiple_of3A = tpu.assume_multiple %add3A_75, 128 : i32
        %dma_start3A = arith.constant 4 : i32
        %dma_start3A_76 = arith.constant 4 : i32
        %dma_start3A_77 = arith.constant 0 : i32
        %dma_start3A_78 = arith.constant 0 : i32
        %dma_start3A_79 = tpu.memref_slice %arg20[%dma_start3A, %dma_start3A_77, %dma_start3A_78] : memref<6x32x256xf32, #tpu.memory_space<vmem>> -> memref<1x32x256xf32, #tpu.memory_space<vmem>>
        %dma_start3A_80 = tpu.memref_squeeze %dma_start3A_79 : memref<1x32x256xf32, #tpu.memory_space<vmem>> -> memref<32x256xf32, #tpu.memory_space<vmem>>
        %dma_start3A_81 = arith.constant 0 : i32
        %dma_start3A_82 = tpu.memref_slice %arg3[%dma_start3A_81, %multiple_of3A] : memref<32x1000000xf32, #tpu.memory_space<hbm>> -> memref<32x256xf32, #tpu.memory_space<hbm>>
        %dma_start3A_83 = tpu.memref_slice %arg18[%dma_start3A_76] : memref<6x!tpu.dma_semaphore, #tpu.memory_space<semaphore_mem>> -> memref<1x!tpu.dma_semaphore, #tpu.memory_space<semaphore_mem>>
        %dma_start3A_84 = tpu.memref_squeeze %dma_start3A_83 : memref<1x!tpu.dma_semaphore, #tpu.memory_space<semaphore_mem>> -> memref<!tpu.dma_semaphore, #tpu.memory_space<semaphore_mem>>
        %dma_start3A_85 = arith.constant 0 : i32
        %dma_start3A_86 = arith.constant 0 : i32
        %dma_start3A_87 = tpu.memref_slice %arg20[%dma_start3A, %dma_start3A_85, %dma_start3A_86] : memref<6x32x256xf32, #tpu.memory_space<vmem>> -> memref<1x32x256xf32, #tpu.memory_space<vmem>>
        %dma_start3A_88 = tpu.memref_squeeze %dma_start3A_87 : memref<1x32x256xf32, #tpu.memory_space<vmem>> -> memref<32x256xf32, #tpu.memory_space<vmem>>
        %dma_start3A_89 = arith.constant 0 : i32
        %dma_start3A_90 = tpu.memref_slice %arg3[%dma_start3A_89, %multiple_of3A] : memref<32x1000000xf32, #tpu.memory_space<hbm>> -> memref<32x256xf32, #tpu.memory_space<hbm>>
        tpu.enqueue_dma source(%dma_start3A_90 : memref<32x256xf32, #tpu.memory_space<hbm>>) target(%dma_start3A_88 : memref<32x256xf32, #tpu.memory_space<vmem>>) target_semaphore(%dma_start3A_84 : memref<!tpu.dma_semaphore, #tpu.memory_space<semaphore_mem>>)
      } else {
      }
      %scan3A_45 = arith.constant 0 : i32
      %scan3A_46 = arith.constant 0 : i32
      %scan3A_47 = arith.constant 4 : i32
      %scan3A_48 = arith.addi %scan3A_46, %scan3A_47 : i32
      %scan3A_49 = arith.constant 1 : i32
      %scan3A_50 = scf.for %scan3A_74 = %scan3A_46 to %scan3A_48 step %scan3A_49 iter_args(%scan3A_75 = %scan3A_45) -> (i32)  : i32 {
        %mul3A_76 = arith.constant 8192 : i32
        %mul3A_77 = arith.muli %scan3A_74, %mul3A_76 : i32
        "tpu.region"() ({
          %run_scoped3A = tpu.sem_alloc : memref<!tpu.dma_semaphore, #tpu.memory_space<semaphore_mem>>
          %dma_start3A = tpu.memref_slice %arg2[%mul3A_77] : memref<32768xi32, #tpu.memory_space<hbm>> -> memref<8192xi32, #tpu.memory_space<hbm>>
          %dma_start3A_84 = tpu.memref_slice %arg2[%mul3A_77] : memref<32768xi32, #tpu.memory_space<hbm>> -> memref<8192xi32, #tpu.memory_space<hbm>>
          tpu.enqueue_dma source(%dma_start3A_84 : memref<8192xi32, #tpu.memory_space<hbm>>) target(%arg15 : memref<8192xi32, #tpu.memory_space<vmem>>) target_semaphore(%run_scoped3A : memref<!tpu.dma_semaphore, #tpu.memory_space<semaphore_mem>>)
          %dma_wait3A = tpu.memref_slice %arg2[%mul3A_77] : memref<32768xi32, #tpu.memory_space<hbm>> -> memref<8192xi32, #tpu.memory_space<hbm>>
          %dma_wait3A_85 = tpu.memref_slice %arg2[%mul3A_77] : memref<32768xi32, #tpu.memory_space<hbm>> -> memref<8192xi32, #tpu.memory_space<hbm>>
          tpu.wait_dma2 semaphore(%run_scoped3A : memref<!tpu.dma_semaphore, #tpu.memory_space<semaphore_mem>>) src(%dma_wait3A_85 : memref<8192xi32, #tpu.memory_space<hbm>>) dst(%arg15 : memref<8192xi32, #tpu.memory_space<vmem>>)
          tpu.yield
        }) : () -> ()
        %scan3A_78 = arith.constant 0 : i32
        %scan3A_79 = arith.constant 256 : i32
        %scan3A_80 = arith.addi %scan3A_78, %scan3A_79 : i32
        %scan3A_81 = arith.constant 1 : i32
        %scan3A_82 = scf.for %scan3A_84 = %scan3A_78 to %scan3A_80 step %scan3A_81 iter_args(%scan3A_85 = %scan3A_75) -> (i32)  : i32 {
          %mul3A_86 = arith.constant 16 : i32
          %mul3A_87 = arith.muli %scan3A_84, %mul3A_86 : i32
          %add3A_88 = vector.broadcast %mul3A_87 : i32 to vector<16xi32>
          %add3A_89 = arith.addi %add3A_88, %iota3A : vector<16xi32>
          %mul3A_90 = arith.constant 2 : i32
          %mul3A_91 = vector.broadcast %mul3A_90 : i32 to vector<16xi32>
          %mul3A_92 = arith.muli %add3A_89, %mul3A_91 : vector<16xi32>
          %add3A_93 = vector.broadcast %arg0 : i32 to vector<16xi32>
          %add3A_94 = arith.addi %mul3A_92, %add3A_93 : vector<16xi32>
          %gather3A = tpu.vector_load_idx %arg15[%add3A_94] : memref<8192xi32, #tpu.memory_space<vmem>>[vector<16xi32>], vector<16xi32>,
          %ge3A = vector.broadcast %mul3A_0 : i32 to vector<16xi32>
          %ge3A_95 = arith.cmpi sge, %gather3A, %ge3A : vector<16xi32>
          %lt3A_96 = vector.broadcast %select_n3A : i32 to vector<16xi32>
          %lt3A_97 = arith.cmpi slt, %gather3A, %lt3A_96 : vector<16xi32>
          %and3A = arith.andi %ge3A_95, %lt3A_97 : vector<16xi1>
          %swap3A = arith.index_cast %scan3A_85 : i32 to index
          %swap3A_98 = tpu.vector_load %arg12[%swap3A] masked %and3A {strides = array<i32>} : memref<16400xi32, #tpu.memory_space<vmem>>, vector<16xi32>, vector<16xi1>
          tpu.vector_store %arg12[%swap3A], %gather3A masked %and3A {strides = array<i32>} : memref<16400xi32, #tpu.memory_space<vmem>>, vector<16xi32>, vector<16xi1>
          %mul3A_99 = arith.constant 4096 : i32
          %mul3A_100 = arith.muli %scan3A_74, %mul3A_99 : i32
          %mul3A_101 = arith.constant 16 : i32
          %mul3A_102 = arith.muli %scan3A_84, %mul3A_101 : i32
          %add3A_103 = arith.addi %mul3A_100, %mul3A_102 : i32
          %add3A_104 = vector.broadcast %add3A_103 : i32 to vector<16xi32>
          %add3A_105 = arith.addi %add3A_104, %iota3A : vector<16xi32>
          %swap3A_106 = arith.index_cast %scan3A_85 : i32 to index
          %swap3A_107 = tpu.vector_load %arg13[%swap3A_106] masked %and3A {strides = array<i32>} : memref<16400xi32, #tpu.memory_space<vmem>>, vector<16xi32>, vector<16xi1>
          tpu.vector_store %arg13[%swap3A_106], %add3A_105 masked %and3A {strides = array<i32>} : memref<16400xi32, #tpu.memory_space<vmem>>, vector<16xi32>, vector<16xi1>
          %all_reduce_population_count3A = tpu.all_reduce %and3A {dim = 0 : i64, kind = #tpu.reduction_kind<sum>} : vector<16xi1> -> vector<16xi32>
          %slice3A = vector.extract_strided_slice %all_reduce_population_count3A {offsets = [0], sizes = [1], strides = [1]} : vector<16xi32> to vector<1xi32>
          %squeeze3A = vector.extract %slice3A[0] : i32 from vector<1xi32>
          %add3A_108 = arith.addi %scan3A_85, %squeeze3A : i32
          scf.yield %add3A_108 : i32
        }
        %scan3A_83 = arith.constant 256 : i32
        scf.yield %scan3A_82 : i32
      }
      %scan3A_51 = arith.constant 4 : i32
      %while3A = arith.constant 0 : i32
      %while3A_52 = arith.constant 0 : i32
      %while3A_53 = arith.subi %scan3A_50, %while3A_52 : i32
      %while3A_54 = arith.addi %while3A_52, %while3A_53 : i32
      %while3A_55 = arith.constant 1 : i32
      %while3A_56 = arith.divsi %while3A_53, %while3A_55 : i32
      %while3A_57 = arith.muli %while3A_56, %while3A_55 : i32
      %while3A_58 = arith.addi %while3A_52, %while3A_57 : i32
      %while3A_59 = arith.constant 1 : i32
      scf.for %while3A_74 = %while3A_52 to %while3A_58 step %while3A_59  : i32 {
        %get3A = arith.index_cast %while3A_74 : i32 to index
        %get3A_75 = tpu.vector_load %arg12[%get3A] {strides = array<i32>} : memref<16400xi32, #tpu.memory_space<vmem>>, vector<16xi32>,
        %slice3A = vector.extract_strided_slice %get3A_75 {offsets = [0], sizes = [1], strides = [1]} : vector<16xi32> to vector<1xi32>
        %squeeze3A = vector.extract %slice3A[0] : i32 from vector<1xi32>
        %get3A_76 = arith.index_cast %while3A_74 : i32 to index
        %get3A_77 = tpu.vector_load %arg13[%get3A_76] {strides = array<i32>} : memref<16400xi32, #tpu.memory_space<vmem>>, vector<16xi32>,
        %slice3A_78 = vector.extract_strided_slice %get3A_77 {offsets = [0], sizes = [1], strides = [1]} : vector<16xi32> to vector<1xi32>
        %squeeze3A_79 = vector.extract %slice3A_78[0] : i32 from vector<1xi32>
        %sub3A = arith.subi %squeeze3A, %mul3A_0 : i32
        %jit3A_80 = arith.constant 256 : i32
        %div3A = arith.divsi %sub3A, %jit3A_80 : i32
        %sign3A = arith.constant 0 : i32
        %sign3A_81 = arith.cmpi sgt, %sub3A, %sign3A : i32
        %sign3A_82 = arith.extui %sign3A_81 : i1 to i32
        %sign3A_83 = arith.constant 0 : i32
        %sign3A_84 = arith.cmpi slt, %sub3A, %sign3A_83 : i32
        %sign3A_85 = arith.extui %sign3A_84 : i1 to i32
        %sign3A_86 = arith.subi %sign3A_82, %sign3A_85 : i32
        %sign3A_87 = arith.constant 0 : i32
        %sign3A_88 = arith.cmpi sgt, %jit3A_80, %sign3A_87 : i32
        %sign3A_89 = arith.extui %sign3A_88 : i1 to i32
        %sign3A_90 = arith.constant 0 : i32
        %sign3A_91 = arith.cmpi slt, %jit3A_80, %sign3A_90 : i32
        %sign3A_92 = arith.extui %sign3A_91 : i1 to i32
        %sign3A_93 = arith.subi %sign3A_89, %sign3A_92 : i32
        %ne3A = arith.cmpi ne, %sign3A_86, %sign3A_93 : i32
        %rem3A = arith.remsi %sub3A, %jit3A_80 : i32
        %ne3A_94 = arith.constant 0 : i32
        %ne3A_95 = arith.cmpi ne, %rem3A, %ne3A_94 : i32
        %and3A = arith.andi %ne3A, %ne3A_95 : i1
        %sub3A_96 = arith.constant 1 : i32
        %sub3A_97 = arith.subi %div3A, %sub3A_96 : i32
        %select_n3A_98 = arith.select %and3A, %sub3A_97, %div3A : i32
        %get3A_99 = arith.index_cast %select_n3A_98 : i32 to index
        %get3A_100 = memref.load %arg11[%get3A_99] : memref<247xi32, #tpu.memory_space<smem>>
        %add3A_101 = arith.constant 1 : i32
        %add3A_102 = arith.addi %get3A_100, %add3A_101 : i32
        %swap3A = arith.index_cast %select_n3A_98 : i32 to index
        %swap3A_103 = memref.load %arg11[%swap3A] : memref<247xi32, #tpu.memory_space<smem>>
        memref.store %add3A_102, %arg11[%swap3A] : memref<247xi32, #tpu.memory_space<smem>>
        %lt3A_104 = arith.constant 16 : i32
        %lt3A_105 = arith.cmpi slt, %get3A_100, %lt3A_104 : i32
        %convert_element_type3A_106 = arith.extui %lt3A_105 : i1 to i32
        %cond3A_107 = arith.constant 0 : i32
        %cond3A_108 = arith.cmpi ne, %convert_element_type3A_106, %cond3A_107 : i32
        scf.if %cond3A_108 {
          %mul3A_113 = arith.constant 16 : i32
          %mul3A_114 = arith.muli %select_n3A_98, %mul3A_113 : i32
          %add3A_115 = arith.addi %mul3A_114, %get3A_100 : i32
          %broadcast_in_dim3A = vector.broadcast %add3A_115 : i32 to vector<16xi32>
          %broadcast_in_dim3A_116 = vector.broadcast %squeeze3A : i32 to vector<16xi32>
          tpu.vector_store_idx %arg9[%broadcast_in_dim3A], %broadcast_in_dim3A_116 masked %lt3A_7 : memref<3968xi32, #tpu.memory_space<vmem>>[vector<16xi32>], vector<16xi32>, vector<16xi1>
          %broadcast_in_dim3A_117 = vector.broadcast %squeeze3A_79 : i32 to vector<16xi32>
          tpu.vector_store_idx %arg10[%broadcast_in_dim3A], %broadcast_in_dim3A_117 masked %lt3A_7 : memref<3968xi32, #tpu.memory_space<vmem>>[vector<16xi32>], vector<16xi32>, vector<16xi1>
        } else {
        }
        %ge3A = arith.constant 16 : i32
        %ge3A_109 = arith.cmpi sge, %get3A_100, %ge3A : i32
        %convert_element_type3A_110 = arith.extui %ge3A_109 : i1 to i32
        %cond3A_111 = arith.constant 0 : i32
        %cond3A_112 = arith.cmpi ne, %convert_element_type3A_110, %cond3A_111 : i32
        scf.if %cond3A_112 {
          %jit3A_113 = arith.constant 128 : i32
          %div3A_114 = arith.divsi %squeeze3A, %jit3A_113 : i32
          %sign3A_115 = arith.constant 0 : i32
          %sign3A_116 = arith.cmpi sgt, %squeeze3A, %sign3A_115 : i32
          %sign3A_117 = arith.extui %sign3A_116 : i1 to i32
          %sign3A_118 = arith.constant 0 : i32
          %sign3A_119 = arith.cmpi slt, %squeeze3A, %sign3A_118 : i32
          %sign3A_120 = arith.extui %sign3A_119 : i1 to i32
          %sign3A_121 = arith.subi %sign3A_117, %sign3A_120 : i32
          %sign3A_122 = arith.constant 0 : i32
          %sign3A_123 = arith.cmpi sgt, %jit3A_113, %sign3A_122 : i32
          %sign3A_124 = arith.extui %sign3A_123 : i1 to i32
          %sign3A_125 = arith.constant 0 : i32
          %sign3A_126 = arith.cmpi slt, %jit3A_113, %sign3A_125 : i32
          %sign3A_127 = arith.extui %sign3A_126 : i1 to i32
          %sign3A_128 = arith.subi %sign3A_124, %sign3A_127 : i32
          %ne3A_129 = arith.cmpi ne, %sign3A_121, %sign3A_128 : i32
          %rem3A_130 = arith.remsi %squeeze3A, %jit3A_113 : i32
          %ne3A_131 = arith.constant 0 : i32
          %ne3A_132 = arith.cmpi ne, %rem3A_130, %ne3A_131 : i32
          %and3A_133 = arith.andi %ne3A_129, %ne3A_132 : i1
          %sub3A_134 = arith.constant 1 : i32
          %sub3A_135 = arith.subi %div3A_114, %sub3A_134 : i32
          %select_n3A_136 = arith.select %and3A_133, %sub3A_135, %div3A_114 : i32
          %mul3A_137 = arith.constant 128 : i32
          %mul3A_138 = arith.muli %select_n3A_136, %mul3A_137 : i32
          %min3A = arith.constant 999808 : i32
          %min3A_139 = arith.minsi %mul3A_138, %min3A : i32
          %multiple_of3A = tpu.assume_multiple %min3A_139, 128 : i32
          "tpu.region"() ({
            %run_scoped3A_186 = tpu.sem_alloc : memref<!tpu.dma_semaphore, #tpu.memory_space<semaphore_mem>>
            %dma_start3A = arith.constant 0 : i32
            %dma_start3A_187 = tpu.memref_slice %arg3[%dma_start3A, %multiple_of3A] : memref<32x1000000xf32, #tpu.memory_space<hbm>> -> memref<32x128xf32, #tpu.memory_space<hbm>>
            %dma_start3A_188 = arith.constant 0 : i32
            %dma_start3A_189 = tpu.memref_slice %arg3[%dma_start3A_188, %multiple_of3A] : memref<32x1000000xf32, #tpu.memory_space<hbm>> -> memref<32x128xf32, #tpu.memory_space<hbm>>
            tpu.enqueue_dma source(%dma_start3A_189 : memref<32x128xf32, #tpu.memory_space<hbm>>) target(%arg14 : memref<32x128xf32, #tpu.memory_space<vmem>>) target_semaphore(%run_scoped3A_186 : memref<!tpu.dma_semaphore, #tpu.memory_space<semaphore_mem>>)
            %dma_wait3A = arith.constant 0 : i32
            %dma_wait3A_190 = tpu.memref_slice %arg3[%dma_wait3A, %multiple_of3A] : memref<32x1000000xf32, #tpu.memory_space<hbm>> -> memref<32x128xf32, #tpu.memory_space<hbm>>
            %dma_wait3A_191 = arith.constant 0 : i32
            %dma_wait3A_192 = tpu.memref_slice %arg3[%dma_wait3A_191, %multiple_of3A] : memref<32x1000000xf32, #tpu.memory_space<hbm>> -> memref<32x128xf32, #tpu.memory_space<hbm>>
            tpu.wait_dma2 semaphore(%run_scoped3A_186 : memref<!tpu.dma_semaphore, #tpu.memory_space<semaphore_mem>>) src(%dma_wait3A_192 : memref<32x128xf32, #tpu.memory_space<hbm>>) dst(%arg14 : memref<32x128xf32, #tpu.memory_space<vmem>>)
            tpu.yield
          }) : () -> ()
          %jit3A_140 = arith.constant 128 : i32
          %eq3A_141 = arith.constant 0 : i32
          %eq3A_142 = arith.cmpi eq, %jit3A_140, %eq3A_141 : i32
          %jit3A_143 = arith.constant 1 : i32
          %select_n3A_144 = arith.select %eq3A_142, %jit3A_143, %jit3A_140 : i32
          %rem3A_145 = arith.remsi %squeeze3A, %select_n3A_144 : i32
          %ne3A_146 = arith.constant 0 : i32
          %ne3A_147 = arith.cmpi ne, %rem3A_145, %ne3A_146 : i32
          %lt3A_148 = arith.constant 0 : i32
          %lt3A_149 = arith.cmpi slt, %rem3A_145, %lt3A_148 : i32
          %lt3A_150 = arith.constant 0 : i32
          %lt3A_151 = arith.cmpi slt, %select_n3A_144, %lt3A_150 : i32
          %ne3A_152 = arith.xori %lt3A_149, %lt3A_151 : i1
          %and3A_153 = arith.andi %ne3A_152, %ne3A_147 : i1
          %add3A_154 = arith.addi %rem3A_145, %select_n3A_144 : i32
          %select_n3A_155 = arith.select %and3A_153, %add3A_154, %rem3A_145 : i32
          %broadcast_in_dim3A = vector.broadcast %select_n3A_155 : i32 to vector<16xi32>
          %gather3A = tpu.vector_load_idx %arg14[%iota3A, %broadcast_in_dim3A] : memref<32x128xf32, #tpu.memory_space<vmem>>[vector<16xi32>, vector<16xi32>], vector<16xf32>,
          %add3A_156 = arith.constant 16 : i32
          %add3A_157 = vector.broadcast %add3A_156 : i32 to vector<16xi32>
          %add3A_158 = arith.addi %iota3A, %add3A_157 : vector<16xi32>
          %gather3A_159 = tpu.vector_load_idx %arg14[%add3A_158, %broadcast_in_dim3A] : memref<32x128xf32, #tpu.memory_space<vmem>>[vector<16xi32>, vector<16xi32>], vector<16xf32>,
          %sub3A_160 = arith.constant 999936 : i32
          %sub3A_161 = arith.subi %squeeze3A, %sub3A_160 : i32
          %max3A = arith.constant 0 : i32
          %max3A_162 = arith.maxsi %sub3A_161, %max3A : i32
          %mul3A_163 = arith.constant 32 : i32
          %mul3A_164 = arith.muli %max3A_162, %mul3A_163 : i32
          %mul3A_165 = arith.constant 2048 : i32
          %mul3A_166 = arith.muli %arg0, %mul3A_165 : i32
          %add3A_167 = arith.addi %mul3A_164, %mul3A_166 : i32
          %add3A_168 = vector.broadcast %add3A_167 : i32 to vector<16xi32>
          %add3A_169 = arith.addi %add3A_168, %iota3A : vector<16xi32>
          %gather3A_170 = tpu.vector_load_idx %arg19[%add3A_169] : memref<4096xf32, #tpu.memory_space<vmem>>[vector<16xi32>], vector<16xf32>,
          %add3A_171 = arith.constant 16 : i32
          %add3A_172 = arith.addi %add3A_167, %add3A_171 : i32
          %add3A_173 = vector.broadcast %add3A_172 : i32 to vector<16xi32>
          %add3A_174 = arith.addi %add3A_173, %iota3A : vector<16xi32>
          %gather3A_175 = tpu.vector_load_idx %arg19[%add3A_174] : memref<4096xf32, #tpu.memory_space<vmem>>[vector<16xi32>], vector<16xf32>,
          %ge3A_176 = arith.constant 999936 : i32
          %ge3A_177 = arith.cmpi sge, %squeeze3A, %ge3A_176 : i32
          %broadcast_in_dim3A_178 = vector.broadcast %ge3A_177 : i1 to vector<16xi1>
          %select_n3A_179 = arith.select %broadcast_in_dim3A_178, %gather3A_170, %gather3A : vector<16xi1>, vector<16xf32>
          %select_n3A_180 = arith.select %broadcast_in_dim3A_178, %gather3A_175, %gather3A_159 : vector<16xi1>, vector<16xf32>
          %broadcast_in_dim3A_181 = arith.constant 0 : i32
          %broadcast_in_dim3A_182 = vector.broadcast %broadcast_in_dim3A_181 : i32 to vector<16xi32>
          tpu.vector_store_idx %arg16[%broadcast_in_dim3A_182, %iota3A], %select_n3A_179 : memref<16x32xf32, #tpu.memory_space<vmem>>[vector<16xi32>, vector<16xi32>], vector<16xf32>,
          %add3A_183 = arith.constant 16 : i32
          %add3A_184 = vector.broadcast %add3A_183 : i32 to vector<16xi32>
          %add3A_185 = arith.addi %iota3A, %add3A_184 : vector<16xi32>
          tpu.vector_store_idx %arg16[%broadcast_in_dim3A_182, %add3A_185], %select_n3A_180 : memref<16x32xf32, #tpu.memory_space<vmem>>[vector<16xi32>, vector<16xi32>], vector<16xf32>,
          %run_scoped3A = arith.constant 0 : i32
          "tpu.region"() ({
            %run_scoped3A_186 = tpu.sem_alloc : memref<!tpu.dma_semaphore, #tpu.memory_space<semaphore_mem>>
            %dma_start3A = arith.constant 0 : i32
            %dma_start3A_187 = tpu.memref_slice %arg16[%run_scoped3A, %dma_start3A] : memref<16x32xf32, #tpu.memory_space<vmem>> -> memref<1x32xf32, #tpu.memory_space<vmem>>
            %dma_start3A_188 = tpu.memref_squeeze %dma_start3A_187 : memref<1x32xf32, #tpu.memory_space<vmem>> -> memref<32xf32, #tpu.memory_space<vmem>>
            %dma_start3A_189 = arith.constant 0 : i32
            %dma_start3A_190 = tpu.memref_slice %arg7[%squeeze3A_79, %dma_start3A_189] : memref<16384x32xf32, #tpu.memory_space<hbm>> -> memref<1x32xf32, #tpu.memory_space<hbm>>
            %dma_start3A_191 = tpu.memref_squeeze %dma_start3A_190 : memref<1x32xf32, #tpu.memory_space<hbm>> -> memref<32xf32, #tpu.memory_space<hbm>>
            %dma_start3A_192 = arith.constant 0 : i32
            %dma_start3A_193 = tpu.memref_slice %arg7[%squeeze3A_79, %dma_start3A_192] : memref<16384x32xf32, #tpu.memory_space<hbm>> -> memref<1x32xf32, #tpu.memory_space<hbm>>
            %dma_start3A_194 = tpu.memref_squeeze %dma_start3A_193 : memref<1x32xf32, #tpu.memory_space<hbm>> -> memref<32xf32, #tpu.memory_space<hbm>>
            %dma_start3A_195 = arith.constant 0 : i32
            %dma_start3A_196 = tpu.memref_slice %arg16[%run_scoped3A, %dma_start3A_195] : memref<16x32xf32, #tpu.memory_space<vmem>> -> memref<1x32xf32, #tpu.memory_space<vmem>>
            %dma_start3A_197 = tpu.memref_squeeze %dma_start3A_196 : memref<1x32xf32, #tpu.memory_space<vmem>> -> memref<32xf32, #tpu.memory_space<vmem>>
            tpu.enqueue_dma source(%dma_start3A_197 : memref<32xf32, #tpu.memory_space<vmem>>) target(%dma_start3A_194 : memref<32xf32, #tpu.memory_space<hbm>>) target_semaphore(%run_scoped3A_186 : memref<!tpu.dma_semaphore, #tpu.memory_space<semaphore_mem>>)
            %dma_wait3A = arith.constant 0 : i32
            %dma_wait3A_198 = tpu.memref_slice %arg16[%run_scoped3A, %dma_wait3A] : memref<16x32xf32, #tpu.memory_space<vmem>> -> memref<1x32xf32, #tpu.memory_space<vmem>>
            %dma_wait3A_199 = tpu.memref_squeeze %dma_wait3A_198 : memref<1x32xf32, #tpu.memory_space<vmem>> -> memref<32xf32, #tpu.memory_space<vmem>>
            %dma_wait3A_200 = arith.constant 0 : i32
            %dma_wait3A_201 = tpu.memref_slice %arg7[%squeeze3A_79, %dma_wait3A_200] : memref<16384x32xf32, #tpu.memory_space<hbm>> -> memref<1x32xf32, #tpu.memory_space<hbm>>
            %dma_wait3A_202 = tpu.memref_squeeze %dma_wait3A_201 : memref<1x32xf32, #tpu.memory_space<hbm>> -> memref<32xf32, #tpu.memory_space<hbm>>
            %dma_wait3A_203 = arith.constant 0 : i32
            %dma_wait3A_204 = tpu.memref_slice %arg7[%squeeze3A_79, %dma_wait3A_203] : memref<16384x32xf32, #tpu.memory_space<hbm>> -> memref<1x32xf32, #tpu.memory_space<hbm>>
            %dma_wait3A_205 = tpu.memref_squeeze %dma_wait3A_204 : memref<1x32xf32, #tpu.memory_space<hbm>> -> memref<32xf32, #tpu.memory_space<hbm>>
            %dma_wait3A_206 = arith.constant 0 : i32
            %dma_wait3A_207 = tpu.memref_slice %arg16[%run_scoped3A, %dma_wait3A_206] : memref<16x32xf32, #tpu.memory_space<vmem>> -> memref<1x32xf32, #tpu.memory_space<vmem>>
            %dma_wait3A_208 = tpu.memref_squeeze %dma_wait3A_207 : memref<1x32xf32, #tpu.memory_space<vmem>> -> memref<32xf32, #tpu.memory_space<vmem>>
            tpu.wait_dma2 semaphore(%run_scoped3A_186 : memref<!tpu.dma_semaphore, #tpu.memory_space<semaphore_mem>>) src(%dma_wait3A_208 : memref<32xf32, #tpu.memory_space<vmem>>) dst(%dma_wait3A_205 : memref<32xf32, #tpu.memory_space<hbm>>)
            tpu.yield
          }) : () -> ()
        } else {
        }
      }
      %while3A_60 = arith.constant 1 : i32
      scf.for %while3A_74 = %while3A_58 to %while3A_54 step %while3A_60  : i32 {
        %get3A = arith.index_cast %while3A_74 : i32 to index
        %get3A_75 = tpu.vector_load %arg12[%get3A] {strides = array<i32>} : memref<16400xi32, #tpu.memory_space<vmem>>, vector<16xi32>,
        %slice3A = vector.extract_strided_slice %get3A_75 {offsets = [0], sizes = [1], strides = [1]} : vector<16xi32> to vector<1xi32>
        %squeeze3A = vector.extract %slice3A[0] : i32 from vector<1xi32>
        %get3A_76 = arith.index_cast %while3A_74 : i32 to index
        %get3A_77 = tpu.vector_load %arg13[%get3A_76] {strides = array<i32>} : memref<16400xi32, #tpu.memory_space<vmem>>, vector<16xi32>,
        %slice3A_78 = vector.extract_strided_slice %get3A_77 {offsets = [0], sizes = [1], strides = [1]} : vector<16xi32> to vector<1xi32>
        %squeeze3A_79 = vector.extract %slice3A_78[0] : i32 from vector<1xi32>
        %sub3A = arith.subi %squeeze3A, %mul3A_0 : i32
        %jit3A_80 = arith.constant 256 : i32
        %div3A = arith.divsi %sub3A, %jit3A_80 : i32
        %sign3A = arith.constant 0 : i32
        %sign3A_81 = arith.cmpi sgt, %sub3A, %sign3A : i32
        %sign3A_82 = arith.extui %sign3A_81 : i1 to i32
        %sign3A_83 = arith.constant 0 : i32
        %sign3A_84 = arith.cmpi slt, %sub3A, %sign3A_83 : i32
        %sign3A_85 = arith.extui %sign3A_84 : i1 to i32
        %sign3A_86 = arith.subi %sign3A_82, %sign3A_85 : i32
        %sign3A_87 = arith.constant 0 : i32
        %sign3A_88 = arith.cmpi sgt, %jit3A_80, %sign3A_87 : i32
        %sign3A_89 = arith.extui %sign3A_88 : i1 to i32
        %sign3A_90 = arith.constant 0 : i32
        %sign3A_91 = arith.cmpi slt, %jit3A_80, %sign3A_90 : i32
        %sign3A_92 = arith.extui %sign3A_91 : i1 to i32
        %sign3A_93 = arith.subi %sign3A_89, %sign3A_92 : i32
        %ne3A = arith.cmpi ne, %sign3A_86, %sign3A_93 : i32
        %rem3A = arith.remsi %sub3A, %jit3A_80 : i32
        %ne3A_94 = arith.constant 0 : i32
        %ne3A_95 = arith.cmpi ne, %rem3A, %ne3A_94 : i32
        %and3A = arith.andi %ne3A, %ne3A_95 : i1
        %sub3A_96 = arith.constant 1 : i32
        %sub3A_97 = arith.subi %div3A, %sub3A_96 : i32
        %select_n3A_98 = arith.select %and3A, %sub3A_97, %div3A : i32
        %get3A_99 = arith.index_cast %select_n3A_98 : i32 to index
        %get3A_100 = memref.load %arg11[%get3A_99] : memref<247xi32, #tpu.memory_space<smem>>
        %add3A_101 = arith.constant 1 : i32
        %add3A_102 = arith.addi %get3A_100, %add3A_101 : i32
        %swap3A = arith.index_cast %select_n3A_98 : i32 to index
        %swap3A_103 = memref.load %arg11[%swap3A] : memref<247xi32, #tpu.memory_space<smem>>
        memref.store %add3A_102, %arg11[%swap3A] : memref<247xi32, #tpu.memory_space<smem>>
        %lt3A_104 = arith.constant 16 : i32
        %lt3A_105 = arith.cmpi slt, %get3A_100, %lt3A_104 : i32
        %convert_element_type3A_106 = arith.extui %lt3A_105 : i1 to i32
        %cond3A_107 = arith.constant 0 : i32
        %cond3A_108 = arith.cmpi ne, %convert_element_type3A_106, %cond3A_107 : i32
        scf.if %cond3A_108 {
          %mul3A_113 = arith.constant 16 : i32
          %mul3A_114 = arith.muli %select_n3A_98, %mul3A_113 : i32
          %add3A_115 = arith.addi %mul3A_114, %get3A_100 : i32
          %broadcast_in_dim3A = vector.broadcast %add3A_115 : i32 to vector<16xi32>
          %broadcast_in_dim3A_116 = vector.broadcast %squeeze3A : i32 to vector<16xi32>
          tpu.vector_store_idx %arg9[%broadcast_in_dim3A], %broadcast_in_dim3A_116 masked %lt3A_7 : memref<3968xi32, #tpu.memory_space<vmem>>[vector<16xi32>], vector<16xi32>, vector<16xi1>
          %broadcast_in_dim3A_117 = vector.broadcast %squeeze3A_79 : i32 to vector<16xi32>
          tpu.vector_store_idx %arg10[%broadcast_in_dim3A], %broadcast_in_dim3A_117 masked %lt3A_7 : memref<3968xi32, #tpu.memory_space<vmem>>[vector<16xi32>], vector<16xi32>, vector<16xi1>
        } else {
        }
        %ge3A = arith.constant 16 : i32
        %ge3A_109 = arith.cmpi sge, %get3A_100, %ge3A : i32
        %convert_element_type3A_110 = arith.extui %ge3A_109 : i1 to i32
        %cond3A_111 = arith.constant 0 : i32
        %cond3A_112 = arith.cmpi ne, %convert_element_type3A_110, %cond3A_111 : i32
        scf.if %cond3A_112 {
          %jit3A_113 = arith.constant 128 : i32
          %div3A_114 = arith.divsi %squeeze3A, %jit3A_113 : i32
          %sign3A_115 = arith.constant 0 : i32
          %sign3A_116 = arith.cmpi sgt, %squeeze3A, %sign3A_115 : i32
          %sign3A_117 = arith.extui %sign3A_116 : i1 to i32
          %sign3A_118 = arith.constant 0 : i32
          %sign3A_119 = arith.cmpi slt, %squeeze3A, %sign3A_118 : i32
          %sign3A_120 = arith.extui %sign3A_119 : i1 to i32
          %sign3A_121 = arith.subi %sign3A_117, %sign3A_120 : i32
          %sign3A_122 = arith.constant 0 : i32
          %sign3A_123 = arith.cmpi sgt, %jit3A_113, %sign3A_122 : i32
          %sign3A_124 = arith.extui %sign3A_123 : i1 to i32
          %sign3A_125 = arith.constant 0 : i32
          %sign3A_126 = arith.cmpi slt, %jit3A_113, %sign3A_125 : i32
          %sign3A_127 = arith.extui %sign3A_126 : i1 to i32
          %sign3A_128 = arith.subi %sign3A_124, %sign3A_127 : i32
          %ne3A_129 = arith.cmpi ne, %sign3A_121, %sign3A_128 : i32
          %rem3A_130 = arith.remsi %squeeze3A, %jit3A_113 : i32
          %ne3A_131 = arith.constant 0 : i32
          %ne3A_132 = arith.cmpi ne, %rem3A_130, %ne3A_131 : i32
          %and3A_133 = arith.andi %ne3A_129, %ne3A_132 : i1
          %sub3A_134 = arith.constant 1 : i32
          %sub3A_135 = arith.subi %div3A_114, %sub3A_134 : i32
          %select_n3A_136 = arith.select %and3A_133, %sub3A_135, %div3A_114 : i32
          %mul3A_137 = arith.constant 128 : i32
          %mul3A_138 = arith.muli %select_n3A_136, %mul3A_137 : i32
          %min3A = arith.constant 999808 : i32
          %min3A_139 = arith.minsi %mul3A_138, %min3A : i32
          %multiple_of3A = tpu.assume_multiple %min3A_139, 128 : i32
          "tpu.region"() ({
            %run_scoped3A_186 = tpu.sem_alloc : memref<!tpu.dma_semaphore, #tpu.memory_space<semaphore_mem>>
            %dma_start3A = arith.constant 0 : i32
            %dma_start3A_187 = tpu.memref_slice %arg3[%dma_start3A, %multiple_of3A] : memref<32x1000000xf32, #tpu.memory_space<hbm>> -> memref<32x128xf32, #tpu.memory_space<hbm>>
            %dma_start3A_188 = arith.constant 0 : i32
            %dma_start3A_189 = tpu.memref_slice %arg3[%dma_start3A_188, %multiple_of3A] : memref<32x1000000xf32, #tpu.memory_space<hbm>> -> memref<32x128xf32, #tpu.memory_space<hbm>>
            tpu.enqueue_dma source(%dma_start3A_189 : memref<32x128xf32, #tpu.memory_space<hbm>>) target(%arg14 : memref<32x128xf32, #tpu.memory_space<vmem>>) target_semaphore(%run_scoped3A_186 : memref<!tpu.dma_semaphore, #tpu.memory_space<semaphore_mem>>)
            %dma_wait3A = arith.constant 0 : i32
            %dma_wait3A_190 = tpu.memref_slice %arg3[%dma_wait3A, %multiple_of3A] : memref<32x1000000xf32, #tpu.memory_space<hbm>> -> memref<32x128xf32, #tpu.memory_space<hbm>>
            %dma_wait3A_191 = arith.constant 0 : i32
            %dma_wait3A_192 = tpu.memref_slice %arg3[%dma_wait3A_191, %multiple_of3A] : memref<32x1000000xf32, #tpu.memory_space<hbm>> -> memref<32x128xf32, #tpu.memory_space<hbm>>
            tpu.wait_dma2 semaphore(%run_scoped3A_186 : memref<!tpu.dma_semaphore, #tpu.memory_space<semaphore_mem>>) src(%dma_wait3A_192 : memref<32x128xf32, #tpu.memory_space<hbm>>) dst(%arg14 : memref<32x128xf32, #tpu.memory_space<vmem>>)
            tpu.yield
          }) : () -> ()
          %jit3A_140 = arith.constant 128 : i32
          %eq3A_141 = arith.constant 0 : i32
          %eq3A_142 = arith.cmpi eq, %jit3A_140, %eq3A_141 : i32
          %jit3A_143 = arith.constant 1 : i32
          %select_n3A_144 = arith.select %eq3A_142, %jit3A_143, %jit3A_140 : i32
          %rem3A_145 = arith.remsi %squeeze3A, %select_n3A_144 : i32
          %ne3A_146 = arith.constant 0 : i32
          %ne3A_147 = arith.cmpi ne, %rem3A_145, %ne3A_146 : i32
          %lt3A_148 = arith.constant 0 : i32
          %lt3A_149 = arith.cmpi slt, %rem3A_145, %lt3A_148 : i32
          %lt3A_150 = arith.constant 0 : i32
          %lt3A_151 = arith.cmpi slt, %select_n3A_144, %lt3A_150 : i32
          %ne3A_152 = arith.xori %lt3A_149, %lt3A_151 : i1
          %and3A_153 = arith.andi %ne3A_152, %ne3A_147 : i1
          %add3A_154 = arith.addi %rem3A_145, %select_n3A_144 : i32
          %select_n3A_155 = arith.select %and3A_153, %add3A_154, %rem3A_145 : i32
          %broadcast_in_dim3A = vector.broadcast %select_n3A_155 : i32 to vector<16xi32>
          %gather3A = tpu.vector_load_idx %arg14[%iota3A, %broadcast_in_dim3A] : memref<32x128xf32, #tpu.memory_space<vmem>>[vector<16xi32>, vector<16xi32>], vector<16xf32>,
          %add3A_156 = arith.constant 16 : i32
          %add3A_157 = vector.broadcast %add3A_156 : i32 to vector<16xi32>
          %add3A_158 = arith.addi %iota3A, %add3A_157 : vector<16xi32>
          %gather3A_159 = tpu.vector_load_idx %arg14[%add3A_158, %broadcast_in_dim3A] : memref<32x128xf32, #tpu.memory_space<vmem>>[vector<16xi32>, vector<16xi32>], vector<16xf32>,
          %sub3A_160 = arith.constant 999936 : i32
          %sub3A_161 = arith.subi %squeeze3A, %sub3A_160 : i32
          %max3A = arith.constant 0 : i32
          %max3A_162 = arith.maxsi %sub3A_161, %max3A : i32
          %mul3A_163 = arith.constant 32 : i32
          %mul3A_164 = arith.muli %max3A_162, %mul3A_163 : i32
          %mul3A_165 = arith.constant 2048 : i32
          %mul3A_166 = arith.muli %arg0, %mul3A_165 : i32
          %add3A_167 = arith.addi %mul3A_164, %mul3A_166 : i32
          %add3A_168 = vector.broadcast %add3A_167 : i32 to vector<16xi32>
          %add3A_169 = arith.addi %add3A_168, %iota3A : vector<16xi32>
          %gather3A_170 = tpu.vector_load_idx %arg19[%add3A_169] : memref<4096xf32, #tpu.memory_space<vmem>>[vector<16xi32>], vector<16xf32>,
          %add3A_171 = arith.constant 16 : i32
          %add3A_172 = arith.addi %add3A_167, %add3A_171 : i32
          %add3A_173 = vector.broadcast %add3A_172 : i32 to vector<16xi32>
          %add3A_174 = arith.addi %add3A_173, %iota3A : vector<16xi32>
          %gather3A_175 = tpu.vector_load_idx %arg19[%add3A_174] : memref<4096xf32, #tpu.memory_space<vmem>>[vector<16xi32>], vector<16xf32>,
          %ge3A_176 = arith.constant 999936 : i32
          %ge3A_177 = arith.cmpi sge, %squeeze3A, %ge3A_176 : i32
          %broadcast_in_dim3A_178 = vector.broadcast %ge3A_177 : i1 to vector<16xi1>
          %select_n3A_179 = arith.select %broadcast_in_dim3A_178, %gather3A_170, %gather3A : vector<16xi1>, vector<16xf32>
          %select_n3A_180 = arith.select %broadcast_in_dim3A_178, %gather3A_175, %gather3A_159 : vector<16xi1>, vector<16xf32>
          %broadcast_in_dim3A_181 = arith.constant 0 : i32
          %broadcast_in_dim3A_182 = vector.broadcast %broadcast_in_dim3A_181 : i32 to vector<16xi32>
          tpu.vector_store_idx %arg16[%broadcast_in_dim3A_182, %iota3A], %select_n3A_179 : memref<16x32xf32, #tpu.memory_space<vmem>>[vector<16xi32>, vector<16xi32>], vector<16xf32>,
          %add3A_183 = arith.constant 16 : i32
          %add3A_184 = vector.broadcast %add3A_183 : i32 to vector<16xi32>
          %add3A_185 = arith.addi %iota3A, %add3A_184 : vector<16xi32>
          tpu.vector_store_idx %arg16[%broadcast_in_dim3A_182, %add3A_185], %select_n3A_180 : memref<16x32xf32, #tpu.memory_space<vmem>>[vector<16xi32>, vector<16xi32>], vector<16xf32>,
          %run_scoped3A = arith.constant 0 : i32
          "tpu.region"() ({
            %run_scoped3A_186 = tpu.sem_alloc : memref<!tpu.dma_semaphore, #tpu.memory_space<semaphore_mem>>
            %dma_start3A = arith.constant 0 : i32
            %dma_start3A_187 = tpu.memref_slice %arg16[%run_scoped3A, %dma_start3A] : memref<16x32xf32, #tpu.memory_space<vmem>> -> memref<1x32xf32, #tpu.memory_space<vmem>>
            %dma_start3A_188 = tpu.memref_squeeze %dma_start3A_187 : memref<1x32xf32, #tpu.memory_space<vmem>> -> memref<32xf32, #tpu.memory_space<vmem>>
            %dma_start3A_189 = arith.constant 0 : i32
            %dma_start3A_190 = tpu.memref_slice %arg7[%squeeze3A_79, %dma_start3A_189] : memref<16384x32xf32, #tpu.memory_space<hbm>> -> memref<1x32xf32, #tpu.memory_space<hbm>>
            %dma_start3A_191 = tpu.memref_squeeze %dma_start3A_190 : memref<1x32xf32, #tpu.memory_space<hbm>> -> memref<32xf32, #tpu.memory_space<hbm>>
            %dma_start3A_192 = arith.constant 0 : i32
            %dma_start3A_193 = tpu.memref_slice %arg7[%squeeze3A_79, %dma_start3A_192] : memref<16384x32xf32, #tpu.memory_space<hbm>> -> memref<1x32xf32, #tpu.memory_space<hbm>>
            %dma_start3A_194 = tpu.memref_squeeze %dma_start3A_193 : memref<1x32xf32, #tpu.memory_space<hbm>> -> memref<32xf32, #tpu.memory_space<hbm>>
            %dma_start3A_195 = arith.constant 0 : i32
            %dma_start3A_196 = tpu.memref_slice %arg16[%run_scoped3A, %dma_start3A_195] : memref<16x32xf32, #tpu.memory_space<vmem>> -> memref<1x32xf32, #tpu.memory_space<vmem>>
            %dma_start3A_197 = tpu.memref_squeeze %dma_start3A_196 : memref<1x32xf32, #tpu.memory_space<vmem>> -> memref<32xf32, #tpu.memory_space<vmem>>
            tpu.enqueue_dma source(%dma_start3A_197 : memref<32xf32, #tpu.memory_space<vmem>>) target(%dma_start3A_194 : memref<32xf32, #tpu.memory_space<hbm>>) target_semaphore(%run_scoped3A_186 : memref<!tpu.dma_semaphore, #tpu.memory_space<semaphore_mem>>)
            %dma_wait3A = arith.constant 0 : i32
            %dma_wait3A_198 = tpu.memref_slice %arg16[%run_scoped3A, %dma_wait3A] : memref<16x32xf32, #tpu.memory_space<vmem>> -> memref<1x32xf32, #tpu.memory_space<vmem>>
            %dma_wait3A_199 = tpu.memref_squeeze %dma_wait3A_198 : memref<1x32xf32, #tpu.memory_space<vmem>> -> memref<32xf32, #tpu.memory_space<vmem>>
            %dma_wait3A_200 = arith.constant 0 : i32
            %dma_wait3A_201 = tpu.memref_slice %arg7[%squeeze3A_79, %dma_wait3A_200] : memref<16384x32xf32, #tpu.memory_space<hbm>> -> memref<1x32xf32, #tpu.memory_space<hbm>>
            %dma_wait3A_202 = tpu.memref_squeeze %dma_wait3A_201 : memref<1x32xf32, #tpu.memory_space<hbm>> -> memref<32xf32, #tpu.memory_space<hbm>>
            %dma_wait3A_203 = arith.constant 0 : i32
            %dma_wait3A_204 = tpu.memref_slice %arg7[%squeeze3A_79, %dma_wait3A_203] : memref<16384x32xf32, #tpu.memory_space<hbm>> -> memref<1x32xf32, #tpu.memory_space<hbm>>
            %dma_wait3A_205 = tpu.memref_squeeze %dma_wait3A_204 : memref<1x32xf32, #tpu.memory_space<hbm>> -> memref<32xf32, #tpu.memory_space<hbm>>
            %dma_wait3A_206 = arith.constant 0 : i32
            %dma_wait3A_207 = tpu.memref_slice %arg16[%run_scoped3A, %dma_wait3A_206] : memref<16x32xf32, #tpu.memory_space<vmem>> -> memref<1x32xf32, #tpu.memory_space<vmem>>
            %dma_wait3A_208 = tpu.memref_squeeze %dma_wait3A_207 : memref<1x32xf32, #tpu.memory_space<vmem>> -> memref<32xf32, #tpu.memory_space<vmem>>
            tpu.wait_dma2 semaphore(%run_scoped3A_186 : memref<!tpu.dma_semaphore, #tpu.memory_space<semaphore_mem>>) src(%dma_wait3A_208 : memref<32xf32, #tpu.memory_space<vmem>>) dst(%dma_wait3A_205 : memref<32xf32, #tpu.memory_space<hbm>>)
            tpu.yield
          }) : () -> ()
        } else {
        }
      }
      %while3A_61 = arith.constant 0 : i32
      %while3A_62 = arith.constant 0 : i32
      %while3A_63 = arith.subi %select_n3A_5, %while3A_62 : i32
      %while3A_64 = arith.addi %while3A_62, %while3A_63 : i32
      %while3A_65 = arith.constant 1 : i32
      %while3A_66 = arith.divsi %while3A_63, %while3A_65 : i32
      %while3A_67 = arith.muli %while3A_66, %while3A_65 : i32
      %while3A_68 = arith.addi %while3A_62, %while3A_67 : i32
      %while3A_69 = arith.constant 1 : i32
      scf.for %while3A_74 = %while3A_62 to %while3A_68 step %while3A_69  : i32 {
        %jit3A_75 = arith.constant 6 : i32
        %eq3A_76 = arith.constant 0 : i32
        %eq3A_77 = arith.cmpi eq, %jit3A_75, %eq3A_76 : i32
        %jit3A_78 = arith.constant 1 : i32
        %select_n3A_79 = arith.select %eq3A_77, %jit3A_78, %jit3A_75 : i32
        %rem3A = arith.remsi %while3A_74, %select_n3A_79 : i32
        %ne3A = arith.constant 0 : i32
        %ne3A_80 = arith.cmpi ne, %rem3A, %ne3A : i32
        %lt3A_81 = arith.constant 0 : i32
        %lt3A_82 = arith.cmpi slt, %rem3A, %lt3A_81 : i32
        %lt3A_83 = arith.constant 0 : i32
        %lt3A_84 = arith.cmpi slt, %select_n3A_79, %lt3A_83 : i32
        %ne3A_85 = arith.xori %lt3A_82, %lt3A_84 : i1
        %and3A = arith.andi %ne3A_85, %ne3A_80 : i1
        %add3A_86 = arith.addi %rem3A, %select_n3A_79 : i32
        %select_n3A_87 = arith.select %and3A, %add3A_86, %rem3A : i32
        %add3A_88 = arith.constant 6 : i32
        %add3A_89 = arith.addi %while3A_74, %add3A_88 : i32
        %sub3A = arith.constant 1 : i32
        %sub3A_90 = arith.subi %add3A_89, %sub3A : i32
        %lt3A_91 = arith.cmpi slt, %sub3A_90, %select_n3A_5 : i32
        %convert_element_type3A_92 = arith.extui %lt3A_91 : i1 to i32
        %cond3A_93 = arith.constant 0 : i32
        %cond3A_94 = arith.cmpi ne, %convert_element_type3A_92, %cond3A_93 : i32
        scf.if %cond3A_94 {
          %add3A_132 = arith.constant 6 : i32
          %add3A_133 = arith.addi %while3A_74, %add3A_132 : i32
          %sub3A_134 = arith.constant 1 : i32
          %sub3A_135 = arith.subi %add3A_133, %sub3A_134 : i32
          %add3A_136 = arith.constant 6 : i32
          %add3A_137 = arith.addi %while3A_74, %add3A_136 : i32
          %sub3A_138 = arith.constant 1 : i32
          %sub3A_139 = arith.subi %add3A_137, %sub3A_138 : i32
          %jit3A_140 = arith.constant 6 : i32
          %eq3A_141 = arith.constant 0 : i32
          %eq3A_142 = arith.cmpi eq, %jit3A_140, %eq3A_141 : i32
          %jit3A_143 = arith.constant 1 : i32
          %select_n3A_144 = arith.select %eq3A_142, %jit3A_143, %jit3A_140 : i32
          %rem3A_145 = arith.remsi %sub3A_139, %select_n3A_144 : i32
          %ne3A_146 = arith.constant 0 : i32
          %ne3A_147 = arith.cmpi ne, %rem3A_145, %ne3A_146 : i32
          %lt3A_148 = arith.constant 0 : i32
          %lt3A_149 = arith.cmpi slt, %rem3A_145, %lt3A_148 : i32
          %lt3A_150 = arith.constant 0 : i32
          %lt3A_151 = arith.cmpi slt, %select_n3A_144, %lt3A_150 : i32
          %ne3A_152 = arith.xori %lt3A_149, %lt3A_151 : i1
          %and3A_153 = arith.andi %ne3A_152, %ne3A_147 : i1
          %add3A_154 = arith.addi %rem3A_145, %select_n3A_144 : i32
          %select_n3A_155 = arith.select %and3A_153, %add3A_154, %rem3A_145 : i32
          %mul3A_156 = arith.constant 256 : i32
          %mul3A_157 = arith.muli %sub3A_135, %mul3A_156 : i32
          %add3A_158 = arith.addi %mul3A_0, %mul3A_157 : i32
          %multiple_of3A = tpu.assume_multiple %add3A_158, 128 : i32
          %dma_start3A = arith.constant 0 : i32
          %dma_start3A_159 = arith.constant 0 : i32
          %dma_start3A_160 = tpu.memref_slice %arg20[%select_n3A_155, %dma_start3A, %dma_start3A_159] : memref<6x32x256xf32, #tpu.memory_space<vmem>> -> memref<1x32x256xf32, #tpu.memory_space<vmem>>
          %dma_start3A_161 = tpu.memref_squeeze %dma_start3A_160 : memref<1x32x256xf32, #tpu.memory_space<vmem>> -> memref<32x256xf32, #tpu.memory_space<vmem>>
          %dma_start3A_162 = arith.constant 0 : i32
          %dma_start3A_163 = tpu.memref_slice %arg3[%dma_start3A_162, %multiple_of3A] : memref<32x1000000xf32, #tpu.memory_space<hbm>> -> memref<32x256xf32, #tpu.memory_space<hbm>>
          %dma_start3A_164 = tpu.memref_slice %arg18[%select_n3A_155] : memref<6x!tpu.dma_semaphore, #tpu.memory_space<semaphore_mem>> -> memref<1x!tpu.dma_semaphore, #tpu.memory_space<semaphore_mem>>
          %dma_start3A_165 = tpu.memref_squeeze %dma_start3A_164 : memref<1x!tpu.dma_semaphore, #tpu.memory_space<semaphore_mem>> -> memref<!tpu.dma_semaphore, #tpu.memory_space<semaphore_mem>>
          %dma_start3A_166 = arith.constant 0 : i32
          %dma_start3A_167 = arith.constant 0 : i32
          %dma_start3A_168 = tpu.memref_slice %arg20[%select_n3A_155, %dma_start3A_166, %dma_start3A_167] : memref<6x32x256xf32, #tpu.memory_space<vmem>> -> memref<1x32x256xf32, #tpu.memory_space<vmem>>
          %dma_start3A_169 = tpu.memref_squeeze %dma_start3A_168 : memref<1x32x256xf32, #tpu.memory_space<vmem>> -> memref<32x256xf32, #tpu.memory_space<vmem>>
          %dma_start3A_170 = arith.constant 0 : i32
          %dma_start3A_171 = tpu.memref_slice %arg3[%dma_start3A_170, %multiple_of3A] : memref<32x1000000xf32, #tpu.memory_space<hbm>> -> memref<32x256xf32, #tpu.memory_space<hbm>>
          tpu.enqueue_dma source(%dma_start3A_171 : memref<32x256xf32, #tpu.memory_space<hbm>>) target(%dma_start3A_169 : memref<32x256xf32, #tpu.memory_space<vmem>>) target_semaphore(%dma_start3A_165 : memref<!tpu.dma_semaphore, #tpu.memory_space<semaphore_mem>>)
        } else {
        }
        %dma_wait3A = arith.constant 0 : i32
        %dma_wait3A_95 = arith.constant 0 : i32
        %dma_wait3A_96 = tpu.memref_slice %arg20[%select_n3A_87, %dma_wait3A, %dma_wait3A_95] : memref<6x32x256xf32, #tpu.memory_space<vmem>> -> memref<1x32x256xf32, #tpu.memory_space<vmem>>
        %dma_wait3A_97 = tpu.memref_squeeze %dma_wait3A_96 : memref<1x32x256xf32, #tpu.memory_space<vmem>> -> memref<32x256xf32, #tpu.memory_space<vmem>>
        %dma_wait3A_98 = arith.constant 0 : i32
        %dma_wait3A_99 = arith.constant 0 : i32
        %dma_wait3A_100 = tpu.memref_slice %arg3[%dma_wait3A_98, %dma_wait3A_99] : memref<32x1000000xf32, #tpu.memory_space<hbm>> -> memref<32x256xf32, #tpu.memory_space<hbm>>
        %dma_wait3A_101 = tpu.memref_slice %arg18[%select_n3A_87] : memref<6x!tpu.dma_semaphore, #tpu.memory_space<semaphore_mem>> -> memref<1x!tpu.dma_semaphore, #tpu.memory_space<semaphore_mem>>
        %dma_wait3A_102 = tpu.memref_squeeze %dma_wait3A_101 : memref<1x!tpu.dma_semaphore, #tpu.memory_space<semaphore_mem>> -> memref<!tpu.dma_semaphore, #tpu.memory_space<semaphore_mem>>
        %dma_wait3A_103 = arith.constant 0 : i32
        %dma_wait3A_104 = arith.constant 0 : i32
        %dma_wait3A_105 = tpu.memref_slice %arg20[%select_n3A_87, %dma_wait3A_103, %dma_wait3A_104] : memref<6x32x256xf32, #tpu.memory_space<vmem>> -> memref<1x32x256xf32, #tpu.memory_space<vmem>>
        %dma_wait3A_106 = tpu.memref_squeeze %dma_wait3A_105 : memref<1x32x256xf32, #tpu.memory_space<vmem>> -> memref<32x256xf32, #tpu.memory_space<vmem>>
        %dma_wait3A_107 = arith.constant 0 : i32
        %dma_wait3A_108 = arith.constant 0 : i32
        %dma_wait3A_109 = tpu.memref_slice %arg3[%dma_wait3A_107, %dma_wait3A_108] : memref<32x1000000xf32, #tpu.memory_space<hbm>> -> memref<32x256xf32, #tpu.memory_space<hbm>>
        tpu.wait_dma2 semaphore(%dma_wait3A_102 : memref<!tpu.dma_semaphore, #tpu.memory_space<semaphore_mem>>) src(%dma_wait3A_109 : memref<32x256xf32, #tpu.memory_space<hbm>>) dst(%dma_wait3A_106 : memref<32x256xf32, #tpu.memory_space<vmem>>)
        %get3A = arith.index_cast %while3A_74 : i32 to index
        %get3A_110 = memref.load %arg11[%get3A] : memref<247xi32, #tpu.memory_space<smem>>
        %min3A = arith.constant 16 : i32
        %min3A_111 = arith.minsi %get3A_110, %min3A : i32
        %while3A_112 = arith.constant 0 : i32
        %while3A_113 = arith.constant 0 : i32
        %while3A_114 = arith.subi %min3A_111, %while3A_113 : i32
        %while3A_115 = arith.addi %while3A_113, %while3A_114 : i32
        %while3A_116 = arith.constant 1 : i32
        %while3A_117 = arith.divsi %while3A_114, %while3A_116 : i32
        %while3A_118 = arith.muli %while3A_117, %while3A_116 : i32
        %while3A_119 = arith.addi %while3A_113, %while3A_118 : i32
        %while3A_120 = arith.constant 1 : i32
        scf.for %while3A_132 = %while3A_113 to %while3A_119 step %while3A_120  : i32 {
          %mul3A_133 = arith.constant 16 : i32
          %mul3A_134 = arith.muli %while3A_74, %mul3A_133 : i32
          %add3A_135 = arith.addi %mul3A_134, %while3A_132 : i32
          %get3A_136 = arith.index_cast %add3A_135 : i32 to index
          %get3A_137 = tpu.vector_load %arg9[%get3A_136] {strides = array<i32>} : memref<3968xi32, #tpu.memory_space<vmem>>, vector<16xi32>,
          %slice3A = vector.extract_strided_slice %get3A_137 {offsets = [0], sizes = [1], strides = [1]} : vector<16xi32> to vector<1xi32>
          %squeeze3A = vector.extract %slice3A[0] : i32 from vector<1xi32>
          %mul3A_138 = arith.constant 16 : i32
          %mul3A_139 = arith.muli %while3A_74, %mul3A_138 : i32
          %add3A_140 = arith.addi %mul3A_139, %while3A_132 : i32
          %get3A_141 = arith.index_cast %add3A_140 : i32 to index
          %get3A_142 = tpu.vector_load %arg10[%get3A_141] {strides = array<i32>} : memref<3968xi32, #tpu.memory_space<vmem>>, vector<16xi32>,
          %slice3A_143 = vector.extract_strided_slice %get3A_142 {offsets = [0], sizes = [1], strides = [1]} : vector<16xi32> to vector<1xi32>
          %squeeze3A_144 = vector.extract %slice3A_143[0] : i32 from vector<1xi32>
          %broadcast_in_dim3A = vector.broadcast %select_n3A_87 : i32 to vector<16xi32>
          %mul3A_145 = arith.constant 256 : i32
          %mul3A_146 = arith.muli %while3A_74, %mul3A_145 : i32
          %add3A_147 = arith.addi %mul3A_0, %mul3A_146 : i32
          %sub3A_148 = arith.subi %squeeze3A, %add3A_147 : i32
          %broadcast_in_dim3A_149 = vector.broadcast %sub3A_148 : i32 to vector<16xi32>
          %gather3A = tpu.vector_load_idx %arg20[%broadcast_in_dim3A, %iota3A, %broadcast_in_dim3A_149] : memref<6x32x256xf32, #tpu.memory_space<vmem>>[vector<16xi32>, vector<16xi32>, vector<16xi32>], vector<16xf32>,
          %add3A_150 = arith.constant 16 : i32
          %add3A_151 = vector.broadcast %add3A_150 : i32 to vector<16xi32>
          %add3A_152 = arith.addi %iota3A, %add3A_151 : vector<16xi32>
          %gather3A_153 = tpu.vector_load_idx %arg20[%broadcast_in_dim3A, %add3A_152, %broadcast_in_dim3A_149] : memref<6x32x256xf32, #tpu.memory_space<vmem>>[vector<16xi32>, vector<16xi32>, vector<16xi32>], vector<16xf32>,
          %sub3A_154 = arith.constant 999936 : i32
          %sub3A_155 = arith.subi %squeeze3A, %sub3A_154 : i32
          %max3A = arith.constant 0 : i32
          %max3A_156 = arith.maxsi %sub3A_155, %max3A : i32
          %mul3A_157 = arith.constant 32 : i32
          %mul3A_158 = arith.muli %max3A_156, %mul3A_157 : i32
          %mul3A_159 = arith.constant 2048 : i32
          %mul3A_160 = arith.muli %arg0, %mul3A_159 : i32
          %add3A_161 = arith.addi %mul3A_158, %mul3A_160 : i32
          %add3A_162 = vector.broadcast %add3A_161 : i32 to vector<16xi32>
          %add3A_163 = arith.addi %add3A_162, %iota3A : vector<16xi32>
          %gather3A_164 = tpu.vector_load_idx %arg19[%add3A_163] : memref<4096xf32, #tpu.memory_space<vmem>>[vector<16xi32>], vector<16xf32>,
          %add3A_165 = arith.constant 16 : i32
          %add3A_166 = arith.addi %add3A_161, %add3A_165 : i32
          %add3A_167 = vector.broadcast %add3A_166 : i32 to vector<16xi32>
          %add3A_168 = arith.addi %add3A_167, %iota3A : vector<16xi32>
          %gather3A_169 = tpu.vector_load_idx %arg19[%add3A_168] : memref<4096xf32, #tpu.memory_space<vmem>>[vector<16xi32>], vector<16xf32>,
          %ge3A = arith.constant 999936 : i32
          %ge3A_170 = arith.cmpi sge, %squeeze3A, %ge3A : i32
          %broadcast_in_dim3A_171 = vector.broadcast %ge3A_170 : i1 to vector<16xi1>
          %select_n3A_172 = arith.select %broadcast_in_dim3A_171, %gather3A_164, %gather3A : vector<16xi1>, vector<16xf32>
          %select_n3A_173 = arith.select %broadcast_in_dim3A_171, %gather3A_169, %gather3A_153 : vector<16xi1>, vector<16xf32>
          %broadcast_in_dim3A_174 = vector.broadcast %while3A_132 : i32 to vector<16xi32>
          tpu.vector_store_idx %arg16[%broadcast_in_dim3A_174, %iota3A], %select_n3A_172 : memref<16x32xf32, #tpu.memory_space<vmem>>[vector<16xi32>, vector<16xi32>], vector<16xf32>,
          %add3A_175 = arith.constant 16 : i32
          %add3A_176 = vector.broadcast %add3A_175 : i32 to vector<16xi32>
          %add3A_177 = arith.addi %iota3A, %add3A_176 : vector<16xi32>
          tpu.vector_store_idx %arg16[%broadcast_in_dim3A_174, %add3A_177], %select_n3A_173 : memref<16x32xf32, #tpu.memory_space<vmem>>[vector<16xi32>, vector<16xi32>], vector<16xf32>,
          %dma_start3A = arith.constant 0 : i32
          %dma_start3A_178 = tpu.memref_slice %arg16[%while3A_132, %dma_start3A] : memref<16x32xf32, #tpu.memory_space<vmem>> -> memref<1x32xf32, #tpu.memory_space<vmem>>
          %dma_start3A_179 = tpu.memref_squeeze %dma_start3A_178 : memref<1x32xf32, #tpu.memory_space<vmem>> -> memref<32xf32, #tpu.memory_space<vmem>>
          %dma_start3A_180 = arith.constant 0 : i32
          %dma_start3A_181 = tpu.memref_slice %arg7[%squeeze3A_144, %dma_start3A_180] : memref<16384x32xf32, #tpu.memory_space<hbm>> -> memref<1x32xf32, #tpu.memory_space<hbm>>
          %dma_start3A_182 = tpu.memref_squeeze %dma_start3A_181 : memref<1x32xf32, #tpu.memory_space<hbm>> -> memref<32xf32, #tpu.memory_space<hbm>>
          %dma_start3A_183 = arith.constant 0 : i32
          %dma_start3A_184 = tpu.memref_slice %arg7[%squeeze3A_144, %dma_start3A_183] : memref<16384x32xf32, #tpu.memory_space<hbm>> -> memref<1x32xf32, #tpu.memory_space<hbm>>
          %dma_start3A_185 = tpu.memref_squeeze %dma_start3A_184 : memref<1x32xf32, #tpu.memory_space<hbm>> -> memref<32xf32, #tpu.memory_space<hbm>>
          %dma_start3A_186 = arith.constant 0 : i32
          %dma_start3A_187 = tpu.memref_slice %arg16[%while3A_132, %dma_start3A_186] : memref<16x32xf32, #tpu.memory_space<vmem>> -> memref<1x32xf32, #tpu.memory_space<vmem>>
          %dma_start3A_188 = tpu.memref_squeeze %dma_start3A_187 : memref<1x32xf32, #tpu.memory_space<vmem>> -> memref<32xf32, #tpu.memory_space<vmem>>
          tpu.enqueue_dma source(%dma_start3A_188 : memref<32xf32, #tpu.memory_space<vmem>>) target(%dma_start3A_185 : memref<32xf32, #tpu.memory_space<hbm>>) target_semaphore(%arg17 : memref<!tpu.dma_semaphore, #tpu.memory_space<semaphore_mem>>)
        }
        %while3A_121 = arith.constant 1 : i32
        scf.for %while3A_132 = %while3A_119 to %while3A_115 step %while3A_121  : i32 {
          %mul3A_133 = arith.constant 16 : i32
          %mul3A_134 = arith.muli %while3A_74, %mul3A_133 : i32
          %add3A_135 = arith.addi %mul3A_134, %while3A_132 : i32
          %get3A_136 = arith.index_cast %add3A_135 : i32 to index
          %get3A_137 = tpu.vector_load %arg9[%get3A_136] {strides = array<i32>} : memref<3968xi32, #tpu.memory_space<vmem>>, vector<16xi32>,
          %slice3A = vector.extract_strided_slice %get3A_137 {offsets = [0], sizes = [1], strides = [1]} : vector<16xi32> to vector<1xi32>
          %squeeze3A = vector.extract %slice3A[0] : i32 from vector<1xi32>
          %mul3A_138 = arith.constant 16 : i32
          %mul3A_139 = arith.muli %while3A_74, %mul3A_138 : i32
          %add3A_140 = arith.addi %mul3A_139, %while3A_132 : i32
          %get3A_141 = arith.index_cast %add3A_140 : i32 to index
          %get3A_142 = tpu.vector_load %arg10[%get3A_141] {strides = array<i32>} : memref<3968xi32, #tpu.memory_space<vmem>>, vector<16xi32>,
          %slice3A_143 = vector.extract_strided_slice %get3A_142 {offsets = [0], sizes = [1], strides = [1]} : vector<16xi32> to vector<1xi32>
          %squeeze3A_144 = vector.extract %slice3A_143[0] : i32 from vector<1xi32>
          %broadcast_in_dim3A = vector.broadcast %select_n3A_87 : i32 to vector<16xi32>
          %mul3A_145 = arith.constant 256 : i32
          %mul3A_146 = arith.muli %while3A_74, %mul3A_145 : i32
          %add3A_147 = arith.addi %mul3A_0, %mul3A_146 : i32
          %sub3A_148 = arith.subi %squeeze3A, %add3A_147 : i32
          %broadcast_in_dim3A_149 = vector.broadcast %sub3A_148 : i32 to vector<16xi32>
          %gather3A = tpu.vector_load_idx %arg20[%broadcast_in_dim3A, %iota3A, %broadcast_in_dim3A_149] : memref<6x32x256xf32, #tpu.memory_space<vmem>>[vector<16xi32>, vector<16xi32>, vector<16xi32>], vector<16xf32>,
          %add3A_150 = arith.constant 16 : i32
          %add3A_151 = vector.broadcast %add3A_150 : i32 to vector<16xi32>
          %add3A_152 = arith.addi %iota3A, %add3A_151 : vector<16xi32>
          %gather3A_153 = tpu.vector_load_idx %arg20[%broadcast_in_dim3A, %add3A_152, %broadcast_in_dim3A_149] : memref<6x32x256xf32, #tpu.memory_space<vmem>>[vector<16xi32>, vector<16xi32>, vector<16xi32>], vector<16xf32>,
          %sub3A_154 = arith.constant 999936 : i32
          %sub3A_155 = arith.subi %squeeze3A, %sub3A_154 : i32
          %max3A = arith.constant 0 : i32
          %max3A_156 = arith.maxsi %sub3A_155, %max3A : i32
          %mul3A_157 = arith.constant 32 : i32
          %mul3A_158 = arith.muli %max3A_156, %mul3A_157 : i32
          %mul3A_159 = arith.constant 2048 : i32
          %mul3A_160 = arith.muli %arg0, %mul3A_159 : i32
          %add3A_161 = arith.addi %mul3A_158, %mul3A_160 : i32
          %add3A_162 = vector.broadcast %add3A_161 : i32 to vector<16xi32>
          %add3A_163 = arith.addi %add3A_162, %iota3A : vector<16xi32>
          %gather3A_164 = tpu.vector_load_idx %arg19[%add3A_163] : memref<4096xf32, #tpu.memory_space<vmem>>[vector<16xi32>], vector<16xf32>,
          %add3A_165 = arith.constant 16 : i32
          %add3A_166 = arith.addi %add3A_161, %add3A_165 : i32
          %add3A_167 = vector.broadcast %add3A_166 : i32 to vector<16xi32>
          %add3A_168 = arith.addi %add3A_167, %iota3A : vector<16xi32>
          %gather3A_169 = tpu.vector_load_idx %arg19[%add3A_168] : memref<4096xf32, #tpu.memory_space<vmem>>[vector<16xi32>], vector<16xf32>,
          %ge3A = arith.constant 999936 : i32
          %ge3A_170 = arith.cmpi sge, %squeeze3A, %ge3A : i32
          %broadcast_in_dim3A_171 = vector.broadcast %ge3A_170 : i1 to vector<16xi1>
          %select_n3A_172 = arith.select %broadcast_in_dim3A_171, %gather3A_164, %gather3A : vector<16xi1>, vector<16xf32>
          %select_n3A_173 = arith.select %broadcast_in_dim3A_171, %gather3A_169, %gather3A_153 : vector<16xi1>, vector<16xf32>
          %broadcast_in_dim3A_174 = vector.broadcast %while3A_132 : i32 to vector<16xi32>
          tpu.vector_store_idx %arg16[%broadcast_in_dim3A_174, %iota3A], %select_n3A_172 : memref<16x32xf32, #tpu.memory_space<vmem>>[vector<16xi32>, vector<16xi32>], vector<16xf32>,
          %add3A_175 = arith.constant 16 : i32
          %add3A_176 = vector.broadcast %add3A_175 : i32 to vector<16xi32>
          %add3A_177 = arith.addi %iota3A, %add3A_176 : vector<16xi32>
          tpu.vector_store_idx %arg16[%broadcast_in_dim3A_174, %add3A_177], %select_n3A_173 : memref<16x32xf32, #tpu.memory_space<vmem>>[vector<16xi32>, vector<16xi32>], vector<16xf32>,
          %dma_start3A = arith.constant 0 : i32
          %dma_start3A_178 = tpu.memref_slice %arg16[%while3A_132, %dma_start3A] : memref<16x32xf32, #tpu.memory_space<vmem>> -> memref<1x32xf32, #tpu.memory_space<vmem>>
          %dma_start3A_179 = tpu.memref_squeeze %dma_start3A_178 : memref<1x32xf32, #tpu.memory_space<vmem>> -> memref<32xf32, #tpu.memory_space<vmem>>
          %dma_start3A_180 = arith.constant 0 : i32
          %dma_start3A_181 = tpu.memref_slice %arg7[%squeeze3A_144, %dma_start3A_180] : memref<16384x32xf32, #tpu.memory_space<hbm>> -> memref<1x32xf32, #tpu.memory_space<hbm>>
          %dma_start3A_182 = tpu.memref_squeeze %dma_start3A_181 : memref<1x32xf32, #tpu.memory_space<hbm>> -> memref<32xf32, #tpu.memory_space<hbm>>
          %dma_start3A_183 = arith.constant 0 : i32
          %dma_start3A_184 = tpu.memref_slice %arg7[%squeeze3A_144, %dma_start3A_183] : memref<16384x32xf32, #tpu.memory_space<hbm>> -> memref<1x32xf32, #tpu.memory_space<hbm>>
          %dma_start3A_185 = tpu.memref_squeeze %dma_start3A_184 : memref<1x32xf32, #tpu.memory_space<hbm>> -> memref<32xf32, #tpu.memory_space<hbm>>
          %dma_start3A_186 = arith.constant 0 : i32
          %dma_start3A_187 = tpu.memref_slice %arg16[%while3A_132, %dma_start3A_186] : memref<16x32xf32, #tpu.memory_space<vmem>> -> memref<1x32xf32, #tpu.memory_space<vmem>>
          %dma_start3A_188 = tpu.memref_squeeze %dma_start3A_187 : memref<1x32xf32, #tpu.memory_space<vmem>> -> memref<32xf32, #tpu.memory_space<vmem>>
          tpu.enqueue_dma source(%dma_start3A_188 : memref<32xf32, #tpu.memory_space<vmem>>) target(%dma_start3A_185 : memref<32xf32, #tpu.memory_space<hbm>>) target_semaphore(%arg17 : memref<!tpu.dma_semaphore, #tpu.memory_space<semaphore_mem>>)
        }
        %while3A_122 = arith.constant 0 : i32
        %while3A_123 = arith.constant 0 : i32
        %while3A_124 = arith.subi %min3A_111, %while3A_123 : i32
        %while3A_125 = arith.addi %while3A_123, %while3A_124 : i32
        %while3A_126 = arith.constant 1 : i32
        %while3A_127 = arith.divsi %while3A_124, %while3A_126 : i32
        %while3A_128 = arith.muli %while3A_127, %while3A_126 : i32
        %while3A_129 = arith.addi %while3A_123, %while3A_128 : i32
        %while3A_130 = arith.constant 1 : i32
        scf.for %while3A_132 = %while3A_123 to %while3A_129 step %while3A_130  : i32 {
          %dma_wait3A_133 = arith.constant 0 : i32
          %dma_wait3A_134 = arith.constant 0 : i32
          %dma_wait3A_135 = arith.constant 0 : i32
          %dma_wait3A_136 = tpu.memref_slice %arg16[%dma_wait3A_133, %dma_wait3A_135] : memref<16x32xf32, #tpu.memory_space<vmem>> -> memref<1x32xf32, #tpu.memory_space<vmem>>
          %dma_wait3A_137 = tpu.memref_squeeze %dma_wait3A_136 : memref<1x32xf32, #tpu.memory_space<vmem>> -> memref<32xf32, #tpu.memory_space<vmem>>
          %dma_wait3A_138 = arith.constant 0 : i32
          %dma_wait3A_139 = tpu.memref_slice %arg7[%dma_wait3A_134, %dma_wait3A_138] : memref<16384x32xf32, #tpu.memory_space<hbm>> -> memref<1x32xf32, #tpu.memory_space<hbm>>
          %dma_wait3A_140 = tpu.memref_squeeze %dma_wait3A_139 : memref<1x32xf32, #tpu.memory_space<hbm>> -> memref<32xf32, #tpu.memory_space<hbm>>
          %dma_wait3A_141 = arith.constant 0 : i32
          %dma_wait3A_142 = tpu.memref_slice %arg7[%dma_wait3A_134, %dma_wait3A_141] : memref<16384x32xf32, #tpu.memory_space<hbm>> -> memref<1x32xf32, #tpu.memory_space<hbm>>
          %dma_wait3A_143 = tpu.memref_squeeze %dma_wait3A_142 : memref<1x32xf32, #tpu.memory_space<hbm>> -> memref<32xf32, #tpu.memory_space<hbm>>
          %dma_wait3A_144 = arith.constant 0 : i32
          %dma_wait3A_145 = tpu.memref_slice %arg16[%dma_wait3A_133, %dma_wait3A_144] : memref<16x32xf32, #tpu.memory_space<vmem>> -> memref<1x32xf32, #tpu.memory_space<vmem>>
          %dma_wait3A_146 = tpu.memref_squeeze %dma_wait3A_145 : memref<1x32xf32, #tpu.memory_space<vmem>> -> memref<32xf32, #tpu.memory_space<vmem>>
          tpu.wait_dma2 semaphore(%arg17 : memref<!tpu.dma_semaphore, #tpu.memory_space<semaphore_mem>>) src(%dma_wait3A_146 : memref<32xf32, #tpu.memory_space<vmem>>) dst(%dma_wait3A_143 : memref<32xf32, #tpu.memory_space<hbm>>)
        }
        %while3A_131 = arith.constant 1 : i32
        scf.for %while3A_132 = %while3A_129 to %while3A_125 step %while3A_131  : i32 {
          %dma_wait3A_133 = arith.constant 0 : i32
          %dma_wait3A_134 = arith.constant 0 : i32
          %dma_wait3A_135 = arith.constant 0 : i32
          %dma_wait3A_136 = tpu.memref_slice %arg16[%dma_wait3A_133, %dma_wait3A_135] : memref<16x32xf32, #tpu.memory_space<vmem>> -> memref<1x32xf32, #tpu.memory_space<vmem>>
          %dma_wait3A_137 = tpu.memref_squeeze %dma_wait3A_136 : memref<1x32xf32, #tpu.memory_space<vmem>> -> memref<32xf32, #tpu.memory_space<vmem>>
          %dma_wait3A_138 = arith.constant 0 : i32
          %dma_wait3A_139 = tpu.memref_slice %arg7[%dma_wait3A_134, %dma_wait3A_138] : memref<16384x32xf32, #tpu.memory_space<hbm>> -> memref<1x32xf32, #tpu.memory_space<hbm>>
          %dma_wait3A_140 = tpu.memref_squeeze %dma_wait3A_139 : memref<1x32xf32, #tpu.memory_space<hbm>> -> memref<32xf32, #tpu.memory_space<hbm>>
          %dma_wait3A_141 = arith.constant 0 : i32
          %dma_wait3A_142 = tpu.memref_slice %arg7[%dma_wait3A_134, %dma_wait3A_141] : memref<16384x32xf32, #tpu.memory_space<hbm>> -> memref<1x32xf32, #tpu.memory_space<hbm>>
          %dma_wait3A_143 = tpu.memref_squeeze %dma_wait3A_142 : memref<1x32xf32, #tpu.memory_space<hbm>> -> memref<32xf32, #tpu.memory_space<hbm>>
          %dma_wait3A_144 = arith.constant 0 : i32
          %dma_wait3A_145 = tpu.memref_slice %arg16[%dma_wait3A_133, %dma_wait3A_144] : memref<16x32xf32, #tpu.memory_space<vmem>> -> memref<1x32xf32, #tpu.memory_space<vmem>>
          %dma_wait3A_146 = tpu.memref_squeeze %dma_wait3A_145 : memref<1x32xf32, #tpu.memory_space<vmem>> -> memref<32xf32, #tpu.memory_space<vmem>>
          tpu.wait_dma2 semaphore(%arg17 : memref<!tpu.dma_semaphore, #tpu.memory_space<semaphore_mem>>) src(%dma_wait3A_146 : memref<32xf32, #tpu.memory_space<vmem>>) dst(%dma_wait3A_143 : memref<32xf32, #tpu.memory_space<hbm>>)
        }
      }
      %while3A_70 = arith.constant 1 : i32
      scf.for %while3A_74 = %while3A_68 to %while3A_64 step %while3A_70  : i32 {
        %jit3A_75 = arith.constant 6 : i32
        %eq3A_76 = arith.constant 0 : i32
        %eq3A_77 = arith.cmpi eq, %jit3A_75, %eq3A_76 : i32
        %jit3A_78 = arith.constant 1 : i32
        %select_n3A_79 = arith.select %eq3A_77, %jit3A_78, %jit3A_75 : i32
        %rem3A = arith.remsi %while3A_74, %select_n3A_79 : i32
        %ne3A = arith.constant 0 : i32
        %ne3A_80 = arith.cmpi ne, %rem3A, %ne3A : i32
        %lt3A_81 = arith.constant 0 : i32
        %lt3A_82 = arith.cmpi slt, %rem3A, %lt3A_81 : i32
        %lt3A_83 = arith.constant 0 : i32
        %lt3A_84 = arith.cmpi slt, %select_n3A_79, %lt3A_83 : i32
        %ne3A_85 = arith.xori %lt3A_82, %lt3A_84 : i1
        %and3A = arith.andi %ne3A_85, %ne3A_80 : i1
        %add3A_86 = arith.addi %rem3A, %select_n3A_79 : i32
        %select_n3A_87 = arith.select %and3A, %add3A_86, %rem3A : i32
        %add3A_88 = arith.constant 6 : i32
        %add3A_89 = arith.addi %while3A_74, %add3A_88 : i32
        %sub3A = arith.constant 1 : i32
        %sub3A_90 = arith.subi %add3A_89, %sub3A : i32
        %lt3A_91 = arith.cmpi slt, %sub3A_90, %select_n3A_5 : i32
        %convert_element_type3A_92 = arith.extui %lt3A_91 : i1 to i32
        %cond3A_93 = arith.constant 0 : i32
        %cond3A_94 = arith.cmpi ne, %convert_element_type3A_92, %cond3A_93 : i32
        scf.if %cond3A_94 {
          %add3A_132 = arith.constant 6 : i32
          %add3A_133 = arith.addi %while3A_74, %add3A_132 : i32
          %sub3A_134 = arith.constant 1 : i32
          %sub3A_135 = arith.subi %add3A_133, %sub3A_134 : i32
          %add3A_136 = arith.constant 6 : i32
          %add3A_137 = arith.addi %while3A_74, %add3A_136 : i32
          %sub3A_138 = arith.constant 1 : i32
          %sub3A_139 = arith.subi %add3A_137, %sub3A_138 : i32
          %jit3A_140 = arith.constant 6 : i32
          %eq3A_141 = arith.constant 0 : i32
          %eq3A_142 = arith.cmpi eq, %jit3A_140, %eq3A_141 : i32
          %jit3A_143 = arith.constant 1 : i32
          %select_n3A_144 = arith.select %eq3A_142, %jit3A_143, %jit3A_140 : i32
          %rem3A_145 = arith.remsi %sub3A_139, %select_n3A_144 : i32
          %ne3A_146 = arith.constant 0 : i32
          %ne3A_147 = arith.cmpi ne, %rem3A_145, %ne3A_146 : i32
          %lt3A_148 = arith.constant 0 : i32
          %lt3A_149 = arith.cmpi slt, %rem3A_145, %lt3A_148 : i32
          %lt3A_150 = arith.constant 0 : i32
          %lt3A_151 = arith.cmpi slt, %select_n3A_144, %lt3A_150 : i32
          %ne3A_152 = arith.xori %lt3A_149, %lt3A_151 : i1
          %and3A_153 = arith.andi %ne3A_152, %ne3A_147 : i1
          %add3A_154 = arith.addi %rem3A_145, %select_n3A_144 : i32
          %select_n3A_155 = arith.select %and3A_153, %add3A_154, %rem3A_145 : i32
          %mul3A_156 = arith.constant 256 : i32
          %mul3A_157 = arith.muli %sub3A_135, %mul3A_156 : i32
          %add3A_158 = arith.addi %mul3A_0, %mul3A_157 : i32
          %multiple_of3A = tpu.assume_multiple %add3A_158, 128 : i32
          %dma_start3A = arith.constant 0 : i32
          %dma_start3A_159 = arith.constant 0 : i32
          %dma_start3A_160 = tpu.memref_slice %arg20[%select_n3A_155, %dma_start3A, %dma_start3A_159] : memref<6x32x256xf32, #tpu.memory_space<vmem>> -> memref<1x32x256xf32, #tpu.memory_space<vmem>>
          %dma_start3A_161 = tpu.memref_squeeze %dma_start3A_160 : memref<1x32x256xf32, #tpu.memory_space<vmem>> -> memref<32x256xf32, #tpu.memory_space<vmem>>
          %dma_start3A_162 = arith.constant 0 : i32
          %dma_start3A_163 = tpu.memref_slice %arg3[%dma_start3A_162, %multiple_of3A] : memref<32x1000000xf32, #tpu.memory_space<hbm>> -> memref<32x256xf32, #tpu.memory_space<hbm>>
          %dma_start3A_164 = tpu.memref_slice %arg18[%select_n3A_155] : memref<6x!tpu.dma_semaphore, #tpu.memory_space<semaphore_mem>> -> memref<1x!tpu.dma_semaphore, #tpu.memory_space<semaphore_mem>>
          %dma_start3A_165 = tpu.memref_squeeze %dma_start3A_164 : memref<1x!tpu.dma_semaphore, #tpu.memory_space<semaphore_mem>> -> memref<!tpu.dma_semaphore, #tpu.memory_space<semaphore_mem>>
          %dma_start3A_166 = arith.constant 0 : i32
          %dma_start3A_167 = arith.constant 0 : i32
          %dma_start3A_168 = tpu.memref_slice %arg20[%select_n3A_155, %dma_start3A_166, %dma_start3A_167] : memref<6x32x256xf32, #tpu.memory_space<vmem>> -> memref<1x32x256xf32, #tpu.memory_space<vmem>>
          %dma_start3A_169 = tpu.memref_squeeze %dma_start3A_168 : memref<1x32x256xf32, #tpu.memory_space<vmem>> -> memref<32x256xf32, #tpu.memory_space<vmem>>
          %dma_start3A_170 = arith.constant 0 : i32
          %dma_start3A_171 = tpu.memref_slice %arg3[%dma_start3A_170, %multiple_of3A] : memref<32x1000000xf32, #tpu.memory_space<hbm>> -> memref<32x256xf32, #tpu.memory_space<hbm>>
          tpu.enqueue_dma source(%dma_start3A_171 : memref<32x256xf32, #tpu.memory_space<hbm>>) target(%dma_start3A_169 : memref<32x256xf32, #tpu.memory_space<vmem>>) target_semaphore(%dma_start3A_165 : memref<!tpu.dma_semaphore, #tpu.memory_space<semaphore_mem>>)
        } else {
        }
        %dma_wait3A = arith.constant 0 : i32
        %dma_wait3A_95 = arith.constant 0 : i32
        %dma_wait3A_96 = tpu.memref_slice %arg20[%select_n3A_87, %dma_wait3A, %dma_wait3A_95] : memref<6x32x256xf32, #tpu.memory_space<vmem>> -> memref<1x32x256xf32, #tpu.memory_space<vmem>>
        %dma_wait3A_97 = tpu.memref_squeeze %dma_wait3A_96 : memref<1x32x256xf32, #tpu.memory_space<vmem>> -> memref<32x256xf32, #tpu.memory_space<vmem>>
        %dma_wait3A_98 = arith.constant 0 : i32
        %dma_wait3A_99 = arith.constant 0 : i32
        %dma_wait3A_100 = tpu.memref_slice %arg3[%dma_wait3A_98, %dma_wait3A_99] : memref<32x1000000xf32, #tpu.memory_space<hbm>> -> memref<32x256xf32, #tpu.memory_space<hbm>>
        %dma_wait3A_101 = tpu.memref_slice %arg18[%select_n3A_87] : memref<6x!tpu.dma_semaphore, #tpu.memory_space<semaphore_mem>> -> memref<1x!tpu.dma_semaphore, #tpu.memory_space<semaphore_mem>>
        %dma_wait3A_102 = tpu.memref_squeeze %dma_wait3A_101 : memref<1x!tpu.dma_semaphore, #tpu.memory_space<semaphore_mem>> -> memref<!tpu.dma_semaphore, #tpu.memory_space<semaphore_mem>>
        %dma_wait3A_103 = arith.constant 0 : i32
        %dma_wait3A_104 = arith.constant 0 : i32
        %dma_wait3A_105 = tpu.memref_slice %arg20[%select_n3A_87, %dma_wait3A_103, %dma_wait3A_104] : memref<6x32x256xf32, #tpu.memory_space<vmem>> -> memref<1x32x256xf32, #tpu.memory_space<vmem>>
        %dma_wait3A_106 = tpu.memref_squeeze %dma_wait3A_105 : memref<1x32x256xf32, #tpu.memory_space<vmem>> -> memref<32x256xf32, #tpu.memory_space<vmem>>
        %dma_wait3A_107 = arith.constant 0 : i32
        %dma_wait3A_108 = arith.constant 0 : i32
        %dma_wait3A_109 = tpu.memref_slice %arg3[%dma_wait3A_107, %dma_wait3A_108] : memref<32x1000000xf32, #tpu.memory_space<hbm>> -> memref<32x256xf32, #tpu.memory_space<hbm>>
        tpu.wait_dma2 semaphore(%dma_wait3A_102 : memref<!tpu.dma_semaphore, #tpu.memory_space<semaphore_mem>>) src(%dma_wait3A_109 : memref<32x256xf32, #tpu.memory_space<hbm>>) dst(%dma_wait3A_106 : memref<32x256xf32, #tpu.memory_space<vmem>>)
        %get3A = arith.index_cast %while3A_74 : i32 to index
        %get3A_110 = memref.load %arg11[%get3A] : memref<247xi32, #tpu.memory_space<smem>>
        %min3A = arith.constant 16 : i32
        %min3A_111 = arith.minsi %get3A_110, %min3A : i32
        %while3A_112 = arith.constant 0 : i32
        %while3A_113 = arith.constant 0 : i32
        %while3A_114 = arith.subi %min3A_111, %while3A_113 : i32
        %while3A_115 = arith.addi %while3A_113, %while3A_114 : i32
        %while3A_116 = arith.constant 1 : i32
        %while3A_117 = arith.divsi %while3A_114, %while3A_116 : i32
        %while3A_118 = arith.muli %while3A_117, %while3A_116 : i32
        %while3A_119 = arith.addi %while3A_113, %while3A_118 : i32
        %while3A_120 = arith.constant 1 : i32
        scf.for %while3A_132 = %while3A_113 to %while3A_119 step %while3A_120  : i32 {
          %mul3A_133 = arith.constant 16 : i32
          %mul3A_134 = arith.muli %while3A_74, %mul3A_133 : i32
          %add3A_135 = arith.addi %mul3A_134, %while3A_132 : i32
          %get3A_136 = arith.index_cast %add3A_135 : i32 to index
          %get3A_137 = tpu.vector_load %arg9[%get3A_136] {strides = array<i32>} : memref<3968xi32, #tpu.memory_space<vmem>>, vector<16xi32>,
          %slice3A = vector.extract_strided_slice %get3A_137 {offsets = [0], sizes = [1], strides = [1]} : vector<16xi32> to vector<1xi32>
          %squeeze3A = vector.extract %slice3A[0] : i32 from vector<1xi32>
          %mul3A_138 = arith.constant 16 : i32
          %mul3A_139 = arith.muli %while3A_74, %mul3A_138 : i32
          %add3A_140 = arith.addi %mul3A_139, %while3A_132 : i32
          %get3A_141 = arith.index_cast %add3A_140 : i32 to index
          %get3A_142 = tpu.vector_load %arg10[%get3A_141] {strides = array<i32>} : memref<3968xi32, #tpu.memory_space<vmem>>, vector<16xi32>,
          %slice3A_143 = vector.extract_strided_slice %get3A_142 {offsets = [0], sizes = [1], strides = [1]} : vector<16xi32> to vector<1xi32>
          %squeeze3A_144 = vector.extract %slice3A_143[0] : i32 from vector<1xi32>
          %broadcast_in_dim3A = vector.broadcast %select_n3A_87 : i32 to vector<16xi32>
          %mul3A_145 = arith.constant 256 : i32
          %mul3A_146 = arith.muli %while3A_74, %mul3A_145 : i32
          %add3A_147 = arith.addi %mul3A_0, %mul3A_146 : i32
          %sub3A_148 = arith.subi %squeeze3A, %add3A_147 : i32
          %broadcast_in_dim3A_149 = vector.broadcast %sub3A_148 : i32 to vector<16xi32>
          %gather3A = tpu.vector_load_idx %arg20[%broadcast_in_dim3A, %iota3A, %broadcast_in_dim3A_149] : memref<6x32x256xf32, #tpu.memory_space<vmem>>[vector<16xi32>, vector<16xi32>, vector<16xi32>], vector<16xf32>,
          %add3A_150 = arith.constant 16 : i32
          %add3A_151 = vector.broadcast %add3A_150 : i32 to vector<16xi32>
          %add3A_152 = arith.addi %iota3A, %add3A_151 : vector<16xi32>
          %gather3A_153 = tpu.vector_load_idx %arg20[%broadcast_in_dim3A, %add3A_152, %broadcast_in_dim3A_149] : memref<6x32x256xf32, #tpu.memory_space<vmem>>[vector<16xi32>, vector<16xi32>, vector<16xi32>], vector<16xf32>,
          %sub3A_154 = arith.constant 999936 : i32
          %sub3A_155 = arith.subi %squeeze3A, %sub3A_154 : i32
          %max3A = arith.constant 0 : i32
          %max3A_156 = arith.maxsi %sub3A_155, %max3A : i32
          %mul3A_157 = arith.constant 32 : i32
          %mul3A_158 = arith.muli %max3A_156, %mul3A_157 : i32
          %mul3A_159 = arith.constant 2048 : i32
          %mul3A_160 = arith.muli %arg0, %mul3A_159 : i32
          %add3A_161 = arith.addi %mul3A_158, %mul3A_160 : i32
          %add3A_162 = vector.broadcast %add3A_161 : i32 to vector<16xi32>
          %add3A_163 = arith.addi %add3A_162, %iota3A : vector<16xi32>
          %gather3A_164 = tpu.vector_load_idx %arg19[%add3A_163] : memref<4096xf32, #tpu.memory_space<vmem>>[vector<16xi32>], vector<16xf32>,
          %add3A_165 = arith.constant 16 : i32
          %add3A_166 = arith.addi %add3A_161, %add3A_165 : i32
          %add3A_167 = vector.broadcast %add3A_166 : i32 to vector<16xi32>
          %add3A_168 = arith.addi %add3A_167, %iota3A : vector<16xi32>
          %gather3A_169 = tpu.vector_load_idx %arg19[%add3A_168] : memref<4096xf32, #tpu.memory_space<vmem>>[vector<16xi32>], vector<16xf32>,
          %ge3A = arith.constant 999936 : i32
          %ge3A_170 = arith.cmpi sge, %squeeze3A, %ge3A : i32
          %broadcast_in_dim3A_171 = vector.broadcast %ge3A_170 : i1 to vector<16xi1>
          %select_n3A_172 = arith.select %broadcast_in_dim3A_171, %gather3A_164, %gather3A : vector<16xi1>, vector<16xf32>
          %select_n3A_173 = arith.select %broadcast_in_dim3A_171, %gather3A_169, %gather3A_153 : vector<16xi1>, vector<16xf32>
          %broadcast_in_dim3A_174 = vector.broadcast %while3A_132 : i32 to vector<16xi32>
          tpu.vector_store_idx %arg16[%broadcast_in_dim3A_174, %iota3A], %select_n3A_172 : memref<16x32xf32, #tpu.memory_space<vmem>>[vector<16xi32>, vector<16xi32>], vector<16xf32>,
          %add3A_175 = arith.constant 16 : i32
          %add3A_176 = vector.broadcast %add3A_175 : i32 to vector<16xi32>
          %add3A_177 = arith.addi %iota3A, %add3A_176 : vector<16xi32>
          tpu.vector_store_idx %arg16[%broadcast_in_dim3A_174, %add3A_177], %select_n3A_173 : memref<16x32xf32, #tpu.memory_space<vmem>>[vector<16xi32>, vector<16xi32>], vector<16xf32>,
          %dma_start3A = arith.constant 0 : i32
          %dma_start3A_178 = tpu.memref_slice %arg16[%while3A_132, %dma_start3A] : memref<16x32xf32, #tpu.memory_space<vmem>> -> memref<1x32xf32, #tpu.memory_space<vmem>>
          %dma_start3A_179 = tpu.memref_squeeze %dma_start3A_178 : memref<1x32xf32, #tpu.memory_space<vmem>> -> memref<32xf32, #tpu.memory_space<vmem>>
          %dma_start3A_180 = arith.constant 0 : i32
          %dma_start3A_181 = tpu.memref_slice %arg7[%squeeze3A_144, %dma_start3A_180] : memref<16384x32xf32, #tpu.memory_space<hbm>> -> memref<1x32xf32, #tpu.memory_space<hbm>>
          %dma_start3A_182 = tpu.memref_squeeze %dma_start3A_181 : memref<1x32xf32, #tpu.memory_space<hbm>> -> memref<32xf32, #tpu.memory_space<hbm>>
          %dma_start3A_183 = arith.constant 0 : i32
          %dma_start3A_184 = tpu.memref_slice %arg7[%squeeze3A_144, %dma_start3A_183] : memref<16384x32xf32, #tpu.memory_space<hbm>> -> memref<1x32xf32, #tpu.memory_space<hbm>>
          %dma_start3A_185 = tpu.memref_squeeze %dma_start3A_184 : memref<1x32xf32, #tpu.memory_space<hbm>> -> memref<32xf32, #tpu.memory_space<hbm>>
          %dma_start3A_186 = arith.constant 0 : i32
          %dma_start3A_187 = tpu.memref_slice %arg16[%while3A_132, %dma_start3A_186] : memref<16x32xf32, #tpu.memory_space<vmem>> -> memref<1x32xf32, #tpu.memory_space<vmem>>
          %dma_start3A_188 = tpu.memref_squeeze %dma_start3A_187 : memref<1x32xf32, #tpu.memory_space<vmem>> -> memref<32xf32, #tpu.memory_space<vmem>>
          tpu.enqueue_dma source(%dma_start3A_188 : memref<32xf32, #tpu.memory_space<vmem>>) target(%dma_start3A_185 : memref<32xf32, #tpu.memory_space<hbm>>) target_semaphore(%arg17 : memref<!tpu.dma_semaphore, #tpu.memory_space<semaphore_mem>>)
        }
        %while3A_121 = arith.constant 1 : i32
        scf.for %while3A_132 = %while3A_119 to %while3A_115 step %while3A_121  : i32 {
          %mul3A_133 = arith.constant 16 : i32
          %mul3A_134 = arith.muli %while3A_74, %mul3A_133 : i32
          %add3A_135 = arith.addi %mul3A_134, %while3A_132 : i32
          %get3A_136 = arith.index_cast %add3A_135 : i32 to index
          %get3A_137 = tpu.vector_load %arg9[%get3A_136] {strides = array<i32>} : memref<3968xi32, #tpu.memory_space<vmem>>, vector<16xi32>,
          %slice3A = vector.extract_strided_slice %get3A_137 {offsets = [0], sizes = [1], strides = [1]} : vector<16xi32> to vector<1xi32>
          %squeeze3A = vector.extract %slice3A[0] : i32 from vector<1xi32>
          %mul3A_138 = arith.constant 16 : i32
          %mul3A_139 = arith.muli %while3A_74, %mul3A_138 : i32
          %add3A_140 = arith.addi %mul3A_139, %while3A_132 : i32
          %get3A_141 = arith.index_cast %add3A_140 : i32 to index
          %get3A_142 = tpu.vector_load %arg10[%get3A_141] {strides = array<i32>} : memref<3968xi32, #tpu.memory_space<vmem>>, vector<16xi32>,
          %slice3A_143 = vector.extract_strided_slice %get3A_142 {offsets = [0], sizes = [1], strides = [1]} : vector<16xi32> to vector<1xi32>
          %squeeze3A_144 = vector.extract %slice3A_143[0] : i32 from vector<1xi32>
          %broadcast_in_dim3A = vector.broadcast %select_n3A_87 : i32 to vector<16xi32>
          %mul3A_145 = arith.constant 256 : i32
          %mul3A_146 = arith.muli %while3A_74, %mul3A_145 : i32
          %add3A_147 = arith.addi %mul3A_0, %mul3A_146 : i32
          %sub3A_148 = arith.subi %squeeze3A, %add3A_147 : i32
          %broadcast_in_dim3A_149 = vector.broadcast %sub3A_148 : i32 to vector<16xi32>
          %gather3A = tpu.vector_load_idx %arg20[%broadcast_in_dim3A, %iota3A, %broadcast_in_dim3A_149] : memref<6x32x256xf32, #tpu.memory_space<vmem>>[vector<16xi32>, vector<16xi32>, vector<16xi32>], vector<16xf32>,
          %add3A_150 = arith.constant 16 : i32
          %add3A_151 = vector.broadcast %add3A_150 : i32 to vector<16xi32>
          %add3A_152 = arith.addi %iota3A, %add3A_151 : vector<16xi32>
          %gather3A_153 = tpu.vector_load_idx %arg20[%broadcast_in_dim3A, %add3A_152, %broadcast_in_dim3A_149] : memref<6x32x256xf32, #tpu.memory_space<vmem>>[vector<16xi32>, vector<16xi32>, vector<16xi32>], vector<16xf32>,
          %sub3A_154 = arith.constant 999936 : i32
          %sub3A_155 = arith.subi %squeeze3A, %sub3A_154 : i32
          %max3A = arith.constant 0 : i32
          %max3A_156 = arith.maxsi %sub3A_155, %max3A : i32
          %mul3A_157 = arith.constant 32 : i32
          %mul3A_158 = arith.muli %max3A_156, %mul3A_157 : i32
          %mul3A_159 = arith.constant 2048 : i32
          %mul3A_160 = arith.muli %arg0, %mul3A_159 : i32
          %add3A_161 = arith.addi %mul3A_158, %mul3A_160 : i32
          %add3A_162 = vector.broadcast %add3A_161 : i32 to vector<16xi32>
          %add3A_163 = arith.addi %add3A_162, %iota3A : vector<16xi32>
          %gather3A_164 = tpu.vector_load_idx %arg19[%add3A_163] : memref<4096xf32, #tpu.memory_space<vmem>>[vector<16xi32>], vector<16xf32>,
          %add3A_165 = arith.constant 16 : i32
          %add3A_166 = arith.addi %add3A_161, %add3A_165 : i32
          %add3A_167 = vector.broadcast %add3A_166 : i32 to vector<16xi32>
          %add3A_168 = arith.addi %add3A_167, %iota3A : vector<16xi32>
          %gather3A_169 = tpu.vector_load_idx %arg19[%add3A_168] : memref<4096xf32, #tpu.memory_space<vmem>>[vector<16xi32>], vector<16xf32>,
          %ge3A = arith.constant 999936 : i32
          %ge3A_170 = arith.cmpi sge, %squeeze3A, %ge3A : i32
          %broadcast_in_dim3A_171 = vector.broadcast %ge3A_170 : i1 to vector<16xi1>
          %select_n3A_172 = arith.select %broadcast_in_dim3A_171, %gather3A_164, %gather3A : vector<16xi1>, vector<16xf32>
          %select_n3A_173 = arith.select %broadcast_in_dim3A_171, %gather3A_169, %gather3A_153 : vector<16xi1>, vector<16xf32>
          %broadcast_in_dim3A_174 = vector.broadcast %while3A_132 : i32 to vector<16xi32>
          tpu.vector_store_idx %arg16[%broadcast_in_dim3A_174, %iota3A], %select_n3A_172 : memref<16x32xf32, #tpu.memory_space<vmem>>[vector<16xi32>, vector<16xi32>], vector<16xf32>,
          %add3A_175 = arith.constant 16 : i32
          %add3A_176 = vector.broadcast %add3A_175 : i32 to vector<16xi32>
          %add3A_177 = arith.addi %iota3A, %add3A_176 : vector<16xi32>
          tpu.vector_store_idx %arg16[%broadcast_in_dim3A_174, %add3A_177], %select_n3A_173 : memref<16x32xf32, #tpu.memory_space<vmem>>[vector<16xi32>, vector<16xi32>], vector<16xf32>,
          %dma_start3A = arith.constant 0 : i32
          %dma_start3A_178 = tpu.memref_slice %arg16[%while3A_132, %dma_start3A] : memref<16x32xf32, #tpu.memory_space<vmem>> -> memref<1x32xf32, #tpu.memory_space<vmem>>
          %dma_start3A_179 = tpu.memref_squeeze %dma_start3A_178 : memref<1x32xf32, #tpu.memory_space<vmem>> -> memref<32xf32, #tpu.memory_space<vmem>>
          %dma_start3A_180 = arith.constant 0 : i32
          %dma_start3A_181 = tpu.memref_slice %arg7[%squeeze3A_144, %dma_start3A_180] : memref<16384x32xf32, #tpu.memory_space<hbm>> -> memref<1x32xf32, #tpu.memory_space<hbm>>
          %dma_start3A_182 = tpu.memref_squeeze %dma_start3A_181 : memref<1x32xf32, #tpu.memory_space<hbm>> -> memref<32xf32, #tpu.memory_space<hbm>>
          %dma_start3A_183 = arith.constant 0 : i32
          %dma_start3A_184 = tpu.memref_slice %arg7[%squeeze3A_144, %dma_start3A_183] : memref<16384x32xf32, #tpu.memory_space<hbm>> -> memref<1x32xf32, #tpu.memory_space<hbm>>
          %dma_start3A_185 = tpu.memref_squeeze %dma_start3A_184 : memref<1x32xf32, #tpu.memory_space<hbm>> -> memref<32xf32, #tpu.memory_space<hbm>>
          %dma_start3A_186 = arith.constant 0 : i32
          %dma_start3A_187 = tpu.memref_slice %arg16[%while3A_132, %dma_start3A_186] : memref<16x32xf32, #tpu.memory_space<vmem>> -> memref<1x32xf32, #tpu.memory_space<vmem>>
          %dma_start3A_188 = tpu.memref_squeeze %dma_start3A_187 : memref<1x32xf32, #tpu.memory_space<vmem>> -> memref<32xf32, #tpu.memory_space<vmem>>
          tpu.enqueue_dma source(%dma_start3A_188 : memref<32xf32, #tpu.memory_space<vmem>>) target(%dma_start3A_185 : memref<32xf32, #tpu.memory_space<hbm>>) target_semaphore(%arg17 : memref<!tpu.dma_semaphore, #tpu.memory_space<semaphore_mem>>)
        }
        %while3A_122 = arith.constant 0 : i32
        %while3A_123 = arith.constant 0 : i32
        %while3A_124 = arith.subi %min3A_111, %while3A_123 : i32
        %while3A_125 = arith.addi %while3A_123, %while3A_124 : i32
        %while3A_126 = arith.constant 1 : i32
        %while3A_127 = arith.divsi %while3A_124, %while3A_126 : i32
        %while3A_128 = arith.muli %while3A_127, %while3A_126 : i32
        %while3A_129 = arith.addi %while3A_123, %while3A_128 : i32
        %while3A_130 = arith.constant 1 : i32
        scf.for %while3A_132 = %while3A_123 to %while3A_129 step %while3A_130  : i32 {
          %dma_wait3A_133 = arith.constant 0 : i32
          %dma_wait3A_134 = arith.constant 0 : i32
          %dma_wait3A_135 = arith.constant 0 : i32
          %dma_wait3A_136 = tpu.memref_slice %arg16[%dma_wait3A_133, %dma_wait3A_135] : memref<16x32xf32, #tpu.memory_space<vmem>> -> memref<1x32xf32, #tpu.memory_space<vmem>>
          %dma_wait3A_137 = tpu.memref_squeeze %dma_wait3A_136 : memref<1x32xf32, #tpu.memory_space<vmem>> -> memref<32xf32, #tpu.memory_space<vmem>>
          %dma_wait3A_138 = arith.constant 0 : i32
          %dma_wait3A_139 = tpu.memref_slice %arg7[%dma_wait3A_134, %dma_wait3A_138] : memref<16384x32xf32, #tpu.memory_space<hbm>> -> memref<1x32xf32, #tpu.memory_space<hbm>>
          %dma_wait3A_140 = tpu.memref_squeeze %dma_wait3A_139 : memref<1x32xf32, #tpu.memory_space<hbm>> -> memref<32xf32, #tpu.memory_space<hbm>>
          %dma_wait3A_141 = arith.constant 0 : i32
          %dma_wait3A_142 = tpu.memref_slice %arg7[%dma_wait3A_134, %dma_wait3A_141] : memref<16384x32xf32, #tpu.memory_space<hbm>> -> memref<1x32xf32, #tpu.memory_space<hbm>>
          %dma_wait3A_143 = tpu.memref_squeeze %dma_wait3A_142 : memref<1x32xf32, #tpu.memory_space<hbm>> -> memref<32xf32, #tpu.memory_space<hbm>>
          %dma_wait3A_144 = arith.constant 0 : i32
          %dma_wait3A_145 = tpu.memref_slice %arg16[%dma_wait3A_133, %dma_wait3A_144] : memref<16x32xf32, #tpu.memory_space<vmem>> -> memref<1x32xf32, #tpu.memory_space<vmem>>
          %dma_wait3A_146 = tpu.memref_squeeze %dma_wait3A_145 : memref<1x32xf32, #tpu.memory_space<vmem>> -> memref<32xf32, #tpu.memory_space<vmem>>
          tpu.wait_dma2 semaphore(%arg17 : memref<!tpu.dma_semaphore, #tpu.memory_space<semaphore_mem>>) src(%dma_wait3A_146 : memref<32xf32, #tpu.memory_space<vmem>>) dst(%dma_wait3A_143 : memref<32xf32, #tpu.memory_space<hbm>>)
        }
        %while3A_131 = arith.constant 1 : i32
        scf.for %while3A_132 = %while3A_129 to %while3A_125 step %while3A_131  : i32 {
          %dma_wait3A_133 = arith.constant 0 : i32
          %dma_wait3A_134 = arith.constant 0 : i32
          %dma_wait3A_135 = arith.constant 0 : i32
          %dma_wait3A_136 = tpu.memref_slice %arg16[%dma_wait3A_133, %dma_wait3A_135] : memref<16x32xf32, #tpu.memory_space<vmem>> -> memref<1x32xf32, #tpu.memory_space<vmem>>
          %dma_wait3A_137 = tpu.memref_squeeze %dma_wait3A_136 : memref<1x32xf32, #tpu.memory_space<vmem>> -> memref<32xf32, #tpu.memory_space<vmem>>
          %dma_wait3A_138 = arith.constant 0 : i32
          %dma_wait3A_139 = tpu.memref_slice %arg7[%dma_wait3A_134, %dma_wait3A_138] : memref<16384x32xf32, #tpu.memory_space<hbm>> -> memref<1x32xf32, #tpu.memory_space<hbm>>
          %dma_wait3A_140 = tpu.memref_squeeze %dma_wait3A_139 : memref<1x32xf32, #tpu.memory_space<hbm>> -> memref<32xf32, #tpu.memory_space<hbm>>
          %dma_wait3A_141 = arith.constant 0 : i32
          %dma_wait3A_142 = tpu.memref_slice %arg7[%dma_wait3A_134, %dma_wait3A_141] : memref<16384x32xf32, #tpu.memory_space<hbm>> -> memref<1x32xf32, #tpu.memory_space<hbm>>
          %dma_wait3A_143 = tpu.memref_squeeze %dma_wait3A_142 : memref<1x32xf32, #tpu.memory_space<hbm>> -> memref<32xf32, #tpu.memory_space<hbm>>
          %dma_wait3A_144 = arith.constant 0 : i32
          %dma_wait3A_145 = tpu.memref_slice %arg16[%dma_wait3A_133, %dma_wait3A_144] : memref<16x32xf32, #tpu.memory_space<vmem>> -> memref<1x32xf32, #tpu.memory_space<vmem>>
          %dma_wait3A_146 = tpu.memref_squeeze %dma_wait3A_145 : memref<1x32xf32, #tpu.memory_space<vmem>> -> memref<32xf32, #tpu.memory_space<vmem>>
          tpu.wait_dma2 semaphore(%arg17 : memref<!tpu.dma_semaphore, #tpu.memory_space<semaphore_mem>>) src(%dma_wait3A_146 : memref<32xf32, #tpu.memory_space<vmem>>) dst(%dma_wait3A_143 : memref<32xf32, #tpu.memory_space<hbm>>)
        }
      }
      %convert_element_type3A_71 = arith.extui %eq3A_1 : i1 to i32
      %cond3A_72 = arith.constant 0 : i32
      %cond3A_73 = arith.cmpi ne, %convert_element_type3A_71, %cond3A_72 : i32
      scf.if %cond3A_73 {
        %get3A = arith.constant 246 : i32
        %get3A_74 = arith.index_cast %get3A : i32 to index
        %get3A_75 = memref.load %arg11[%get3A_74] : memref<247xi32, #tpu.memory_space<smem>>
        %min3A = arith.constant 16 : i32
        %min3A_76 = arith.minsi %get3A_75, %min3A : i32
        %while3A_77 = arith.constant 0 : i32
        %while3A_78 = arith.constant 0 : i32
        %while3A_79 = arith.subi %min3A_76, %while3A_78 : i32
        %while3A_80 = arith.addi %while3A_78, %while3A_79 : i32
        %while3A_81 = arith.constant 1 : i32
        %while3A_82 = arith.divsi %while3A_79, %while3A_81 : i32
        %while3A_83 = arith.muli %while3A_82, %while3A_81 : i32
        %while3A_84 = arith.addi %while3A_78, %while3A_83 : i32
        %while3A_85 = arith.constant 1 : i32
        scf.for %while3A_97 = %while3A_78 to %while3A_84 step %while3A_85  : i32 {
          %add3A_98 = arith.constant 3936 : i32
          %add3A_99 = arith.addi %add3A_98, %while3A_97 : i32
          %get3A_100 = arith.index_cast %add3A_99 : i32 to index
          %get3A_101 = tpu.vector_load %arg9[%get3A_100] {strides = array<i32>} : memref<3968xi32, #tpu.memory_space<vmem>>, vector<16xi32>,
          %slice3A = vector.extract_strided_slice %get3A_101 {offsets = [0], sizes = [1], strides = [1]} : vector<16xi32> to vector<1xi32>
          %squeeze3A = vector.extract %slice3A[0] : i32 from vector<1xi32>
          %add3A_102 = arith.constant 3936 : i32
          %add3A_103 = arith.addi %add3A_102, %while3A_97 : i32
          %get3A_104 = arith.index_cast %add3A_103 : i32 to index
          %get3A_105 = tpu.vector_load %arg10[%get3A_104] {strides = array<i32>} : memref<3968xi32, #tpu.memory_space<vmem>>, vector<16xi32>,
          %slice3A_106 = vector.extract_strided_slice %get3A_105 {offsets = [0], sizes = [1], strides = [1]} : vector<16xi32> to vector<1xi32>
          %squeeze3A_107 = vector.extract %slice3A_106[0] : i32 from vector<1xi32>
          %broadcast_in_dim3A = arith.constant 0 : i32
          %broadcast_in_dim3A_108 = vector.broadcast %broadcast_in_dim3A : i32 to vector<16xi32>
          %gather3A = tpu.vector_load_idx %arg14[%iota3A, %broadcast_in_dim3A_108] : memref<32x128xf32, #tpu.memory_space<vmem>>[vector<16xi32>, vector<16xi32>], vector<16xf32>,
          %add3A_109 = arith.constant 16 : i32
          %add3A_110 = vector.broadcast %add3A_109 : i32 to vector<16xi32>
          %add3A_111 = arith.addi %iota3A, %add3A_110 : vector<16xi32>
          %gather3A_112 = tpu.vector_load_idx %arg14[%add3A_111, %broadcast_in_dim3A_108] : memref<32x128xf32, #tpu.memory_space<vmem>>[vector<16xi32>, vector<16xi32>], vector<16xf32>,
          %sub3A = arith.constant 999936 : i32
          %sub3A_113 = arith.subi %squeeze3A, %sub3A : i32
          %max3A = arith.constant 0 : i32
          %max3A_114 = arith.maxsi %sub3A_113, %max3A : i32
          %mul3A_115 = arith.constant 32 : i32
          %mul3A_116 = arith.muli %max3A_114, %mul3A_115 : i32
          %mul3A_117 = arith.constant 2048 : i32
          %mul3A_118 = arith.muli %arg0, %mul3A_117 : i32
          %add3A_119 = arith.addi %mul3A_116, %mul3A_118 : i32
          %add3A_120 = vector.broadcast %add3A_119 : i32 to vector<16xi32>
          %add3A_121 = arith.addi %add3A_120, %iota3A : vector<16xi32>
          %gather3A_122 = tpu.vector_load_idx %arg19[%add3A_121] : memref<4096xf32, #tpu.memory_space<vmem>>[vector<16xi32>], vector<16xf32>,
          %add3A_123 = arith.constant 16 : i32
          %add3A_124 = arith.addi %add3A_119, %add3A_123 : i32
          %add3A_125 = vector.broadcast %add3A_124 : i32 to vector<16xi32>
          %add3A_126 = arith.addi %add3A_125, %iota3A : vector<16xi32>
          %gather3A_127 = tpu.vector_load_idx %arg19[%add3A_126] : memref<4096xf32, #tpu.memory_space<vmem>>[vector<16xi32>], vector<16xf32>,
          %ge3A = arith.constant 999936 : i32
          %ge3A_128 = arith.cmpi sge, %squeeze3A, %ge3A : i32
          %broadcast_in_dim3A_129 = vector.broadcast %ge3A_128 : i1 to vector<16xi1>
          %select_n3A_130 = arith.select %broadcast_in_dim3A_129, %gather3A_122, %gather3A : vector<16xi1>, vector<16xf32>
          %select_n3A_131 = arith.select %broadcast_in_dim3A_129, %gather3A_127, %gather3A_112 : vector<16xi1>, vector<16xf32>
          %broadcast_in_dim3A_132 = vector.broadcast %while3A_97 : i32 to vector<16xi32>
          tpu.vector_store_idx %arg16[%broadcast_in_dim3A_132, %iota3A], %select_n3A_130 : memref<16x32xf32, #tpu.memory_space<vmem>>[vector<16xi32>, vector<16xi32>], vector<16xf32>,
          %add3A_133 = arith.constant 16 : i32
          %add3A_134 = vector.broadcast %add3A_133 : i32 to vector<16xi32>
          %add3A_135 = arith.addi %iota3A, %add3A_134 : vector<16xi32>
          tpu.vector_store_idx %arg16[%broadcast_in_dim3A_132, %add3A_135], %select_n3A_131 : memref<16x32xf32, #tpu.memory_space<vmem>>[vector<16xi32>, vector<16xi32>], vector<16xf32>,
          %dma_start3A = arith.constant 0 : i32
          %dma_start3A_136 = tpu.memref_slice %arg16[%while3A_97, %dma_start3A] : memref<16x32xf32, #tpu.memory_space<vmem>> -> memref<1x32xf32, #tpu.memory_space<vmem>>
          %dma_start3A_137 = tpu.memref_squeeze %dma_start3A_136 : memref<1x32xf32, #tpu.memory_space<vmem>> -> memref<32xf32, #tpu.memory_space<vmem>>
          %dma_start3A_138 = arith.constant 0 : i32
          %dma_start3A_139 = tpu.memref_slice %arg7[%squeeze3A_107, %dma_start3A_138] : memref<16384x32xf32, #tpu.memory_space<hbm>> -> memref<1x32xf32, #tpu.memory_space<hbm>>
          %dma_start3A_140 = tpu.memref_squeeze %dma_start3A_139 : memref<1x32xf32, #tpu.memory_space<hbm>> -> memref<32xf32, #tpu.memory_space<hbm>>
          %dma_start3A_141 = arith.constant 0 : i32
          %dma_start3A_142 = tpu.memref_slice %arg7[%squeeze3A_107, %dma_start3A_141] : memref<16384x32xf32, #tpu.memory_space<hbm>> -> memref<1x32xf32, #tpu.memory_space<hbm>>
          %dma_start3A_143 = tpu.memref_squeeze %dma_start3A_142 : memref<1x32xf32, #tpu.memory_space<hbm>> -> memref<32xf32, #tpu.memory_space<hbm>>
          %dma_start3A_144 = arith.constant 0 : i32
          %dma_start3A_145 = tpu.memref_slice %arg16[%while3A_97, %dma_start3A_144] : memref<16x32xf32, #tpu.memory_space<vmem>> -> memref<1x32xf32, #tpu.memory_space<vmem>>
          %dma_start3A_146 = tpu.memref_squeeze %dma_start3A_145 : memref<1x32xf32, #tpu.memory_space<vmem>> -> memref<32xf32, #tpu.memory_space<vmem>>
          tpu.enqueue_dma source(%dma_start3A_146 : memref<32xf32, #tpu.memory_space<vmem>>) target(%dma_start3A_143 : memref<32xf32, #tpu.memory_space<hbm>>) target_semaphore(%arg17 : memref<!tpu.dma_semaphore, #tpu.memory_space<semaphore_mem>>)
        }
        %while3A_86 = arith.constant 1 : i32
        scf.for %while3A_97 = %while3A_84 to %while3A_80 step %while3A_86  : i32 {
          %add3A_98 = arith.constant 3936 : i32
          %add3A_99 = arith.addi %add3A_98, %while3A_97 : i32
          %get3A_100 = arith.index_cast %add3A_99 : i32 to index
          %get3A_101 = tpu.vector_load %arg9[%get3A_100] {strides = array<i32>} : memref<3968xi32, #tpu.memory_space<vmem>>, vector<16xi32>,
          %slice3A = vector.extract_strided_slice %get3A_101 {offsets = [0], sizes = [1], strides = [1]} : vector<16xi32> to vector<1xi32>
          %squeeze3A = vector.extract %slice3A[0] : i32 from vector<1xi32>
          %add3A_102 = arith.constant 3936 : i32
          %add3A_103 = arith.addi %add3A_102, %while3A_97 : i32
          %get3A_104 = arith.index_cast %add3A_103 : i32 to index
          %get3A_105 = tpu.vector_load %arg10[%get3A_104] {strides = array<i32>} : memref<3968xi32, #tpu.memory_space<vmem>>, vector<16xi32>,
          %slice3A_106 = vector.extract_strided_slice %get3A_105 {offsets = [0], sizes = [1], strides = [1]} : vector<16xi32> to vector<1xi32>
          %squeeze3A_107 = vector.extract %slice3A_106[0] : i32 from vector<1xi32>
          %broadcast_in_dim3A = arith.constant 0 : i32
          %broadcast_in_dim3A_108 = vector.broadcast %broadcast_in_dim3A : i32 to vector<16xi32>
          %gather3A = tpu.vector_load_idx %arg14[%iota3A, %broadcast_in_dim3A_108] : memref<32x128xf32, #tpu.memory_space<vmem>>[vector<16xi32>, vector<16xi32>], vector<16xf32>,
          %add3A_109 = arith.constant 16 : i32
          %add3A_110 = vector.broadcast %add3A_109 : i32 to vector<16xi32>
          %add3A_111 = arith.addi %iota3A, %add3A_110 : vector<16xi32>
          %gather3A_112 = tpu.vector_load_idx %arg14[%add3A_111, %broadcast_in_dim3A_108] : memref<32x128xf32, #tpu.memory_space<vmem>>[vector<16xi32>, vector<16xi32>], vector<16xf32>,
          %sub3A = arith.constant 999936 : i32
          %sub3A_113 = arith.subi %squeeze3A, %sub3A : i32
          %max3A = arith.constant 0 : i32
          %max3A_114 = arith.maxsi %sub3A_113, %max3A : i32
          %mul3A_115 = arith.constant 32 : i32
          %mul3A_116 = arith.muli %max3A_114, %mul3A_115 : i32
          %mul3A_117 = arith.constant 2048 : i32
          %mul3A_118 = arith.muli %arg0, %mul3A_117 : i32
          %add3A_119 = arith.addi %mul3A_116, %mul3A_118 : i32
          %add3A_120 = vector.broadcast %add3A_119 : i32 to vector<16xi32>
          %add3A_121 = arith.addi %add3A_120, %iota3A : vector<16xi32>
          %gather3A_122 = tpu.vector_load_idx %arg19[%add3A_121] : memref<4096xf32, #tpu.memory_space<vmem>>[vector<16xi32>], vector<16xf32>,
          %add3A_123 = arith.constant 16 : i32
          %add3A_124 = arith.addi %add3A_119, %add3A_123 : i32
          %add3A_125 = vector.broadcast %add3A_124 : i32 to vector<16xi32>
          %add3A_126 = arith.addi %add3A_125, %iota3A : vector<16xi32>
          %gather3A_127 = tpu.vector_load_idx %arg19[%add3A_126] : memref<4096xf32, #tpu.memory_space<vmem>>[vector<16xi32>], vector<16xf32>,
          %ge3A = arith.constant 999936 : i32
          %ge3A_128 = arith.cmpi sge, %squeeze3A, %ge3A : i32
          %broadcast_in_dim3A_129 = vector.broadcast %ge3A_128 : i1 to vector<16xi1>
          %select_n3A_130 = arith.select %broadcast_in_dim3A_129, %gather3A_122, %gather3A : vector<16xi1>, vector<16xf32>
          %select_n3A_131 = arith.select %broadcast_in_dim3A_129, %gather3A_127, %gather3A_112 : vector<16xi1>, vector<16xf32>
          %broadcast_in_dim3A_132 = vector.broadcast %while3A_97 : i32 to vector<16xi32>
          tpu.vector_store_idx %arg16[%broadcast_in_dim3A_132, %iota3A], %select_n3A_130 : memref<16x32xf32, #tpu.memory_space<vmem>>[vector<16xi32>, vector<16xi32>], vector<16xf32>,
          %add3A_133 = arith.constant 16 : i32
          %add3A_134 = vector.broadcast %add3A_133 : i32 to vector<16xi32>
          %add3A_135 = arith.addi %iota3A, %add3A_134 : vector<16xi32>
          tpu.vector_store_idx %arg16[%broadcast_in_dim3A_132, %add3A_135], %select_n3A_131 : memref<16x32xf32, #tpu.memory_space<vmem>>[vector<16xi32>, vector<16xi32>], vector<16xf32>,
          %dma_start3A = arith.constant 0 : i32
          %dma_start3A_136 = tpu.memref_slice %arg16[%while3A_97, %dma_start3A] : memref<16x32xf32, #tpu.memory_space<vmem>> -> memref<1x32xf32, #tpu.memory_space<vmem>>
          %dma_start3A_137 = tpu.memref_squeeze %dma_start3A_136 : memref<1x32xf32, #tpu.memory_space<vmem>> -> memref<32xf32, #tpu.memory_space<vmem>>
          %dma_start3A_138 = arith.constant 0 : i32
          %dma_start3A_139 = tpu.memref_slice %arg7[%squeeze3A_107, %dma_start3A_138] : memref<16384x32xf32, #tpu.memory_space<hbm>> -> memref<1x32xf32, #tpu.memory_space<hbm>>
          %dma_start3A_140 = tpu.memref_squeeze %dma_start3A_139 : memref<1x32xf32, #tpu.memory_space<hbm>> -> memref<32xf32, #tpu.memory_space<hbm>>
          %dma_start3A_141 = arith.constant 0 : i32
          %dma_start3A_142 = tpu.memref_slice %arg7[%squeeze3A_107, %dma_start3A_141] : memref<16384x32xf32, #tpu.memory_space<hbm>> -> memref<1x32xf32, #tpu.memory_space<hbm>>
          %dma_start3A_143 = tpu.memref_squeeze %dma_start3A_142 : memref<1x32xf32, #tpu.memory_space<hbm>> -> memref<32xf32, #tpu.memory_space<hbm>>
          %dma_start3A_144 = arith.constant 0 : i32
          %dma_start3A_145 = tpu.memref_slice %arg16[%while3A_97, %dma_start3A_144] : memref<16x32xf32, #tpu.memory_space<vmem>> -> memref<1x32xf32, #tpu.memory_space<vmem>>
          %dma_start3A_146 = tpu.memref_squeeze %dma_start3A_145 : memref<1x32xf32, #tpu.memory_space<vmem>> -> memref<32xf32, #tpu.memory_space<vmem>>
          tpu.enqueue_dma source(%dma_start3A_146 : memref<32xf32, #tpu.memory_space<vmem>>) target(%dma_start3A_143 : memref<32xf32, #tpu.memory_space<hbm>>) target_semaphore(%arg17 : memref<!tpu.dma_semaphore, #tpu.memory_space<semaphore_mem>>)
        }
        %while3A_87 = arith.constant 0 : i32
        %while3A_88 = arith.constant 0 : i32
        %while3A_89 = arith.subi %min3A_76, %while3A_88 : i32
        %while3A_90 = arith.addi %while3A_88, %while3A_89 : i32
        %while3A_91 = arith.constant 1 : i32
        %while3A_92 = arith.divsi %while3A_89, %while3A_91 : i32
        %while3A_93 = arith.muli %while3A_92, %while3A_91 : i32
        %while3A_94 = arith.addi %while3A_88, %while3A_93 : i32
        %while3A_95 = arith.constant 1 : i32
        scf.for %while3A_97 = %while3A_88 to %while3A_94 step %while3A_95  : i32 {
          %dma_wait3A = arith.constant 0 : i32
          %dma_wait3A_98 = arith.constant 0 : i32
          %dma_wait3A_99 = arith.constant 0 : i32
          %dma_wait3A_100 = tpu.memref_slice %arg16[%dma_wait3A, %dma_wait3A_99] : memref<16x32xf32, #tpu.memory_space<vmem>> -> memref<1x32xf32, #tpu.memory_space<vmem>>
          %dma_wait3A_101 = tpu.memref_squeeze %dma_wait3A_100 : memref<1x32xf32, #tpu.memory_space<vmem>> -> memref<32xf32, #tpu.memory_space<vmem>>
          %dma_wait3A_102 = arith.constant 0 : i32
          %dma_wait3A_103 = tpu.memref_slice %arg7[%dma_wait3A_98, %dma_wait3A_102] : memref<16384x32xf32, #tpu.memory_space<hbm>> -> memref<1x32xf32, #tpu.memory_space<hbm>>
          %dma_wait3A_104 = tpu.memref_squeeze %dma_wait3A_103 : memref<1x32xf32, #tpu.memory_space<hbm>> -> memref<32xf32, #tpu.memory_space<hbm>>
          %dma_wait3A_105 = arith.constant 0 : i32
          %dma_wait3A_106 = tpu.memref_slice %arg7[%dma_wait3A_98, %dma_wait3A_105] : memref<16384x32xf32, #tpu.memory_space<hbm>> -> memref<1x32xf32, #tpu.memory_space<hbm>>
          %dma_wait3A_107 = tpu.memref_squeeze %dma_wait3A_106 : memref<1x32xf32, #tpu.memory_space<hbm>> -> memref<32xf32, #tpu.memory_space<hbm>>
          %dma_wait3A_108 = arith.constant 0 : i32
          %dma_wait3A_109 = tpu.memref_slice %arg16[%dma_wait3A, %dma_wait3A_108] : memref<16x32xf32, #tpu.memory_space<vmem>> -> memref<1x32xf32, #tpu.memory_space<vmem>>
          %dma_wait3A_110 = tpu.memref_squeeze %dma_wait3A_109 : memref<1x32xf32, #tpu.memory_space<vmem>> -> memref<32xf32, #tpu.memory_space<vmem>>
          tpu.wait_dma2 semaphore(%arg17 : memref<!tpu.dma_semaphore, #tpu.memory_space<semaphore_mem>>) src(%dma_wait3A_110 : memref<32xf32, #tpu.memory_space<vmem>>) dst(%dma_wait3A_107 : memref<32xf32, #tpu.memory_space<hbm>>)
        }
        %while3A_96 = arith.constant 1 : i32
        scf.for %while3A_97 = %while3A_94 to %while3A_90 step %while3A_96  : i32 {
          %dma_wait3A = arith.constant 0 : i32
          %dma_wait3A_98 = arith.constant 0 : i32
          %dma_wait3A_99 = arith.constant 0 : i32
          %dma_wait3A_100 = tpu.memref_slice %arg16[%dma_wait3A, %dma_wait3A_99] : memref<16x32xf32, #tpu.memory_space<vmem>> -> memref<1x32xf32, #tpu.memory_space<vmem>>
          %dma_wait3A_101 = tpu.memref_squeeze %dma_wait3A_100 : memref<1x32xf32, #tpu.memory_space<vmem>> -> memref<32xf32, #tpu.memory_space<vmem>>
          %dma_wait3A_102 = arith.constant 0 : i32
          %dma_wait3A_103 = tpu.memref_slice %arg7[%dma_wait3A_98, %dma_wait3A_102] : memref<16384x32xf32, #tpu.memory_space<hbm>> -> memref<1x32xf32, #tpu.memory_space<hbm>>
          %dma_wait3A_104 = tpu.memref_squeeze %dma_wait3A_103 : memref<1x32xf32, #tpu.memory_space<hbm>> -> memref<32xf32, #tpu.memory_space<hbm>>
          %dma_wait3A_105 = arith.constant 0 : i32
          %dma_wait3A_106 = tpu.memref_slice %arg7[%dma_wait3A_98, %dma_wait3A_105] : memref<16384x32xf32, #tpu.memory_space<hbm>> -> memref<1x32xf32, #tpu.memory_space<hbm>>
          %dma_wait3A_107 = tpu.memref_squeeze %dma_wait3A_106 : memref<1x32xf32, #tpu.memory_space<hbm>> -> memref<32xf32, #tpu.memory_space<hbm>>
          %dma_wait3A_108 = arith.constant 0 : i32
          %dma_wait3A_109 = tpu.memref_slice %arg16[%dma_wait3A, %dma_wait3A_108] : memref<16x32xf32, #tpu.memory_space<vmem>> -> memref<1x32xf32, #tpu.memory_space<vmem>>
          %dma_wait3A_110 = tpu.memref_squeeze %dma_wait3A_109 : memref<1x32xf32, #tpu.memory_space<vmem>> -> memref<32xf32, #tpu.memory_space<vmem>>
          tpu.wait_dma2 semaphore(%arg17 : memref<!tpu.dma_semaphore, #tpu.memory_space<semaphore_mem>>) src(%dma_wait3A_110 : memref<32xf32, #tpu.memory_space<vmem>>) dst(%dma_wait3A_107 : memref<32xf32, #tpu.memory_space<hbm>>)
        }
      } else {
      }
    } else {
    }
    %eq3A_16 = arith.constant 1 : i32
    %eq3A_17 = arith.cmpi eq, %arg0, %eq3A_16 : i32
    %convert_element_type3A_18 = arith.extui %eq3A_17 : i1 to i32
    %cond3A_19 = arith.constant 0 : i32
    %cond3A_20 = arith.cmpi ne, %convert_element_type3A_18, %cond3A_19 : i32
    scf.if %cond3A_20 {
      %gt3A = arith.constant 0 : i32
      %gt3A_21 = arith.cmpi sgt, %select_n3A_5, %gt3A : i32
      %convert_element_type3A_22 = arith.extui %gt3A_21 : i1 to i32
      %cond3A_23 = arith.constant 0 : i32
      %cond3A_24 = arith.cmpi ne, %convert_element_type3A_22, %cond3A_23 : i32
      scf.if %cond3A_24 {
        %add3A_74 = arith.constant 0 : i32
        %add3A_75 = arith.addi %mul3A_0, %add3A_74 : i32
        %multiple_of3A = tpu.assume_multiple %add3A_75, 128 : i32
        %dma_start3A = arith.constant 0 : i32
        %dma_start3A_76 = arith.constant 0 : i32
        %dma_start3A_77 = arith.constant 0 : i32
        %dma_start3A_78 = arith.constant 0 : i32
        %dma_start3A_79 = tpu.memref_slice %arg20[%dma_start3A, %dma_start3A_77, %dma_start3A_78] : memref<6x32x256xf32, #tpu.memory_space<vmem>> -> memref<1x32x256xf32, #tpu.memory_space<vmem>>
        %dma_start3A_80 = tpu.memref_squeeze %dma_start3A_79 : memref<1x32x256xf32, #tpu.memory_space<vmem>> -> memref<32x256xf32, #tpu.memory_space<vmem>>
        %dma_start3A_81 = arith.constant 0 : i32
        %dma_start3A_82 = tpu.memref_slice %arg4[%dma_start3A_81, %multiple_of3A] : memref<32x1000000xf32, #tpu.memory_space<hbm>> -> memref<32x256xf32, #tpu.memory_space<hbm>>
        %dma_start3A_83 = tpu.memref_slice %arg18[%dma_start3A_76] : memref<6x!tpu.dma_semaphore, #tpu.memory_space<semaphore_mem>> -> memref<1x!tpu.dma_semaphore, #tpu.memory_space<semaphore_mem>>
        %dma_start3A_84 = tpu.memref_squeeze %dma_start3A_83 : memref<1x!tpu.dma_semaphore, #tpu.memory_space<semaphore_mem>> -> memref<!tpu.dma_semaphore, #tpu.memory_space<semaphore_mem>>
        %dma_start3A_85 = arith.constant 0 : i32
        %dma_start3A_86 = arith.constant 0 : i32
        %dma_start3A_87 = tpu.memref_slice %arg20[%dma_start3A, %dma_start3A_85, %dma_start3A_86] : memref<6x32x256xf32, #tpu.memory_space<vmem>> -> memref<1x32x256xf32, #tpu.memory_space<vmem>>
        %dma_start3A_88 = tpu.memref_squeeze %dma_start3A_87 : memref<1x32x256xf32, #tpu.memory_space<vmem>> -> memref<32x256xf32, #tpu.memory_space<vmem>>
        %dma_start3A_89 = arith.constant 0 : i32
        %dma_start3A_90 = tpu.memref_slice %arg4[%dma_start3A_89, %multiple_of3A] : memref<32x1000000xf32, #tpu.memory_space<hbm>> -> memref<32x256xf32, #tpu.memory_space<hbm>>
        tpu.enqueue_dma source(%dma_start3A_90 : memref<32x256xf32, #tpu.memory_space<hbm>>) target(%dma_start3A_88 : memref<32x256xf32, #tpu.memory_space<vmem>>) target_semaphore(%dma_start3A_84 : memref<!tpu.dma_semaphore, #tpu.memory_space<semaphore_mem>>)
      } else {
      }
      %gt3A_25 = arith.constant 1 : i32
      %gt3A_26 = arith.cmpi sgt, %select_n3A_5, %gt3A_25 : i32
      %convert_element_type3A_27 = arith.extui %gt3A_26 : i1 to i32
      %cond3A_28 = arith.constant 0 : i32
      %cond3A_29 = arith.cmpi ne, %convert_element_type3A_27, %cond3A_28 : i32
      scf.if %cond3A_29 {
        %add3A_74 = arith.constant 256 : i32
        %add3A_75 = arith.addi %mul3A_0, %add3A_74 : i32
        %multiple_of3A = tpu.assume_multiple %add3A_75, 128 : i32
        %dma_start3A = arith.constant 1 : i32
        %dma_start3A_76 = arith.constant 1 : i32
        %dma_start3A_77 = arith.constant 0 : i32
        %dma_start3A_78 = arith.constant 0 : i32
        %dma_start3A_79 = tpu.memref_slice %arg20[%dma_start3A, %dma_start3A_77, %dma_start3A_78] : memref<6x32x256xf32, #tpu.memory_space<vmem>> -> memref<1x32x256xf32, #tpu.memory_space<vmem>>
        %dma_start3A_80 = tpu.memref_squeeze %dma_start3A_79 : memref<1x32x256xf32, #tpu.memory_space<vmem>> -> memref<32x256xf32, #tpu.memory_space<vmem>>
        %dma_start3A_81 = arith.constant 0 : i32
        %dma_start3A_82 = tpu.memref_slice %arg4[%dma_start3A_81, %multiple_of3A] : memref<32x1000000xf32, #tpu.memory_space<hbm>> -> memref<32x256xf32, #tpu.memory_space<hbm>>
        %dma_start3A_83 = tpu.memref_slice %arg18[%dma_start3A_76] : memref<6x!tpu.dma_semaphore, #tpu.memory_space<semaphore_mem>> -> memref<1x!tpu.dma_semaphore, #tpu.memory_space<semaphore_mem>>
        %dma_start3A_84 = tpu.memref_squeeze %dma_start3A_83 : memref<1x!tpu.dma_semaphore, #tpu.memory_space<semaphore_mem>> -> memref<!tpu.dma_semaphore, #tpu.memory_space<semaphore_mem>>
        %dma_start3A_85 = arith.constant 0 : i32
        %dma_start3A_86 = arith.constant 0 : i32
        %dma_start3A_87 = tpu.memref_slice %arg20[%dma_start3A, %dma_start3A_85, %dma_start3A_86] : memref<6x32x256xf32, #tpu.memory_space<vmem>> -> memref<1x32x256xf32, #tpu.memory_space<vmem>>
        %dma_start3A_88 = tpu.memref_squeeze %dma_start3A_87 : memref<1x32x256xf32, #tpu.memory_space<vmem>> -> memref<32x256xf32, #tpu.memory_space<vmem>>
        %dma_start3A_89 = arith.constant 0 : i32
        %dma_start3A_90 = tpu.memref_slice %arg4[%dma_start3A_89, %multiple_of3A] : memref<32x1000000xf32, #tpu.memory_space<hbm>> -> memref<32x256xf32, #tpu.memory_space<hbm>>
        tpu.enqueue_dma source(%dma_start3A_90 : memref<32x256xf32, #tpu.memory_space<hbm>>) target(%dma_start3A_88 : memref<32x256xf32, #tpu.memory_space<vmem>>) target_semaphore(%dma_start3A_84 : memref<!tpu.dma_semaphore, #tpu.memory_space<semaphore_mem>>)
      } else {
      }
      %gt3A_30 = arith.constant 2 : i32
      %gt3A_31 = arith.cmpi sgt, %select_n3A_5, %gt3A_30 : i32
      %convert_element_type3A_32 = arith.extui %gt3A_31 : i1 to i32
      %cond3A_33 = arith.constant 0 : i32
      %cond3A_34 = arith.cmpi ne, %convert_element_type3A_32, %cond3A_33 : i32
      scf.if %cond3A_34 {
        %add3A_74 = arith.constant 512 : i32
        %add3A_75 = arith.addi %mul3A_0, %add3A_74 : i32
        %multiple_of3A = tpu.assume_multiple %add3A_75, 128 : i32
        %dma_start3A = arith.constant 2 : i32
        %dma_start3A_76 = arith.constant 2 : i32
        %dma_start3A_77 = arith.constant 0 : i32
        %dma_start3A_78 = arith.constant 0 : i32
        %dma_start3A_79 = tpu.memref_slice %arg20[%dma_start3A, %dma_start3A_77, %dma_start3A_78] : memref<6x32x256xf32, #tpu.memory_space<vmem>> -> memref<1x32x256xf32, #tpu.memory_space<vmem>>
        %dma_start3A_80 = tpu.memref_squeeze %dma_start3A_79 : memref<1x32x256xf32, #tpu.memory_space<vmem>> -> memref<32x256xf32, #tpu.memory_space<vmem>>
        %dma_start3A_81 = arith.constant 0 : i32
        %dma_start3A_82 = tpu.memref_slice %arg4[%dma_start3A_81, %multiple_of3A] : memref<32x1000000xf32, #tpu.memory_space<hbm>> -> memref<32x256xf32, #tpu.memory_space<hbm>>
        %dma_start3A_83 = tpu.memref_slice %arg18[%dma_start3A_76] : memref<6x!tpu.dma_semaphore, #tpu.memory_space<semaphore_mem>> -> memref<1x!tpu.dma_semaphore, #tpu.memory_space<semaphore_mem>>
        %dma_start3A_84 = tpu.memref_squeeze %dma_start3A_83 : memref<1x!tpu.dma_semaphore, #tpu.memory_space<semaphore_mem>> -> memref<!tpu.dma_semaphore, #tpu.memory_space<semaphore_mem>>
        %dma_start3A_85 = arith.constant 0 : i32
        %dma_start3A_86 = arith.constant 0 : i32
        %dma_start3A_87 = tpu.memref_slice %arg20[%dma_start3A, %dma_start3A_85, %dma_start3A_86] : memref<6x32x256xf32, #tpu.memory_space<vmem>> -> memref<1x32x256xf32, #tpu.memory_space<vmem>>
        %dma_start3A_88 = tpu.memref_squeeze %dma_start3A_87 : memref<1x32x256xf32, #tpu.memory_space<vmem>> -> memref<32x256xf32, #tpu.memory_space<vmem>>
        %dma_start3A_89 = arith.constant 0 : i32
        %dma_start3A_90 = tpu.memref_slice %arg4[%dma_start3A_89, %multiple_of3A] : memref<32x1000000xf32, #tpu.memory_space<hbm>> -> memref<32x256xf32, #tpu.memory_space<hbm>>
        tpu.enqueue_dma source(%dma_start3A_90 : memref<32x256xf32, #tpu.memory_space<hbm>>) target(%dma_start3A_88 : memref<32x256xf32, #tpu.memory_space<vmem>>) target_semaphore(%dma_start3A_84 : memref<!tpu.dma_semaphore, #tpu.memory_space<semaphore_mem>>)
      } else {
      }
      %gt3A_35 = arith.constant 3 : i32
      %gt3A_36 = arith.cmpi sgt, %select_n3A_5, %gt3A_35 : i32
      %convert_element_type3A_37 = arith.extui %gt3A_36 : i1 to i32
      %cond3A_38 = arith.constant 0 : i32
      %cond3A_39 = arith.cmpi ne, %convert_element_type3A_37, %cond3A_38 : i32
      scf.if %cond3A_39 {
        %add3A_74 = arith.constant 768 : i32
        %add3A_75 = arith.addi %mul3A_0, %add3A_74 : i32
        %multiple_of3A = tpu.assume_multiple %add3A_75, 128 : i32
        %dma_start3A = arith.constant 3 : i32
        %dma_start3A_76 = arith.constant 3 : i32
        %dma_start3A_77 = arith.constant 0 : i32
        %dma_start3A_78 = arith.constant 0 : i32
        %dma_start3A_79 = tpu.memref_slice %arg20[%dma_start3A, %dma_start3A_77, %dma_start3A_78] : memref<6x32x256xf32, #tpu.memory_space<vmem>> -> memref<1x32x256xf32, #tpu.memory_space<vmem>>
        %dma_start3A_80 = tpu.memref_squeeze %dma_start3A_79 : memref<1x32x256xf32, #tpu.memory_space<vmem>> -> memref<32x256xf32, #tpu.memory_space<vmem>>
        %dma_start3A_81 = arith.constant 0 : i32
        %dma_start3A_82 = tpu.memref_slice %arg4[%dma_start3A_81, %multiple_of3A] : memref<32x1000000xf32, #tpu.memory_space<hbm>> -> memref<32x256xf32, #tpu.memory_space<hbm>>
        %dma_start3A_83 = tpu.memref_slice %arg18[%dma_start3A_76] : memref<6x!tpu.dma_semaphore, #tpu.memory_space<semaphore_mem>> -> memref<1x!tpu.dma_semaphore, #tpu.memory_space<semaphore_mem>>
        %dma_start3A_84 = tpu.memref_squeeze %dma_start3A_83 : memref<1x!tpu.dma_semaphore, #tpu.memory_space<semaphore_mem>> -> memref<!tpu.dma_semaphore, #tpu.memory_space<semaphore_mem>>
        %dma_start3A_85 = arith.constant 0 : i32
        %dma_start3A_86 = arith.constant 0 : i32
        %dma_start3A_87 = tpu.memref_slice %arg20[%dma_start3A, %dma_start3A_85, %dma_start3A_86] : memref<6x32x256xf32, #tpu.memory_space<vmem>> -> memref<1x32x256xf32, #tpu.memory_space<vmem>>
        %dma_start3A_88 = tpu.memref_squeeze %dma_start3A_87 : memref<1x32x256xf32, #tpu.memory_space<vmem>> -> memref<32x256xf32, #tpu.memory_space<vmem>>
        %dma_start3A_89 = arith.constant 0 : i32
        %dma_start3A_90 = tpu.memref_slice %arg4[%dma_start3A_89, %multiple_of3A] : memref<32x1000000xf32, #tpu.memory_space<hbm>> -> memref<32x256xf32, #tpu.memory_space<hbm>>
        tpu.enqueue_dma source(%dma_start3A_90 : memref<32x256xf32, #tpu.memory_space<hbm>>) target(%dma_start3A_88 : memref<32x256xf32, #tpu.memory_space<vmem>>) target_semaphore(%dma_start3A_84 : memref<!tpu.dma_semaphore, #tpu.memory_space<semaphore_mem>>)
      } else {
      }
      %gt3A_40 = arith.constant 4 : i32
      %gt3A_41 = arith.cmpi sgt, %select_n3A_5, %gt3A_40 : i32
      %convert_element_type3A_42 = arith.extui %gt3A_41 : i1 to i32
      %cond3A_43 = arith.constant 0 : i32
      %cond3A_44 = arith.cmpi ne, %convert_element_type3A_42, %cond3A_43 : i32
      scf.if %cond3A_44 {
        %add3A_74 = arith.constant 1024 : i32
        %add3A_75 = arith.addi %mul3A_0, %add3A_74 : i32
        %multiple_of3A = tpu.assume_multiple %add3A_75, 128 : i32
        %dma_start3A = arith.constant 4 : i32
        %dma_start3A_76 = arith.constant 4 : i32
        %dma_start3A_77 = arith.constant 0 : i32
        %dma_start3A_78 = arith.constant 0 : i32
        %dma_start3A_79 = tpu.memref_slice %arg20[%dma_start3A, %dma_start3A_77, %dma_start3A_78] : memref<6x32x256xf32, #tpu.memory_space<vmem>> -> memref<1x32x256xf32, #tpu.memory_space<vmem>>
        %dma_start3A_80 = tpu.memref_squeeze %dma_start3A_79 : memref<1x32x256xf32, #tpu.memory_space<vmem>> -> memref<32x256xf32, #tpu.memory_space<vmem>>
        %dma_start3A_81 = arith.constant 0 : i32
        %dma_start3A_82 = tpu.memref_slice %arg4[%dma_start3A_81, %multiple_of3A] : memref<32x1000000xf32, #tpu.memory_space<hbm>> -> memref<32x256xf32, #tpu.memory_space<hbm>>
        %dma_start3A_83 = tpu.memref_slice %arg18[%dma_start3A_76] : memref<6x!tpu.dma_semaphore, #tpu.memory_space<semaphore_mem>> -> memref<1x!tpu.dma_semaphore, #tpu.memory_space<semaphore_mem>>
        %dma_start3A_84 = tpu.memref_squeeze %dma_start3A_83 : memref<1x!tpu.dma_semaphore, #tpu.memory_space<semaphore_mem>> -> memref<!tpu.dma_semaphore, #tpu.memory_space<semaphore_mem>>
        %dma_start3A_85 = arith.constant 0 : i32
        %dma_start3A_86 = arith.constant 0 : i32
        %dma_start3A_87 = tpu.memref_slice %arg20[%dma_start3A, %dma_start3A_85, %dma_start3A_86] : memref<6x32x256xf32, #tpu.memory_space<vmem>> -> memref<1x32x256xf32, #tpu.memory_space<vmem>>
        %dma_start3A_88 = tpu.memref_squeeze %dma_start3A_87 : memref<1x32x256xf32, #tpu.memory_space<vmem>> -> memref<32x256xf32, #tpu.memory_space<vmem>>
        %dma_start3A_89 = arith.constant 0 : i32
        %dma_start3A_90 = tpu.memref_slice %arg4[%dma_start3A_89, %multiple_of3A] : memref<32x1000000xf32, #tpu.memory_space<hbm>> -> memref<32x256xf32, #tpu.memory_space<hbm>>
        tpu.enqueue_dma source(%dma_start3A_90 : memref<32x256xf32, #tpu.memory_space<hbm>>) target(%dma_start3A_88 : memref<32x256xf32, #tpu.memory_space<vmem>>) target_semaphore(%dma_start3A_84 : memref<!tpu.dma_semaphore, #tpu.memory_space<semaphore_mem>>)
      } else {
      }
      %scan3A_45 = arith.constant 0 : i32
      %scan3A_46 = arith.constant 0 : i32
      %scan3A_47 = arith.constant 4 : i32
      %scan3A_48 = arith.addi %scan3A_46, %scan3A_47 : i32
      %scan3A_49 = arith.constant 1 : i32
      %scan3A_50 = scf.for %scan3A_74 = %scan3A_46 to %scan3A_48 step %scan3A_49 iter_args(%scan3A_75 = %scan3A_45) -> (i32)  : i32 {
        %mul3A_76 = arith.constant 8192 : i32
        %mul3A_77 = arith.muli %scan3A_74, %mul3A_76 : i32
        "tpu.region"() ({
          %run_scoped3A = tpu.sem_alloc : memref<!tpu.dma_semaphore, #tpu.memory_space<semaphore_mem>>
          %dma_start3A = tpu.memref_slice %arg2[%mul3A_77] : memref<32768xi32, #tpu.memory_space<hbm>> -> memref<8192xi32, #tpu.memory_space<hbm>>
          %dma_start3A_84 = tpu.memref_slice %arg2[%mul3A_77] : memref<32768xi32, #tpu.memory_space<hbm>> -> memref<8192xi32, #tpu.memory_space<hbm>>
          tpu.enqueue_dma source(%dma_start3A_84 : memref<8192xi32, #tpu.memory_space<hbm>>) target(%arg15 : memref<8192xi32, #tpu.memory_space<vmem>>) target_semaphore(%run_scoped3A : memref<!tpu.dma_semaphore, #tpu.memory_space<semaphore_mem>>)
          %dma_wait3A = tpu.memref_slice %arg2[%mul3A_77] : memref<32768xi32, #tpu.memory_space<hbm>> -> memref<8192xi32, #tpu.memory_space<hbm>>
          %dma_wait3A_85 = tpu.memref_slice %arg2[%mul3A_77] : memref<32768xi32, #tpu.memory_space<hbm>> -> memref<8192xi32, #tpu.memory_space<hbm>>
          tpu.wait_dma2 semaphore(%run_scoped3A : memref<!tpu.dma_semaphore, #tpu.memory_space<semaphore_mem>>) src(%dma_wait3A_85 : memref<8192xi32, #tpu.memory_space<hbm>>) dst(%arg15 : memref<8192xi32, #tpu.memory_space<vmem>>)
          tpu.yield
        }) : () -> ()
        %scan3A_78 = arith.constant 0 : i32
        %scan3A_79 = arith.constant 256 : i32
        %scan3A_80 = arith.addi %scan3A_78, %scan3A_79 : i32
        %scan3A_81 = arith.constant 1 : i32
        %scan3A_82 = scf.for %scan3A_84 = %scan3A_78 to %scan3A_80 step %scan3A_81 iter_args(%scan3A_85 = %scan3A_75) -> (i32)  : i32 {
          %mul3A_86 = arith.constant 16 : i32
          %mul3A_87 = arith.muli %scan3A_84, %mul3A_86 : i32
          %add3A_88 = vector.broadcast %mul3A_87 : i32 to vector<16xi32>
          %add3A_89 = arith.addi %add3A_88, %iota3A : vector<16xi32>
          %mul3A_90 = arith.constant 2 : i32
          %mul3A_91 = vector.broadcast %mul3A_90 : i32 to vector<16xi32>
          %mul3A_92 = arith.muli %add3A_89, %mul3A_91 : vector<16xi32>
          %add3A_93 = vector.broadcast %arg0 : i32 to vector<16xi32>
          %add3A_94 = arith.addi %mul3A_92, %add3A_93 : vector<16xi32>
          %gather3A = tpu.vector_load_idx %arg15[%add3A_94] : memref<8192xi32, #tpu.memory_space<vmem>>[vector<16xi32>], vector<16xi32>,
          %ge3A = vector.broadcast %mul3A_0 : i32 to vector<16xi32>
          %ge3A_95 = arith.cmpi sge, %gather3A, %ge3A : vector<16xi32>
          %lt3A_96 = vector.broadcast %select_n3A : i32 to vector<16xi32>
          %lt3A_97 = arith.cmpi slt, %gather3A, %lt3A_96 : vector<16xi32>
          %and3A = arith.andi %ge3A_95, %lt3A_97 : vector<16xi1>
          %swap3A = arith.index_cast %scan3A_85 : i32 to index
          %swap3A_98 = tpu.vector_load %arg12[%swap3A] masked %and3A {strides = array<i32>} : memref<16400xi32, #tpu.memory_space<vmem>>, vector<16xi32>, vector<16xi1>
          tpu.vector_store %arg12[%swap3A], %gather3A masked %and3A {strides = array<i32>} : memref<16400xi32, #tpu.memory_space<vmem>>, vector<16xi32>, vector<16xi1>
          %mul3A_99 = arith.constant 4096 : i32
          %mul3A_100 = arith.muli %scan3A_74, %mul3A_99 : i32
          %mul3A_101 = arith.constant 16 : i32
          %mul3A_102 = arith.muli %scan3A_84, %mul3A_101 : i32
          %add3A_103 = arith.addi %mul3A_100, %mul3A_102 : i32
          %add3A_104 = vector.broadcast %add3A_103 : i32 to vector<16xi32>
          %add3A_105 = arith.addi %add3A_104, %iota3A : vector<16xi32>
          %swap3A_106 = arith.index_cast %scan3A_85 : i32 to index
          %swap3A_107 = tpu.vector_load %arg13[%swap3A_106] masked %and3A {strides = array<i32>} : memref<16400xi32, #tpu.memory_space<vmem>>, vector<16xi32>, vector<16xi1>
          tpu.vector_store %arg13[%swap3A_106], %add3A_105 masked %and3A {strides = array<i32>} : memref<16400xi32, #tpu.memory_space<vmem>>, vector<16xi32>, vector<16xi1>
          %all_reduce_population_count3A = tpu.all_reduce %and3A {dim = 0 : i64, kind = #tpu.reduction_kind<sum>} : vector<16xi1> -> vector<16xi32>
          %slice3A = vector.extract_strided_slice %all_reduce_population_count3A {offsets = [0], sizes = [1], strides = [1]} : vector<16xi32> to vector<1xi32>
          %squeeze3A = vector.extract %slice3A[0] : i32 from vector<1xi32>
          %add3A_108 = arith.addi %scan3A_85, %squeeze3A : i32
          scf.yield %add3A_108 : i32
        }
        %scan3A_83 = arith.constant 256 : i32
        scf.yield %scan3A_82 : i32
      }
      %scan3A_51 = arith.constant 4 : i32
      %while3A = arith.constant 0 : i32
      %while3A_52 = arith.constant 0 : i32
      %while3A_53 = arith.subi %scan3A_50, %while3A_52 : i32
      %while3A_54 = arith.addi %while3A_52, %while3A_53 : i32
      %while3A_55 = arith.constant 1 : i32
      %while3A_56 = arith.divsi %while3A_53, %while3A_55 : i32
      %while3A_57 = arith.muli %while3A_56, %while3A_55 : i32
      %while3A_58 = arith.addi %while3A_52, %while3A_57 : i32
      %while3A_59 = arith.constant 1 : i32
      scf.for %while3A_74 = %while3A_52 to %while3A_58 step %while3A_59  : i32 {
        %get3A = arith.index_cast %while3A_74 : i32 to index
        %get3A_75 = tpu.vector_load %arg12[%get3A] {strides = array<i32>} : memref<16400xi32, #tpu.memory_space<vmem>>, vector<16xi32>,
        %slice3A = vector.extract_strided_slice %get3A_75 {offsets = [0], sizes = [1], strides = [1]} : vector<16xi32> to vector<1xi32>
        %squeeze3A = vector.extract %slice3A[0] : i32 from vector<1xi32>
        %get3A_76 = arith.index_cast %while3A_74 : i32 to index
        %get3A_77 = tpu.vector_load %arg13[%get3A_76] {strides = array<i32>} : memref<16400xi32, #tpu.memory_space<vmem>>, vector<16xi32>,
        %slice3A_78 = vector.extract_strided_slice %get3A_77 {offsets = [0], sizes = [1], strides = [1]} : vector<16xi32> to vector<1xi32>
        %squeeze3A_79 = vector.extract %slice3A_78[0] : i32 from vector<1xi32>
        %sub3A = arith.subi %squeeze3A, %mul3A_0 : i32
        %jit3A_80 = arith.constant 256 : i32
        %div3A = arith.divsi %sub3A, %jit3A_80 : i32
        %sign3A = arith.constant 0 : i32
        %sign3A_81 = arith.cmpi sgt, %sub3A, %sign3A : i32
        %sign3A_82 = arith.extui %sign3A_81 : i1 to i32
        %sign3A_83 = arith.constant 0 : i32
        %sign3A_84 = arith.cmpi slt, %sub3A, %sign3A_83 : i32
        %sign3A_85 = arith.extui %sign3A_84 : i1 to i32
        %sign3A_86 = arith.subi %sign3A_82, %sign3A_85 : i32
        %sign3A_87 = arith.constant 0 : i32
        %sign3A_88 = arith.cmpi sgt, %jit3A_80, %sign3A_87 : i32
        %sign3A_89 = arith.extui %sign3A_88 : i1 to i32
        %sign3A_90 = arith.constant 0 : i32
        %sign3A_91 = arith.cmpi slt, %jit3A_80, %sign3A_90 : i32
        %sign3A_92 = arith.extui %sign3A_91 : i1 to i32
        %sign3A_93 = arith.subi %sign3A_89, %sign3A_92 : i32
        %ne3A = arith.cmpi ne, %sign3A_86, %sign3A_93 : i32
        %rem3A = arith.remsi %sub3A, %jit3A_80 : i32
        %ne3A_94 = arith.constant 0 : i32
        %ne3A_95 = arith.cmpi ne, %rem3A, %ne3A_94 : i32
        %and3A = arith.andi %ne3A, %ne3A_95 : i1
        %sub3A_96 = arith.constant 1 : i32
        %sub3A_97 = arith.subi %div3A, %sub3A_96 : i32
        %select_n3A_98 = arith.select %and3A, %sub3A_97, %div3A : i32
        %get3A_99 = arith.index_cast %select_n3A_98 : i32 to index
        %get3A_100 = memref.load %arg11[%get3A_99] : memref<247xi32, #tpu.memory_space<smem>>
        %add3A_101 = arith.constant 1 : i32
        %add3A_102 = arith.addi %get3A_100, %add3A_101 : i32
        %swap3A = arith.index_cast %select_n3A_98 : i32 to index
        %swap3A_103 = memref.load %arg11[%swap3A] : memref<247xi32, #tpu.memory_space<smem>>
        memref.store %add3A_102, %arg11[%swap3A] : memref<247xi32, #tpu.memory_space<smem>>
        %lt3A_104 = arith.constant 16 : i32
        %lt3A_105 = arith.cmpi slt, %get3A_100, %lt3A_104 : i32
        %convert_element_type3A_106 = arith.extui %lt3A_105 : i1 to i32
        %cond3A_107 = arith.constant 0 : i32
        %cond3A_108 = arith.cmpi ne, %convert_element_type3A_106, %cond3A_107 : i32
        scf.if %cond3A_108 {
          %mul3A_113 = arith.constant 16 : i32
          %mul3A_114 = arith.muli %select_n3A_98, %mul3A_113 : i32
          %add3A_115 = arith.addi %mul3A_114, %get3A_100 : i32
          %broadcast_in_dim3A = vector.broadcast %add3A_115 : i32 to vector<16xi32>
          %broadcast_in_dim3A_116 = vector.broadcast %squeeze3A : i32 to vector<16xi32>
          tpu.vector_store_idx %arg9[%broadcast_in_dim3A], %broadcast_in_dim3A_116 masked %lt3A_7 : memref<3968xi32, #tpu.memory_space<vmem>>[vector<16xi32>], vector<16xi32>, vector<16xi1>
          %broadcast_in_dim3A_117 = vector.broadcast %squeeze3A_79 : i32 to vector<16xi32>
          tpu.vector_store_idx %arg10[%broadcast_in_dim3A], %broadcast_in_dim3A_117 masked %lt3A_7 : memref<3968xi32, #tpu.memory_space<vmem>>[vector<16xi32>], vector<16xi32>, vector<16xi1>
        } else {
        }
        %ge3A = arith.constant 16 : i32
        %ge3A_109 = arith.cmpi sge, %get3A_100, %ge3A : i32
        %convert_element_type3A_110 = arith.extui %ge3A_109 : i1 to i32
        %cond3A_111 = arith.constant 0 : i32
        %cond3A_112 = arith.cmpi ne, %convert_element_type3A_110, %cond3A_111 : i32
        scf.if %cond3A_112 {
          %jit3A_113 = arith.constant 128 : i32
          %div3A_114 = arith.divsi %squeeze3A, %jit3A_113 : i32
          %sign3A_115 = arith.constant 0 : i32
          %sign3A_116 = arith.cmpi sgt, %squeeze3A, %sign3A_115 : i32
          %sign3A_117 = arith.extui %sign3A_116 : i1 to i32
          %sign3A_118 = arith.constant 0 : i32
          %sign3A_119 = arith.cmpi slt, %squeeze3A, %sign3A_118 : i32
          %sign3A_120 = arith.extui %sign3A_119 : i1 to i32
          %sign3A_121 = arith.subi %sign3A_117, %sign3A_120 : i32
          %sign3A_122 = arith.constant 0 : i32
          %sign3A_123 = arith.cmpi sgt, %jit3A_113, %sign3A_122 : i32
          %sign3A_124 = arith.extui %sign3A_123 : i1 to i32
          %sign3A_125 = arith.constant 0 : i32
          %sign3A_126 = arith.cmpi slt, %jit3A_113, %sign3A_125 : i32
          %sign3A_127 = arith.extui %sign3A_126 : i1 to i32
          %sign3A_128 = arith.subi %sign3A_124, %sign3A_127 : i32
          %ne3A_129 = arith.cmpi ne, %sign3A_121, %sign3A_128 : i32
          %rem3A_130 = arith.remsi %squeeze3A, %jit3A_113 : i32
          %ne3A_131 = arith.constant 0 : i32
          %ne3A_132 = arith.cmpi ne, %rem3A_130, %ne3A_131 : i32
          %and3A_133 = arith.andi %ne3A_129, %ne3A_132 : i1
          %sub3A_134 = arith.constant 1 : i32
          %sub3A_135 = arith.subi %div3A_114, %sub3A_134 : i32
          %select_n3A_136 = arith.select %and3A_133, %sub3A_135, %div3A_114 : i32
          %mul3A_137 = arith.constant 128 : i32
          %mul3A_138 = arith.muli %select_n3A_136, %mul3A_137 : i32
          %min3A = arith.constant 999808 : i32
          %min3A_139 = arith.minsi %mul3A_138, %min3A : i32
          %multiple_of3A = tpu.assume_multiple %min3A_139, 128 : i32
          "tpu.region"() ({
            %run_scoped3A_186 = tpu.sem_alloc : memref<!tpu.dma_semaphore, #tpu.memory_space<semaphore_mem>>
            %dma_start3A = arith.constant 0 : i32
            %dma_start3A_187 = tpu.memref_slice %arg4[%dma_start3A, %multiple_of3A] : memref<32x1000000xf32, #tpu.memory_space<hbm>> -> memref<32x128xf32, #tpu.memory_space<hbm>>
            %dma_start3A_188 = arith.constant 0 : i32
            %dma_start3A_189 = tpu.memref_slice %arg4[%dma_start3A_188, %multiple_of3A] : memref<32x1000000xf32, #tpu.memory_space<hbm>> -> memref<32x128xf32, #tpu.memory_space<hbm>>
            tpu.enqueue_dma source(%dma_start3A_189 : memref<32x128xf32, #tpu.memory_space<hbm>>) target(%arg14 : memref<32x128xf32, #tpu.memory_space<vmem>>) target_semaphore(%run_scoped3A_186 : memref<!tpu.dma_semaphore, #tpu.memory_space<semaphore_mem>>)
            %dma_wait3A = arith.constant 0 : i32
            %dma_wait3A_190 = tpu.memref_slice %arg4[%dma_wait3A, %multiple_of3A] : memref<32x1000000xf32, #tpu.memory_space<hbm>> -> memref<32x128xf32, #tpu.memory_space<hbm>>
            %dma_wait3A_191 = arith.constant 0 : i32
            %dma_wait3A_192 = tpu.memref_slice %arg4[%dma_wait3A_191, %multiple_of3A] : memref<32x1000000xf32, #tpu.memory_space<hbm>> -> memref<32x128xf32, #tpu.memory_space<hbm>>
            tpu.wait_dma2 semaphore(%run_scoped3A_186 : memref<!tpu.dma_semaphore, #tpu.memory_space<semaphore_mem>>) src(%dma_wait3A_192 : memref<32x128xf32, #tpu.memory_space<hbm>>) dst(%arg14 : memref<32x128xf32, #tpu.memory_space<vmem>>)
            tpu.yield
          }) : () -> ()
          %jit3A_140 = arith.constant 128 : i32
          %eq3A_141 = arith.constant 0 : i32
          %eq3A_142 = arith.cmpi eq, %jit3A_140, %eq3A_141 : i32
          %jit3A_143 = arith.constant 1 : i32
          %select_n3A_144 = arith.select %eq3A_142, %jit3A_143, %jit3A_140 : i32
          %rem3A_145 = arith.remsi %squeeze3A, %select_n3A_144 : i32
          %ne3A_146 = arith.constant 0 : i32
          %ne3A_147 = arith.cmpi ne, %rem3A_145, %ne3A_146 : i32
          %lt3A_148 = arith.constant 0 : i32
          %lt3A_149 = arith.cmpi slt, %rem3A_145, %lt3A_148 : i32
          %lt3A_150 = arith.constant 0 : i32
          %lt3A_151 = arith.cmpi slt, %select_n3A_144, %lt3A_150 : i32
          %ne3A_152 = arith.xori %lt3A_149, %lt3A_151 : i1
          %and3A_153 = arith.andi %ne3A_152, %ne3A_147 : i1
          %add3A_154 = arith.addi %rem3A_145, %select_n3A_144 : i32
          %select_n3A_155 = arith.select %and3A_153, %add3A_154, %rem3A_145 : i32
          %broadcast_in_dim3A = vector.broadcast %select_n3A_155 : i32 to vector<16xi32>
          %gather3A = tpu.vector_load_idx %arg14[%iota3A, %broadcast_in_dim3A] : memref<32x128xf32, #tpu.memory_space<vmem>>[vector<16xi32>, vector<16xi32>], vector<16xf32>,
          %add3A_156 = arith.constant 16 : i32
          %add3A_157 = vector.broadcast %add3A_156 : i32 to vector<16xi32>
          %add3A_158 = arith.addi %iota3A, %add3A_157 : vector<16xi32>
          %gather3A_159 = tpu.vector_load_idx %arg14[%add3A_158, %broadcast_in_dim3A] : memref<32x128xf32, #tpu.memory_space<vmem>>[vector<16xi32>, vector<16xi32>], vector<16xf32>,
          %sub3A_160 = arith.constant 999936 : i32
          %sub3A_161 = arith.subi %squeeze3A, %sub3A_160 : i32
          %max3A = arith.constant 0 : i32
          %max3A_162 = arith.maxsi %sub3A_161, %max3A : i32
          %mul3A_163 = arith.constant 32 : i32
          %mul3A_164 = arith.muli %max3A_162, %mul3A_163 : i32
          %mul3A_165 = arith.constant 2048 : i32
          %mul3A_166 = arith.muli %arg0, %mul3A_165 : i32
          %add3A_167 = arith.addi %mul3A_164, %mul3A_166 : i32
          %add3A_168 = vector.broadcast %add3A_167 : i32 to vector<16xi32>
          %add3A_169 = arith.addi %add3A_168, %iota3A : vector<16xi32>
          %gather3A_170 = tpu.vector_load_idx %arg19[%add3A_169] : memref<4096xf32, #tpu.memory_space<vmem>>[vector<16xi32>], vector<16xf32>,
          %add3A_171 = arith.constant 16 : i32
          %add3A_172 = arith.addi %add3A_167, %add3A_171 : i32
          %add3A_173 = vector.broadcast %add3A_172 : i32 to vector<16xi32>
          %add3A_174 = arith.addi %add3A_173, %iota3A : vector<16xi32>
          %gather3A_175 = tpu.vector_load_idx %arg19[%add3A_174] : memref<4096xf32, #tpu.memory_space<vmem>>[vector<16xi32>], vector<16xf32>,
          %ge3A_176 = arith.constant 999936 : i32
          %ge3A_177 = arith.cmpi sge, %squeeze3A, %ge3A_176 : i32
          %broadcast_in_dim3A_178 = vector.broadcast %ge3A_177 : i1 to vector<16xi1>
          %select_n3A_179 = arith.select %broadcast_in_dim3A_178, %gather3A_170, %gather3A : vector<16xi1>, vector<16xf32>
          %select_n3A_180 = arith.select %broadcast_in_dim3A_178, %gather3A_175, %gather3A_159 : vector<16xi1>, vector<16xf32>
          %broadcast_in_dim3A_181 = arith.constant 0 : i32
          %broadcast_in_dim3A_182 = vector.broadcast %broadcast_in_dim3A_181 : i32 to vector<16xi32>
          tpu.vector_store_idx %arg16[%broadcast_in_dim3A_182, %iota3A], %select_n3A_179 : memref<16x32xf32, #tpu.memory_space<vmem>>[vector<16xi32>, vector<16xi32>], vector<16xf32>,
          %add3A_183 = arith.constant 16 : i32
          %add3A_184 = vector.broadcast %add3A_183 : i32 to vector<16xi32>
          %add3A_185 = arith.addi %iota3A, %add3A_184 : vector<16xi32>
          tpu.vector_store_idx %arg16[%broadcast_in_dim3A_182, %add3A_185], %select_n3A_180 : memref<16x32xf32, #tpu.memory_space<vmem>>[vector<16xi32>, vector<16xi32>], vector<16xf32>,
          %run_scoped3A = arith.constant 0 : i32
          "tpu.region"() ({
            %run_scoped3A_186 = tpu.sem_alloc : memref<!tpu.dma_semaphore, #tpu.memory_space<semaphore_mem>>
            %dma_start3A = arith.constant 0 : i32
            %dma_start3A_187 = tpu.memref_slice %arg16[%run_scoped3A, %dma_start3A] : memref<16x32xf32, #tpu.memory_space<vmem>> -> memref<1x32xf32, #tpu.memory_space<vmem>>
            %dma_start3A_188 = tpu.memref_squeeze %dma_start3A_187 : memref<1x32xf32, #tpu.memory_space<vmem>> -> memref<32xf32, #tpu.memory_space<vmem>>
            %dma_start3A_189 = arith.constant 0 : i32
            %dma_start3A_190 = tpu.memref_slice %arg8[%squeeze3A_79, %dma_start3A_189] : memref<16384x32xf32, #tpu.memory_space<hbm>> -> memref<1x32xf32, #tpu.memory_space<hbm>>
            %dma_start3A_191 = tpu.memref_squeeze %dma_start3A_190 : memref<1x32xf32, #tpu.memory_space<hbm>> -> memref<32xf32, #tpu.memory_space<hbm>>
            %dma_start3A_192 = arith.constant 0 : i32
            %dma_start3A_193 = tpu.memref_slice %arg8[%squeeze3A_79, %dma_start3A_192] : memref<16384x32xf32, #tpu.memory_space<hbm>> -> memref<1x32xf32, #tpu.memory_space<hbm>>
            %dma_start3A_194 = tpu.memref_squeeze %dma_start3A_193 : memref<1x32xf32, #tpu.memory_space<hbm>> -> memref<32xf32, #tpu.memory_space<hbm>>
            %dma_start3A_195 = arith.constant 0 : i32
            %dma_start3A_196 = tpu.memref_slice %arg16[%run_scoped3A, %dma_start3A_195] : memref<16x32xf32, #tpu.memory_space<vmem>> -> memref<1x32xf32, #tpu.memory_space<vmem>>
            %dma_start3A_197 = tpu.memref_squeeze %dma_start3A_196 : memref<1x32xf32, #tpu.memory_space<vmem>> -> memref<32xf32, #tpu.memory_space<vmem>>
            tpu.enqueue_dma source(%dma_start3A_197 : memref<32xf32, #tpu.memory_space<vmem>>) target(%dma_start3A_194 : memref<32xf32, #tpu.memory_space<hbm>>) target_semaphore(%run_scoped3A_186 : memref<!tpu.dma_semaphore, #tpu.memory_space<semaphore_mem>>)
            %dma_wait3A = arith.constant 0 : i32
            %dma_wait3A_198 = tpu.memref_slice %arg16[%run_scoped3A, %dma_wait3A] : memref<16x32xf32, #tpu.memory_space<vmem>> -> memref<1x32xf32, #tpu.memory_space<vmem>>
            %dma_wait3A_199 = tpu.memref_squeeze %dma_wait3A_198 : memref<1x32xf32, #tpu.memory_space<vmem>> -> memref<32xf32, #tpu.memory_space<vmem>>
            %dma_wait3A_200 = arith.constant 0 : i32
            %dma_wait3A_201 = tpu.memref_slice %arg8[%squeeze3A_79, %dma_wait3A_200] : memref<16384x32xf32, #tpu.memory_space<hbm>> -> memref<1x32xf32, #tpu.memory_space<hbm>>
            %dma_wait3A_202 = tpu.memref_squeeze %dma_wait3A_201 : memref<1x32xf32, #tpu.memory_space<hbm>> -> memref<32xf32, #tpu.memory_space<hbm>>
            %dma_wait3A_203 = arith.constant 0 : i32
            %dma_wait3A_204 = tpu.memref_slice %arg8[%squeeze3A_79, %dma_wait3A_203] : memref<16384x32xf32, #tpu.memory_space<hbm>> -> memref<1x32xf32, #tpu.memory_space<hbm>>
            %dma_wait3A_205 = tpu.memref_squeeze %dma_wait3A_204 : memref<1x32xf32, #tpu.memory_space<hbm>> -> memref<32xf32, #tpu.memory_space<hbm>>
            %dma_wait3A_206 = arith.constant 0 : i32
            %dma_wait3A_207 = tpu.memref_slice %arg16[%run_scoped3A, %dma_wait3A_206] : memref<16x32xf32, #tpu.memory_space<vmem>> -> memref<1x32xf32, #tpu.memory_space<vmem>>
            %dma_wait3A_208 = tpu.memref_squeeze %dma_wait3A_207 : memref<1x32xf32, #tpu.memory_space<vmem>> -> memref<32xf32, #tpu.memory_space<vmem>>
            tpu.wait_dma2 semaphore(%run_scoped3A_186 : memref<!tpu.dma_semaphore, #tpu.memory_space<semaphore_mem>>) src(%dma_wait3A_208 : memref<32xf32, #tpu.memory_space<vmem>>) dst(%dma_wait3A_205 : memref<32xf32, #tpu.memory_space<hbm>>)
            tpu.yield
          }) : () -> ()
        } else {
        }
      }
      %while3A_60 = arith.constant 1 : i32
      scf.for %while3A_74 = %while3A_58 to %while3A_54 step %while3A_60  : i32 {
        %get3A = arith.index_cast %while3A_74 : i32 to index
        %get3A_75 = tpu.vector_load %arg12[%get3A] {strides = array<i32>} : memref<16400xi32, #tpu.memory_space<vmem>>, vector<16xi32>,
        %slice3A = vector.extract_strided_slice %get3A_75 {offsets = [0], sizes = [1], strides = [1]} : vector<16xi32> to vector<1xi32>
        %squeeze3A = vector.extract %slice3A[0] : i32 from vector<1xi32>
        %get3A_76 = arith.index_cast %while3A_74 : i32 to index
        %get3A_77 = tpu.vector_load %arg13[%get3A_76] {strides = array<i32>} : memref<16400xi32, #tpu.memory_space<vmem>>, vector<16xi32>,
        %slice3A_78 = vector.extract_strided_slice %get3A_77 {offsets = [0], sizes = [1], strides = [1]} : vector<16xi32> to vector<1xi32>
        %squeeze3A_79 = vector.extract %slice3A_78[0] : i32 from vector<1xi32>
        %sub3A = arith.subi %squeeze3A, %mul3A_0 : i32
        %jit3A_80 = arith.constant 256 : i32
        %div3A = arith.divsi %sub3A, %jit3A_80 : i32
        %sign3A = arith.constant 0 : i32
        %sign3A_81 = arith.cmpi sgt, %sub3A, %sign3A : i32
        %sign3A_82 = arith.extui %sign3A_81 : i1 to i32
        %sign3A_83 = arith.constant 0 : i32
        %sign3A_84 = arith.cmpi slt, %sub3A, %sign3A_83 : i32
        %sign3A_85 = arith.extui %sign3A_84 : i1 to i32
        %sign3A_86 = arith.subi %sign3A_82, %sign3A_85 : i32
        %sign3A_87 = arith.constant 0 : i32
        %sign3A_88 = arith.cmpi sgt, %jit3A_80, %sign3A_87 : i32
        %sign3A_89 = arith.extui %sign3A_88 : i1 to i32
        %sign3A_90 = arith.constant 0 : i32
        %sign3A_91 = arith.cmpi slt, %jit3A_80, %sign3A_90 : i32
        %sign3A_92 = arith.extui %sign3A_91 : i1 to i32
        %sign3A_93 = arith.subi %sign3A_89, %sign3A_92 : i32
        %ne3A = arith.cmpi ne, %sign3A_86, %sign3A_93 : i32
        %rem3A = arith.remsi %sub3A, %jit3A_80 : i32
        %ne3A_94 = arith.constant 0 : i32
        %ne3A_95 = arith.cmpi ne, %rem3A, %ne3A_94 : i32
        %and3A = arith.andi %ne3A, %ne3A_95 : i1
        %sub3A_96 = arith.constant 1 : i32
        %sub3A_97 = arith.subi %div3A, %sub3A_96 : i32
        %select_n3A_98 = arith.select %and3A, %sub3A_97, %div3A : i32
        %get3A_99 = arith.index_cast %select_n3A_98 : i32 to index
        %get3A_100 = memref.load %arg11[%get3A_99] : memref<247xi32, #tpu.memory_space<smem>>
        %add3A_101 = arith.constant 1 : i32
        %add3A_102 = arith.addi %get3A_100, %add3A_101 : i32
        %swap3A = arith.index_cast %select_n3A_98 : i32 to index
        %swap3A_103 = memref.load %arg11[%swap3A] : memref<247xi32, #tpu.memory_space<smem>>
        memref.store %add3A_102, %arg11[%swap3A] : memref<247xi32, #tpu.memory_space<smem>>
        %lt3A_104 = arith.constant 16 : i32
        %lt3A_105 = arith.cmpi slt, %get3A_100, %lt3A_104 : i32
        %convert_element_type3A_106 = arith.extui %lt3A_105 : i1 to i32
        %cond3A_107 = arith.constant 0 : i32
        %cond3A_108 = arith.cmpi ne, %convert_element_type3A_106, %cond3A_107 : i32
        scf.if %cond3A_108 {
          %mul3A_113 = arith.constant 16 : i32
          %mul3A_114 = arith.muli %select_n3A_98, %mul3A_113 : i32
          %add3A_115 = arith.addi %mul3A_114, %get3A_100 : i32
          %broadcast_in_dim3A = vector.broadcast %add3A_115 : i32 to vector<16xi32>
          %broadcast_in_dim3A_116 = vector.broadcast %squeeze3A : i32 to vector<16xi32>
          tpu.vector_store_idx %arg9[%broadcast_in_dim3A], %broadcast_in_dim3A_116 masked %lt3A_7 : memref<3968xi32, #tpu.memory_space<vmem>>[vector<16xi32>], vector<16xi32>, vector<16xi1>
          %broadcast_in_dim3A_117 = vector.broadcast %squeeze3A_79 : i32 to vector<16xi32>
          tpu.vector_store_idx %arg10[%broadcast_in_dim3A], %broadcast_in_dim3A_117 masked %lt3A_7 : memref<3968xi32, #tpu.memory_space<vmem>>[vector<16xi32>], vector<16xi32>, vector<16xi1>
        } else {
        }
        %ge3A = arith.constant 16 : i32
        %ge3A_109 = arith.cmpi sge, %get3A_100, %ge3A : i32
        %convert_element_type3A_110 = arith.extui %ge3A_109 : i1 to i32
        %cond3A_111 = arith.constant 0 : i32
        %cond3A_112 = arith.cmpi ne, %convert_element_type3A_110, %cond3A_111 : i32
        scf.if %cond3A_112 {
          %jit3A_113 = arith.constant 128 : i32
          %div3A_114 = arith.divsi %squeeze3A, %jit3A_113 : i32
          %sign3A_115 = arith.constant 0 : i32
          %sign3A_116 = arith.cmpi sgt, %squeeze3A, %sign3A_115 : i32
          %sign3A_117 = arith.extui %sign3A_116 : i1 to i32
          %sign3A_118 = arith.constant 0 : i32
          %sign3A_119 = arith.cmpi slt, %squeeze3A, %sign3A_118 : i32
          %sign3A_120 = arith.extui %sign3A_119 : i1 to i32
          %sign3A_121 = arith.subi %sign3A_117, %sign3A_120 : i32
          %sign3A_122 = arith.constant 0 : i32
          %sign3A_123 = arith.cmpi sgt, %jit3A_113, %sign3A_122 : i32
          %sign3A_124 = arith.extui %sign3A_123 : i1 to i32
          %sign3A_125 = arith.constant 0 : i32
          %sign3A_126 = arith.cmpi slt, %jit3A_113, %sign3A_125 : i32
          %sign3A_127 = arith.extui %sign3A_126 : i1 to i32
          %sign3A_128 = arith.subi %sign3A_124, %sign3A_127 : i32
          %ne3A_129 = arith.cmpi ne, %sign3A_121, %sign3A_128 : i32
          %rem3A_130 = arith.remsi %squeeze3A, %jit3A_113 : i32
          %ne3A_131 = arith.constant 0 : i32
          %ne3A_132 = arith.cmpi ne, %rem3A_130, %ne3A_131 : i32
          %and3A_133 = arith.andi %ne3A_129, %ne3A_132 : i1
          %sub3A_134 = arith.constant 1 : i32
          %sub3A_135 = arith.subi %div3A_114, %sub3A_134 : i32
          %select_n3A_136 = arith.select %and3A_133, %sub3A_135, %div3A_114 : i32
          %mul3A_137 = arith.constant 128 : i32
          %mul3A_138 = arith.muli %select_n3A_136, %mul3A_137 : i32
          %min3A = arith.constant 999808 : i32
          %min3A_139 = arith.minsi %mul3A_138, %min3A : i32
          %multiple_of3A = tpu.assume_multiple %min3A_139, 128 : i32
          "tpu.region"() ({
            %run_scoped3A_186 = tpu.sem_alloc : memref<!tpu.dma_semaphore, #tpu.memory_space<semaphore_mem>>
            %dma_start3A = arith.constant 0 : i32
            %dma_start3A_187 = tpu.memref_slice %arg4[%dma_start3A, %multiple_of3A] : memref<32x1000000xf32, #tpu.memory_space<hbm>> -> memref<32x128xf32, #tpu.memory_space<hbm>>
            %dma_start3A_188 = arith.constant 0 : i32
            %dma_start3A_189 = tpu.memref_slice %arg4[%dma_start3A_188, %multiple_of3A] : memref<32x1000000xf32, #tpu.memory_space<hbm>> -> memref<32x128xf32, #tpu.memory_space<hbm>>
            tpu.enqueue_dma source(%dma_start3A_189 : memref<32x128xf32, #tpu.memory_space<hbm>>) target(%arg14 : memref<32x128xf32, #tpu.memory_space<vmem>>) target_semaphore(%run_scoped3A_186 : memref<!tpu.dma_semaphore, #tpu.memory_space<semaphore_mem>>)
            %dma_wait3A = arith.constant 0 : i32
            %dma_wait3A_190 = tpu.memref_slice %arg4[%dma_wait3A, %multiple_of3A] : memref<32x1000000xf32, #tpu.memory_space<hbm>> -> memref<32x128xf32, #tpu.memory_space<hbm>>
            %dma_wait3A_191 = arith.constant 0 : i32
            %dma_wait3A_192 = tpu.memref_slice %arg4[%dma_wait3A_191, %multiple_of3A] : memref<32x1000000xf32, #tpu.memory_space<hbm>> -> memref<32x128xf32, #tpu.memory_space<hbm>>
            tpu.wait_dma2 semaphore(%run_scoped3A_186 : memref<!tpu.dma_semaphore, #tpu.memory_space<semaphore_mem>>) src(%dma_wait3A_192 : memref<32x128xf32, #tpu.memory_space<hbm>>) dst(%arg14 : memref<32x128xf32, #tpu.memory_space<vmem>>)
            tpu.yield
          }) : () -> ()
          %jit3A_140 = arith.constant 128 : i32
          %eq3A_141 = arith.constant 0 : i32
          %eq3A_142 = arith.cmpi eq, %jit3A_140, %eq3A_141 : i32
          %jit3A_143 = arith.constant 1 : i32
          %select_n3A_144 = arith.select %eq3A_142, %jit3A_143, %jit3A_140 : i32
          %rem3A_145 = arith.remsi %squeeze3A, %select_n3A_144 : i32
          %ne3A_146 = arith.constant 0 : i32
          %ne3A_147 = arith.cmpi ne, %rem3A_145, %ne3A_146 : i32
          %lt3A_148 = arith.constant 0 : i32
          %lt3A_149 = arith.cmpi slt, %rem3A_145, %lt3A_148 : i32
          %lt3A_150 = arith.constant 0 : i32
          %lt3A_151 = arith.cmpi slt, %select_n3A_144, %lt3A_150 : i32
          %ne3A_152 = arith.xori %lt3A_149, %lt3A_151 : i1
          %and3A_153 = arith.andi %ne3A_152, %ne3A_147 : i1
          %add3A_154 = arith.addi %rem3A_145, %select_n3A_144 : i32
          %select_n3A_155 = arith.select %and3A_153, %add3A_154, %rem3A_145 : i32
          %broadcast_in_dim3A = vector.broadcast %select_n3A_155 : i32 to vector<16xi32>
          %gather3A = tpu.vector_load_idx %arg14[%iota3A, %broadcast_in_dim3A] : memref<32x128xf32, #tpu.memory_space<vmem>>[vector<16xi32>, vector<16xi32>], vector<16xf32>,
          %add3A_156 = arith.constant 16 : i32
          %add3A_157 = vector.broadcast %add3A_156 : i32 to vector<16xi32>
          %add3A_158 = arith.addi %iota3A, %add3A_157 : vector<16xi32>
          %gather3A_159 = tpu.vector_load_idx %arg14[%add3A_158, %broadcast_in_dim3A] : memref<32x128xf32, #tpu.memory_space<vmem>>[vector<16xi32>, vector<16xi32>], vector<16xf32>,
          %sub3A_160 = arith.constant 999936 : i32
          %sub3A_161 = arith.subi %squeeze3A, %sub3A_160 : i32
          %max3A = arith.constant 0 : i32
          %max3A_162 = arith.maxsi %sub3A_161, %max3A : i32
          %mul3A_163 = arith.constant 32 : i32
          %mul3A_164 = arith.muli %max3A_162, %mul3A_163 : i32
          %mul3A_165 = arith.constant 2048 : i32
          %mul3A_166 = arith.muli %arg0, %mul3A_165 : i32
          %add3A_167 = arith.addi %mul3A_164, %mul3A_166 : i32
          %add3A_168 = vector.broadcast %add3A_167 : i32 to vector<16xi32>
          %add3A_169 = arith.addi %add3A_168, %iota3A : vector<16xi32>
          %gather3A_170 = tpu.vector_load_idx %arg19[%add3A_169] : memref<4096xf32, #tpu.memory_space<vmem>>[vector<16xi32>], vector<16xf32>,
          %add3A_171 = arith.constant 16 : i32
          %add3A_172 = arith.addi %add3A_167, %add3A_171 : i32
          %add3A_173 = vector.broadcast %add3A_172 : i32 to vector<16xi32>
          %add3A_174 = arith.addi %add3A_173, %iota3A : vector<16xi32>
          %gather3A_175 = tpu.vector_load_idx %arg19[%add3A_174] : memref<4096xf32, #tpu.memory_space<vmem>>[vector<16xi32>], vector<16xf32>,
          %ge3A_176 = arith.constant 999936 : i32
          %ge3A_177 = arith.cmpi sge, %squeeze3A, %ge3A_176 : i32
          %broadcast_in_dim3A_178 = vector.broadcast %ge3A_177 : i1 to vector<16xi1>
          %select_n3A_179 = arith.select %broadcast_in_dim3A_178, %gather3A_170, %gather3A : vector<16xi1>, vector<16xf32>
          %select_n3A_180 = arith.select %broadcast_in_dim3A_178, %gather3A_175, %gather3A_159 : vector<16xi1>, vector<16xf32>
          %broadcast_in_dim3A_181 = arith.constant 0 : i32
          %broadcast_in_dim3A_182 = vector.broadcast %broadcast_in_dim3A_181 : i32 to vector<16xi32>
          tpu.vector_store_idx %arg16[%broadcast_in_dim3A_182, %iota3A], %select_n3A_179 : memref<16x32xf32, #tpu.memory_space<vmem>>[vector<16xi32>, vector<16xi32>], vector<16xf32>,
          %add3A_183 = arith.constant 16 : i32
          %add3A_184 = vector.broadcast %add3A_183 : i32 to vector<16xi32>
          %add3A_185 = arith.addi %iota3A, %add3A_184 : vector<16xi32>
          tpu.vector_store_idx %arg16[%broadcast_in_dim3A_182, %add3A_185], %select_n3A_180 : memref<16x32xf32, #tpu.memory_space<vmem>>[vector<16xi32>, vector<16xi32>], vector<16xf32>,
          %run_scoped3A = arith.constant 0 : i32
          "tpu.region"() ({
            %run_scoped3A_186 = tpu.sem_alloc : memref<!tpu.dma_semaphore, #tpu.memory_space<semaphore_mem>>
            %dma_start3A = arith.constant 0 : i32
            %dma_start3A_187 = tpu.memref_slice %arg16[%run_scoped3A, %dma_start3A] : memref<16x32xf32, #tpu.memory_space<vmem>> -> memref<1x32xf32, #tpu.memory_space<vmem>>
            %dma_start3A_188 = tpu.memref_squeeze %dma_start3A_187 : memref<1x32xf32, #tpu.memory_space<vmem>> -> memref<32xf32, #tpu.memory_space<vmem>>
            %dma_start3A_189 = arith.constant 0 : i32
            %dma_start3A_190 = tpu.memref_slice %arg8[%squeeze3A_79, %dma_start3A_189] : memref<16384x32xf32, #tpu.memory_space<hbm>> -> memref<1x32xf32, #tpu.memory_space<hbm>>
            %dma_start3A_191 = tpu.memref_squeeze %dma_start3A_190 : memref<1x32xf32, #tpu.memory_space<hbm>> -> memref<32xf32, #tpu.memory_space<hbm>>
            %dma_start3A_192 = arith.constant 0 : i32
            %dma_start3A_193 = tpu.memref_slice %arg8[%squeeze3A_79, %dma_start3A_192] : memref<16384x32xf32, #tpu.memory_space<hbm>> -> memref<1x32xf32, #tpu.memory_space<hbm>>
            %dma_start3A_194 = tpu.memref_squeeze %dma_start3A_193 : memref<1x32xf32, #tpu.memory_space<hbm>> -> memref<32xf32, #tpu.memory_space<hbm>>
            %dma_start3A_195 = arith.constant 0 : i32
            %dma_start3A_196 = tpu.memref_slice %arg16[%run_scoped3A, %dma_start3A_195] : memref<16x32xf32, #tpu.memory_space<vmem>> -> memref<1x32xf32, #tpu.memory_space<vmem>>
            %dma_start3A_197 = tpu.memref_squeeze %dma_start3A_196 : memref<1x32xf32, #tpu.memory_space<vmem>> -> memref<32xf32, #tpu.memory_space<vmem>>
            tpu.enqueue_dma source(%dma_start3A_197 : memref<32xf32, #tpu.memory_space<vmem>>) target(%dma_start3A_194 : memref<32xf32, #tpu.memory_space<hbm>>) target_semaphore(%run_scoped3A_186 : memref<!tpu.dma_semaphore, #tpu.memory_space<semaphore_mem>>)
            %dma_wait3A = arith.constant 0 : i32
            %dma_wait3A_198 = tpu.memref_slice %arg16[%run_scoped3A, %dma_wait3A] : memref<16x32xf32, #tpu.memory_space<vmem>> -> memref<1x32xf32, #tpu.memory_space<vmem>>
            %dma_wait3A_199 = tpu.memref_squeeze %dma_wait3A_198 : memref<1x32xf32, #tpu.memory_space<vmem>> -> memref<32xf32, #tpu.memory_space<vmem>>
            %dma_wait3A_200 = arith.constant 0 : i32
            %dma_wait3A_201 = tpu.memref_slice %arg8[%squeeze3A_79, %dma_wait3A_200] : memref<16384x32xf32, #tpu.memory_space<hbm>> -> memref<1x32xf32, #tpu.memory_space<hbm>>
            %dma_wait3A_202 = tpu.memref_squeeze %dma_wait3A_201 : memref<1x32xf32, #tpu.memory_space<hbm>> -> memref<32xf32, #tpu.memory_space<hbm>>
            %dma_wait3A_203 = arith.constant 0 : i32
            %dma_wait3A_204 = tpu.memref_slice %arg8[%squeeze3A_79, %dma_wait3A_203] : memref<16384x32xf32, #tpu.memory_space<hbm>> -> memref<1x32xf32, #tpu.memory_space<hbm>>
            %dma_wait3A_205 = tpu.memref_squeeze %dma_wait3A_204 : memref<1x32xf32, #tpu.memory_space<hbm>> -> memref<32xf32, #tpu.memory_space<hbm>>
            %dma_wait3A_206 = arith.constant 0 : i32
            %dma_wait3A_207 = tpu.memref_slice %arg16[%run_scoped3A, %dma_wait3A_206] : memref<16x32xf32, #tpu.memory_space<vmem>> -> memref<1x32xf32, #tpu.memory_space<vmem>>
            %dma_wait3A_208 = tpu.memref_squeeze %dma_wait3A_207 : memref<1x32xf32, #tpu.memory_space<vmem>> -> memref<32xf32, #tpu.memory_space<vmem>>
            tpu.wait_dma2 semaphore(%run_scoped3A_186 : memref<!tpu.dma_semaphore, #tpu.memory_space<semaphore_mem>>) src(%dma_wait3A_208 : memref<32xf32, #tpu.memory_space<vmem>>) dst(%dma_wait3A_205 : memref<32xf32, #tpu.memory_space<hbm>>)
            tpu.yield
          }) : () -> ()
        } else {
        }
      }
      %while3A_61 = arith.constant 0 : i32
      %while3A_62 = arith.constant 0 : i32
      %while3A_63 = arith.subi %select_n3A_5, %while3A_62 : i32
      %while3A_64 = arith.addi %while3A_62, %while3A_63 : i32
      %while3A_65 = arith.constant 1 : i32
      %while3A_66 = arith.divsi %while3A_63, %while3A_65 : i32
      %while3A_67 = arith.muli %while3A_66, %while3A_65 : i32
      %while3A_68 = arith.addi %while3A_62, %while3A_67 : i32
      %while3A_69 = arith.constant 1 : i32
      scf.for %while3A_74 = %while3A_62 to %while3A_68 step %while3A_69  : i32 {
        %jit3A_75 = arith.constant 6 : i32
        %eq3A_76 = arith.constant 0 : i32
        %eq3A_77 = arith.cmpi eq, %jit3A_75, %eq3A_76 : i32
        %jit3A_78 = arith.constant 1 : i32
        %select_n3A_79 = arith.select %eq3A_77, %jit3A_78, %jit3A_75 : i32
        %rem3A = arith.remsi %while3A_74, %select_n3A_79 : i32
        %ne3A = arith.constant 0 : i32
        %ne3A_80 = arith.cmpi ne, %rem3A, %ne3A : i32
        %lt3A_81 = arith.constant 0 : i32
        %lt3A_82 = arith.cmpi slt, %rem3A, %lt3A_81 : i32
        %lt3A_83 = arith.constant 0 : i32
        %lt3A_84 = arith.cmpi slt, %select_n3A_79, %lt3A_83 : i32
        %ne3A_85 = arith.xori %lt3A_82, %lt3A_84 : i1
        %and3A = arith.andi %ne3A_85, %ne3A_80 : i1
        %add3A_86 = arith.addi %rem3A, %select_n3A_79 : i32
        %select_n3A_87 = arith.select %and3A, %add3A_86, %rem3A : i32
        %add3A_88 = arith.constant 6 : i32
        %add3A_89 = arith.addi %while3A_74, %add3A_88 : i32
        %sub3A = arith.constant 1 : i32
        %sub3A_90 = arith.subi %add3A_89, %sub3A : i32
        %lt3A_91 = arith.cmpi slt, %sub3A_90, %select_n3A_5 : i32
        %convert_element_type3A_92 = arith.extui %lt3A_91 : i1 to i32
        %cond3A_93 = arith.constant 0 : i32
        %cond3A_94 = arith.cmpi ne, %convert_element_type3A_92, %cond3A_93 : i32
        scf.if %cond3A_94 {
          %add3A_132 = arith.constant 6 : i32
          %add3A_133 = arith.addi %while3A_74, %add3A_132 : i32
          %sub3A_134 = arith.constant 1 : i32
          %sub3A_135 = arith.subi %add3A_133, %sub3A_134 : i32
          %add3A_136 = arith.constant 6 : i32
          %add3A_137 = arith.addi %while3A_74, %add3A_136 : i32
          %sub3A_138 = arith.constant 1 : i32
          %sub3A_139 = arith.subi %add3A_137, %sub3A_138 : i32
          %jit3A_140 = arith.constant 6 : i32
          %eq3A_141 = arith.constant 0 : i32
          %eq3A_142 = arith.cmpi eq, %jit3A_140, %eq3A_141 : i32
          %jit3A_143 = arith.constant 1 : i32
          %select_n3A_144 = arith.select %eq3A_142, %jit3A_143, %jit3A_140 : i32
          %rem3A_145 = arith.remsi %sub3A_139, %select_n3A_144 : i32
          %ne3A_146 = arith.constant 0 : i32
          %ne3A_147 = arith.cmpi ne, %rem3A_145, %ne3A_146 : i32
          %lt3A_148 = arith.constant 0 : i32
          %lt3A_149 = arith.cmpi slt, %rem3A_145, %lt3A_148 : i32
          %lt3A_150 = arith.constant 0 : i32
          %lt3A_151 = arith.cmpi slt, %select_n3A_144, %lt3A_150 : i32
          %ne3A_152 = arith.xori %lt3A_149, %lt3A_151 : i1
          %and3A_153 = arith.andi %ne3A_152, %ne3A_147 : i1
          %add3A_154 = arith.addi %rem3A_145, %select_n3A_144 : i32
          %select_n3A_155 = arith.select %and3A_153, %add3A_154, %rem3A_145 : i32
          %mul3A_156 = arith.constant 256 : i32
          %mul3A_157 = arith.muli %sub3A_135, %mul3A_156 : i32
          %add3A_158 = arith.addi %mul3A_0, %mul3A_157 : i32
          %multiple_of3A = tpu.assume_multiple %add3A_158, 128 : i32
          %dma_start3A = arith.constant 0 : i32
          %dma_start3A_159 = arith.constant 0 : i32
          %dma_start3A_160 = tpu.memref_slice %arg20[%select_n3A_155, %dma_start3A, %dma_start3A_159] : memref<6x32x256xf32, #tpu.memory_space<vmem>> -> memref<1x32x256xf32, #tpu.memory_space<vmem>>
          %dma_start3A_161 = tpu.memref_squeeze %dma_start3A_160 : memref<1x32x256xf32, #tpu.memory_space<vmem>> -> memref<32x256xf32, #tpu.memory_space<vmem>>
          %dma_start3A_162 = arith.constant 0 : i32
          %dma_start3A_163 = tpu.memref_slice %arg4[%dma_start3A_162, %multiple_of3A] : memref<32x1000000xf32, #tpu.memory_space<hbm>> -> memref<32x256xf32, #tpu.memory_space<hbm>>
          %dma_start3A_164 = tpu.memref_slice %arg18[%select_n3A_155] : memref<6x!tpu.dma_semaphore, #tpu.memory_space<semaphore_mem>> -> memref<1x!tpu.dma_semaphore, #tpu.memory_space<semaphore_mem>>
          %dma_start3A_165 = tpu.memref_squeeze %dma_start3A_164 : memref<1x!tpu.dma_semaphore, #tpu.memory_space<semaphore_mem>> -> memref<!tpu.dma_semaphore, #tpu.memory_space<semaphore_mem>>
          %dma_start3A_166 = arith.constant 0 : i32
          %dma_start3A_167 = arith.constant 0 : i32
          %dma_start3A_168 = tpu.memref_slice %arg20[%select_n3A_155, %dma_start3A_166, %dma_start3A_167] : memref<6x32x256xf32, #tpu.memory_space<vmem>> -> memref<1x32x256xf32, #tpu.memory_space<vmem>>
          %dma_start3A_169 = tpu.memref_squeeze %dma_start3A_168 : memref<1x32x256xf32, #tpu.memory_space<vmem>> -> memref<32x256xf32, #tpu.memory_space<vmem>>
          %dma_start3A_170 = arith.constant 0 : i32
          %dma_start3A_171 = tpu.memref_slice %arg4[%dma_start3A_170, %multiple_of3A] : memref<32x1000000xf32, #tpu.memory_space<hbm>> -> memref<32x256xf32, #tpu.memory_space<hbm>>
          tpu.enqueue_dma source(%dma_start3A_171 : memref<32x256xf32, #tpu.memory_space<hbm>>) target(%dma_start3A_169 : memref<32x256xf32, #tpu.memory_space<vmem>>) target_semaphore(%dma_start3A_165 : memref<!tpu.dma_semaphore, #tpu.memory_space<semaphore_mem>>)
        } else {
        }
        %dma_wait3A = arith.constant 0 : i32
        %dma_wait3A_95 = arith.constant 0 : i32
        %dma_wait3A_96 = tpu.memref_slice %arg20[%select_n3A_87, %dma_wait3A, %dma_wait3A_95] : memref<6x32x256xf32, #tpu.memory_space<vmem>> -> memref<1x32x256xf32, #tpu.memory_space<vmem>>
        %dma_wait3A_97 = tpu.memref_squeeze %dma_wait3A_96 : memref<1x32x256xf32, #tpu.memory_space<vmem>> -> memref<32x256xf32, #tpu.memory_space<vmem>>
        %dma_wait3A_98 = arith.constant 0 : i32
        %dma_wait3A_99 = arith.constant 0 : i32
        %dma_wait3A_100 = tpu.memref_slice %arg4[%dma_wait3A_98, %dma_wait3A_99] : memref<32x1000000xf32, #tpu.memory_space<hbm>> -> memref<32x256xf32, #tpu.memory_space<hbm>>
        %dma_wait3A_101 = tpu.memref_slice %arg18[%select_n3A_87] : memref<6x!tpu.dma_semaphore, #tpu.memory_space<semaphore_mem>> -> memref<1x!tpu.dma_semaphore, #tpu.memory_space<semaphore_mem>>
        %dma_wait3A_102 = tpu.memref_squeeze %dma_wait3A_101 : memref<1x!tpu.dma_semaphore, #tpu.memory_space<semaphore_mem>> -> memref<!tpu.dma_semaphore, #tpu.memory_space<semaphore_mem>>
        %dma_wait3A_103 = arith.constant 0 : i32
        %dma_wait3A_104 = arith.constant 0 : i32
        %dma_wait3A_105 = tpu.memref_slice %arg20[%select_n3A_87, %dma_wait3A_103, %dma_wait3A_104] : memref<6x32x256xf32, #tpu.memory_space<vmem>> -> memref<1x32x256xf32, #tpu.memory_space<vmem>>
        %dma_wait3A_106 = tpu.memref_squeeze %dma_wait3A_105 : memref<1x32x256xf32, #tpu.memory_space<vmem>> -> memref<32x256xf32, #tpu.memory_space<vmem>>
        %dma_wait3A_107 = arith.constant 0 : i32
        %dma_wait3A_108 = arith.constant 0 : i32
        %dma_wait3A_109 = tpu.memref_slice %arg4[%dma_wait3A_107, %dma_wait3A_108] : memref<32x1000000xf32, #tpu.memory_space<hbm>> -> memref<32x256xf32, #tpu.memory_space<hbm>>
        tpu.wait_dma2 semaphore(%dma_wait3A_102 : memref<!tpu.dma_semaphore, #tpu.memory_space<semaphore_mem>>) src(%dma_wait3A_109 : memref<32x256xf32, #tpu.memory_space<hbm>>) dst(%dma_wait3A_106 : memref<32x256xf32, #tpu.memory_space<vmem>>)
        %get3A = arith.index_cast %while3A_74 : i32 to index
        %get3A_110 = memref.load %arg11[%get3A] : memref<247xi32, #tpu.memory_space<smem>>
        %min3A = arith.constant 16 : i32
        %min3A_111 = arith.minsi %get3A_110, %min3A : i32
        %while3A_112 = arith.constant 0 : i32
        %while3A_113 = arith.constant 0 : i32
        %while3A_114 = arith.subi %min3A_111, %while3A_113 : i32
        %while3A_115 = arith.addi %while3A_113, %while3A_114 : i32
        %while3A_116 = arith.constant 1 : i32
        %while3A_117 = arith.divsi %while3A_114, %while3A_116 : i32
        %while3A_118 = arith.muli %while3A_117, %while3A_116 : i32
        %while3A_119 = arith.addi %while3A_113, %while3A_118 : i32
        %while3A_120 = arith.constant 1 : i32
        scf.for %while3A_132 = %while3A_113 to %while3A_119 step %while3A_120  : i32 {
          %mul3A_133 = arith.constant 16 : i32
          %mul3A_134 = arith.muli %while3A_74, %mul3A_133 : i32
          %add3A_135 = arith.addi %mul3A_134, %while3A_132 : i32
          %get3A_136 = arith.index_cast %add3A_135 : i32 to index
          %get3A_137 = tpu.vector_load %arg9[%get3A_136] {strides = array<i32>} : memref<3968xi32, #tpu.memory_space<vmem>>, vector<16xi32>,
          %slice3A = vector.extract_strided_slice %get3A_137 {offsets = [0], sizes = [1], strides = [1]} : vector<16xi32> to vector<1xi32>
          %squeeze3A = vector.extract %slice3A[0] : i32 from vector<1xi32>
          %mul3A_138 = arith.constant 16 : i32
          %mul3A_139 = arith.muli %while3A_74, %mul3A_138 : i32
          %add3A_140 = arith.addi %mul3A_139, %while3A_132 : i32
          %get3A_141 = arith.index_cast %add3A_140 : i32 to index
          %get3A_142 = tpu.vector_load %arg10[%get3A_141] {strides = array<i32>} : memref<3968xi32, #tpu.memory_space<vmem>>, vector<16xi32>,
          %slice3A_143 = vector.extract_strided_slice %get3A_142 {offsets = [0], sizes = [1], strides = [1]} : vector<16xi32> to vector<1xi32>
          %squeeze3A_144 = vector.extract %slice3A_143[0] : i32 from vector<1xi32>
          %broadcast_in_dim3A = vector.broadcast %select_n3A_87 : i32 to vector<16xi32>
          %mul3A_145 = arith.constant 256 : i32
          %mul3A_146 = arith.muli %while3A_74, %mul3A_145 : i32
          %add3A_147 = arith.addi %mul3A_0, %mul3A_146 : i32
          %sub3A_148 = arith.subi %squeeze3A, %add3A_147 : i32
          %broadcast_in_dim3A_149 = vector.broadcast %sub3A_148 : i32 to vector<16xi32>
          %gather3A = tpu.vector_load_idx %arg20[%broadcast_in_dim3A, %iota3A, %broadcast_in_dim3A_149] : memref<6x32x256xf32, #tpu.memory_space<vmem>>[vector<16xi32>, vector<16xi32>, vector<16xi32>], vector<16xf32>,
          %add3A_150 = arith.constant 16 : i32
          %add3A_151 = vector.broadcast %add3A_150 : i32 to vector<16xi32>
          %add3A_152 = arith.addi %iota3A, %add3A_151 : vector<16xi32>
          %gather3A_153 = tpu.vector_load_idx %arg20[%broadcast_in_dim3A, %add3A_152, %broadcast_in_dim3A_149] : memref<6x32x256xf32, #tpu.memory_space<vmem>>[vector<16xi32>, vector<16xi32>, vector<16xi32>], vector<16xf32>,
          %sub3A_154 = arith.constant 999936 : i32
          %sub3A_155 = arith.subi %squeeze3A, %sub3A_154 : i32
          %max3A = arith.constant 0 : i32
          %max3A_156 = arith.maxsi %sub3A_155, %max3A : i32
          %mul3A_157 = arith.constant 32 : i32
          %mul3A_158 = arith.muli %max3A_156, %mul3A_157 : i32
          %mul3A_159 = arith.constant 2048 : i32
          %mul3A_160 = arith.muli %arg0, %mul3A_159 : i32
          %add3A_161 = arith.addi %mul3A_158, %mul3A_160 : i32
          %add3A_162 = vector.broadcast %add3A_161 : i32 to vector<16xi32>
          %add3A_163 = arith.addi %add3A_162, %iota3A : vector<16xi32>
          %gather3A_164 = tpu.vector_load_idx %arg19[%add3A_163] : memref<4096xf32, #tpu.memory_space<vmem>>[vector<16xi32>], vector<16xf32>,
          %add3A_165 = arith.constant 16 : i32
          %add3A_166 = arith.addi %add3A_161, %add3A_165 : i32
          %add3A_167 = vector.broadcast %add3A_166 : i32 to vector<16xi32>
          %add3A_168 = arith.addi %add3A_167, %iota3A : vector<16xi32>
          %gather3A_169 = tpu.vector_load_idx %arg19[%add3A_168] : memref<4096xf32, #tpu.memory_space<vmem>>[vector<16xi32>], vector<16xf32>,
          %ge3A = arith.constant 999936 : i32
          %ge3A_170 = arith.cmpi sge, %squeeze3A, %ge3A : i32
          %broadcast_in_dim3A_171 = vector.broadcast %ge3A_170 : i1 to vector<16xi1>
          %select_n3A_172 = arith.select %broadcast_in_dim3A_171, %gather3A_164, %gather3A : vector<16xi1>, vector<16xf32>
          %select_n3A_173 = arith.select %broadcast_in_dim3A_171, %gather3A_169, %gather3A_153 : vector<16xi1>, vector<16xf32>
          %broadcast_in_dim3A_174 = vector.broadcast %while3A_132 : i32 to vector<16xi32>
          tpu.vector_store_idx %arg16[%broadcast_in_dim3A_174, %iota3A], %select_n3A_172 : memref<16x32xf32, #tpu.memory_space<vmem>>[vector<16xi32>, vector<16xi32>], vector<16xf32>,
          %add3A_175 = arith.constant 16 : i32
          %add3A_176 = vector.broadcast %add3A_175 : i32 to vector<16xi32>
          %add3A_177 = arith.addi %iota3A, %add3A_176 : vector<16xi32>
          tpu.vector_store_idx %arg16[%broadcast_in_dim3A_174, %add3A_177], %select_n3A_173 : memref<16x32xf32, #tpu.memory_space<vmem>>[vector<16xi32>, vector<16xi32>], vector<16xf32>,
          %dma_start3A = arith.constant 0 : i32
          %dma_start3A_178 = tpu.memref_slice %arg16[%while3A_132, %dma_start3A] : memref<16x32xf32, #tpu.memory_space<vmem>> -> memref<1x32xf32, #tpu.memory_space<vmem>>
          %dma_start3A_179 = tpu.memref_squeeze %dma_start3A_178 : memref<1x32xf32, #tpu.memory_space<vmem>> -> memref<32xf32, #tpu.memory_space<vmem>>
          %dma_start3A_180 = arith.constant 0 : i32
          %dma_start3A_181 = tpu.memref_slice %arg8[%squeeze3A_144, %dma_start3A_180] : memref<16384x32xf32, #tpu.memory_space<hbm>> -> memref<1x32xf32, #tpu.memory_space<hbm>>
          %dma_start3A_182 = tpu.memref_squeeze %dma_start3A_181 : memref<1x32xf32, #tpu.memory_space<hbm>> -> memref<32xf32, #tpu.memory_space<hbm>>
          %dma_start3A_183 = arith.constant 0 : i32
          %dma_start3A_184 = tpu.memref_slice %arg8[%squeeze3A_144, %dma_start3A_183] : memref<16384x32xf32, #tpu.memory_space<hbm>> -> memref<1x32xf32, #tpu.memory_space<hbm>>
          %dma_start3A_185 = tpu.memref_squeeze %dma_start3A_184 : memref<1x32xf32, #tpu.memory_space<hbm>> -> memref<32xf32, #tpu.memory_space<hbm>>
          %dma_start3A_186 = arith.constant 0 : i32
          %dma_start3A_187 = tpu.memref_slice %arg16[%while3A_132, %dma_start3A_186] : memref<16x32xf32, #tpu.memory_space<vmem>> -> memref<1x32xf32, #tpu.memory_space<vmem>>
          %dma_start3A_188 = tpu.memref_squeeze %dma_start3A_187 : memref<1x32xf32, #tpu.memory_space<vmem>> -> memref<32xf32, #tpu.memory_space<vmem>>
          tpu.enqueue_dma source(%dma_start3A_188 : memref<32xf32, #tpu.memory_space<vmem>>) target(%dma_start3A_185 : memref<32xf32, #tpu.memory_space<hbm>>) target_semaphore(%arg17 : memref<!tpu.dma_semaphore, #tpu.memory_space<semaphore_mem>>)
        }
        %while3A_121 = arith.constant 1 : i32
        scf.for %while3A_132 = %while3A_119 to %while3A_115 step %while3A_121  : i32 {
          %mul3A_133 = arith.constant 16 : i32
          %mul3A_134 = arith.muli %while3A_74, %mul3A_133 : i32
          %add3A_135 = arith.addi %mul3A_134, %while3A_132 : i32
          %get3A_136 = arith.index_cast %add3A_135 : i32 to index
          %get3A_137 = tpu.vector_load %arg9[%get3A_136] {strides = array<i32>} : memref<3968xi32, #tpu.memory_space<vmem>>, vector<16xi32>,
          %slice3A = vector.extract_strided_slice %get3A_137 {offsets = [0], sizes = [1], strides = [1]} : vector<16xi32> to vector<1xi32>
          %squeeze3A = vector.extract %slice3A[0] : i32 from vector<1xi32>
          %mul3A_138 = arith.constant 16 : i32
          %mul3A_139 = arith.muli %while3A_74, %mul3A_138 : i32
          %add3A_140 = arith.addi %mul3A_139, %while3A_132 : i32
          %get3A_141 = arith.index_cast %add3A_140 : i32 to index
          %get3A_142 = tpu.vector_load %arg10[%get3A_141] {strides = array<i32>} : memref<3968xi32, #tpu.memory_space<vmem>>, vector<16xi32>,
          %slice3A_143 = vector.extract_strided_slice %get3A_142 {offsets = [0], sizes = [1], strides = [1]} : vector<16xi32> to vector<1xi32>
          %squeeze3A_144 = vector.extract %slice3A_143[0] : i32 from vector<1xi32>
          %broadcast_in_dim3A = vector.broadcast %select_n3A_87 : i32 to vector<16xi32>
          %mul3A_145 = arith.constant 256 : i32
          %mul3A_146 = arith.muli %while3A_74, %mul3A_145 : i32
          %add3A_147 = arith.addi %mul3A_0, %mul3A_146 : i32
          %sub3A_148 = arith.subi %squeeze3A, %add3A_147 : i32
          %broadcast_in_dim3A_149 = vector.broadcast %sub3A_148 : i32 to vector<16xi32>
          %gather3A = tpu.vector_load_idx %arg20[%broadcast_in_dim3A, %iota3A, %broadcast_in_dim3A_149] : memref<6x32x256xf32, #tpu.memory_space<vmem>>[vector<16xi32>, vector<16xi32>, vector<16xi32>], vector<16xf32>,
          %add3A_150 = arith.constant 16 : i32
          %add3A_151 = vector.broadcast %add3A_150 : i32 to vector<16xi32>
          %add3A_152 = arith.addi %iota3A, %add3A_151 : vector<16xi32>
          %gather3A_153 = tpu.vector_load_idx %arg20[%broadcast_in_dim3A, %add3A_152, %broadcast_in_dim3A_149] : memref<6x32x256xf32, #tpu.memory_space<vmem>>[vector<16xi32>, vector<16xi32>, vector<16xi32>], vector<16xf32>,
          %sub3A_154 = arith.constant 999936 : i32
          %sub3A_155 = arith.subi %squeeze3A, %sub3A_154 : i32
          %max3A = arith.constant 0 : i32
          %max3A_156 = arith.maxsi %sub3A_155, %max3A : i32
          %mul3A_157 = arith.constant 32 : i32
          %mul3A_158 = arith.muli %max3A_156, %mul3A_157 : i32
          %mul3A_159 = arith.constant 2048 : i32
          %mul3A_160 = arith.muli %arg0, %mul3A_159 : i32
          %add3A_161 = arith.addi %mul3A_158, %mul3A_160 : i32
          %add3A_162 = vector.broadcast %add3A_161 : i32 to vector<16xi32>
          %add3A_163 = arith.addi %add3A_162, %iota3A : vector<16xi32>
          %gather3A_164 = tpu.vector_load_idx %arg19[%add3A_163] : memref<4096xf32, #tpu.memory_space<vmem>>[vector<16xi32>], vector<16xf32>,
          %add3A_165 = arith.constant 16 : i32
          %add3A_166 = arith.addi %add3A_161, %add3A_165 : i32
          %add3A_167 = vector.broadcast %add3A_166 : i32 to vector<16xi32>
          %add3A_168 = arith.addi %add3A_167, %iota3A : vector<16xi32>
          %gather3A_169 = tpu.vector_load_idx %arg19[%add3A_168] : memref<4096xf32, #tpu.memory_space<vmem>>[vector<16xi32>], vector<16xf32>,
          %ge3A = arith.constant 999936 : i32
          %ge3A_170 = arith.cmpi sge, %squeeze3A, %ge3A : i32
          %broadcast_in_dim3A_171 = vector.broadcast %ge3A_170 : i1 to vector<16xi1>
          %select_n3A_172 = arith.select %broadcast_in_dim3A_171, %gather3A_164, %gather3A : vector<16xi1>, vector<16xf32>
          %select_n3A_173 = arith.select %broadcast_in_dim3A_171, %gather3A_169, %gather3A_153 : vector<16xi1>, vector<16xf32>
          %broadcast_in_dim3A_174 = vector.broadcast %while3A_132 : i32 to vector<16xi32>
          tpu.vector_store_idx %arg16[%broadcast_in_dim3A_174, %iota3A], %select_n3A_172 : memref<16x32xf32, #tpu.memory_space<vmem>>[vector<16xi32>, vector<16xi32>], vector<16xf32>,
          %add3A_175 = arith.constant 16 : i32
          %add3A_176 = vector.broadcast %add3A_175 : i32 to vector<16xi32>
          %add3A_177 = arith.addi %iota3A, %add3A_176 : vector<16xi32>
          tpu.vector_store_idx %arg16[%broadcast_in_dim3A_174, %add3A_177], %select_n3A_173 : memref<16x32xf32, #tpu.memory_space<vmem>>[vector<16xi32>, vector<16xi32>], vector<16xf32>,
          %dma_start3A = arith.constant 0 : i32
          %dma_start3A_178 = tpu.memref_slice %arg16[%while3A_132, %dma_start3A] : memref<16x32xf32, #tpu.memory_space<vmem>> -> memref<1x32xf32, #tpu.memory_space<vmem>>
          %dma_start3A_179 = tpu.memref_squeeze %dma_start3A_178 : memref<1x32xf32, #tpu.memory_space<vmem>> -> memref<32xf32, #tpu.memory_space<vmem>>
          %dma_start3A_180 = arith.constant 0 : i32
          %dma_start3A_181 = tpu.memref_slice %arg8[%squeeze3A_144, %dma_start3A_180] : memref<16384x32xf32, #tpu.memory_space<hbm>> -> memref<1x32xf32, #tpu.memory_space<hbm>>
          %dma_start3A_182 = tpu.memref_squeeze %dma_start3A_181 : memref<1x32xf32, #tpu.memory_space<hbm>> -> memref<32xf32, #tpu.memory_space<hbm>>
          %dma_start3A_183 = arith.constant 0 : i32
          %dma_start3A_184 = tpu.memref_slice %arg8[%squeeze3A_144, %dma_start3A_183] : memref<16384x32xf32, #tpu.memory_space<hbm>> -> memref<1x32xf32, #tpu.memory_space<hbm>>
          %dma_start3A_185 = tpu.memref_squeeze %dma_start3A_184 : memref<1x32xf32, #tpu.memory_space<hbm>> -> memref<32xf32, #tpu.memory_space<hbm>>
          %dma_start3A_186 = arith.constant 0 : i32
          %dma_start3A_187 = tpu.memref_slice %arg16[%while3A_132, %dma_start3A_186] : memref<16x32xf32, #tpu.memory_space<vmem>> -> memref<1x32xf32, #tpu.memory_space<vmem>>
          %dma_start3A_188 = tpu.memref_squeeze %dma_start3A_187 : memref<1x32xf32, #tpu.memory_space<vmem>> -> memref<32xf32, #tpu.memory_space<vmem>>
          tpu.enqueue_dma source(%dma_start3A_188 : memref<32xf32, #tpu.memory_space<vmem>>) target(%dma_start3A_185 : memref<32xf32, #tpu.memory_space<hbm>>) target_semaphore(%arg17 : memref<!tpu.dma_semaphore, #tpu.memory_space<semaphore_mem>>)
        }
        %while3A_122 = arith.constant 0 : i32
        %while3A_123 = arith.constant 0 : i32
        %while3A_124 = arith.subi %min3A_111, %while3A_123 : i32
        %while3A_125 = arith.addi %while3A_123, %while3A_124 : i32
        %while3A_126 = arith.constant 1 : i32
        %while3A_127 = arith.divsi %while3A_124, %while3A_126 : i32
        %while3A_128 = arith.muli %while3A_127, %while3A_126 : i32
        %while3A_129 = arith.addi %while3A_123, %while3A_128 : i32
        %while3A_130 = arith.constant 1 : i32
        scf.for %while3A_132 = %while3A_123 to %while3A_129 step %while3A_130  : i32 {
          %dma_wait3A_133 = arith.constant 0 : i32
          %dma_wait3A_134 = arith.constant 0 : i32
          %dma_wait3A_135 = arith.constant 0 : i32
          %dma_wait3A_136 = tpu.memref_slice %arg16[%dma_wait3A_133, %dma_wait3A_135] : memref<16x32xf32, #tpu.memory_space<vmem>> -> memref<1x32xf32, #tpu.memory_space<vmem>>
          %dma_wait3A_137 = tpu.memref_squeeze %dma_wait3A_136 : memref<1x32xf32, #tpu.memory_space<vmem>> -> memref<32xf32, #tpu.memory_space<vmem>>
          %dma_wait3A_138 = arith.constant 0 : i32
          %dma_wait3A_139 = tpu.memref_slice %arg8[%dma_wait3A_134, %dma_wait3A_138] : memref<16384x32xf32, #tpu.memory_space<hbm>> -> memref<1x32xf32, #tpu.memory_space<hbm>>
          %dma_wait3A_140 = tpu.memref_squeeze %dma_wait3A_139 : memref<1x32xf32, #tpu.memory_space<hbm>> -> memref<32xf32, #tpu.memory_space<hbm>>
          %dma_wait3A_141 = arith.constant 0 : i32
          %dma_wait3A_142 = tpu.memref_slice %arg8[%dma_wait3A_134, %dma_wait3A_141] : memref<16384x32xf32, #tpu.memory_space<hbm>> -> memref<1x32xf32, #tpu.memory_space<hbm>>
          %dma_wait3A_143 = tpu.memref_squeeze %dma_wait3A_142 : memref<1x32xf32, #tpu.memory_space<hbm>> -> memref<32xf32, #tpu.memory_space<hbm>>
          %dma_wait3A_144 = arith.constant 0 : i32
          %dma_wait3A_145 = tpu.memref_slice %arg16[%dma_wait3A_133, %dma_wait3A_144] : memref<16x32xf32, #tpu.memory_space<vmem>> -> memref<1x32xf32, #tpu.memory_space<vmem>>
          %dma_wait3A_146 = tpu.memref_squeeze %dma_wait3A_145 : memref<1x32xf32, #tpu.memory_space<vmem>> -> memref<32xf32, #tpu.memory_space<vmem>>
          tpu.wait_dma2 semaphore(%arg17 : memref<!tpu.dma_semaphore, #tpu.memory_space<semaphore_mem>>) src(%dma_wait3A_146 : memref<32xf32, #tpu.memory_space<vmem>>) dst(%dma_wait3A_143 : memref<32xf32, #tpu.memory_space<hbm>>)
        }
        %while3A_131 = arith.constant 1 : i32
        scf.for %while3A_132 = %while3A_129 to %while3A_125 step %while3A_131  : i32 {
          %dma_wait3A_133 = arith.constant 0 : i32
          %dma_wait3A_134 = arith.constant 0 : i32
          %dma_wait3A_135 = arith.constant 0 : i32
          %dma_wait3A_136 = tpu.memref_slice %arg16[%dma_wait3A_133, %dma_wait3A_135] : memref<16x32xf32, #tpu.memory_space<vmem>> -> memref<1x32xf32, #tpu.memory_space<vmem>>
          %dma_wait3A_137 = tpu.memref_squeeze %dma_wait3A_136 : memref<1x32xf32, #tpu.memory_space<vmem>> -> memref<32xf32, #tpu.memory_space<vmem>>
          %dma_wait3A_138 = arith.constant 0 : i32
          %dma_wait3A_139 = tpu.memref_slice %arg8[%dma_wait3A_134, %dma_wait3A_138] : memref<16384x32xf32, #tpu.memory_space<hbm>> -> memref<1x32xf32, #tpu.memory_space<hbm>>
          %dma_wait3A_140 = tpu.memref_squeeze %dma_wait3A_139 : memref<1x32xf32, #tpu.memory_space<hbm>> -> memref<32xf32, #tpu.memory_space<hbm>>
          %dma_wait3A_141 = arith.constant 0 : i32
          %dma_wait3A_142 = tpu.memref_slice %arg8[%dma_wait3A_134, %dma_wait3A_141] : memref<16384x32xf32, #tpu.memory_space<hbm>> -> memref<1x32xf32, #tpu.memory_space<hbm>>
          %dma_wait3A_143 = tpu.memref_squeeze %dma_wait3A_142 : memref<1x32xf32, #tpu.memory_space<hbm>> -> memref<32xf32, #tpu.memory_space<hbm>>
          %dma_wait3A_144 = arith.constant 0 : i32
          %dma_wait3A_145 = tpu.memref_slice %arg16[%dma_wait3A_133, %dma_wait3A_144] : memref<16x32xf32, #tpu.memory_space<vmem>> -> memref<1x32xf32, #tpu.memory_space<vmem>>
          %dma_wait3A_146 = tpu.memref_squeeze %dma_wait3A_145 : memref<1x32xf32, #tpu.memory_space<vmem>> -> memref<32xf32, #tpu.memory_space<vmem>>
          tpu.wait_dma2 semaphore(%arg17 : memref<!tpu.dma_semaphore, #tpu.memory_space<semaphore_mem>>) src(%dma_wait3A_146 : memref<32xf32, #tpu.memory_space<vmem>>) dst(%dma_wait3A_143 : memref<32xf32, #tpu.memory_space<hbm>>)
        }
      }
      %while3A_70 = arith.constant 1 : i32
      scf.for %while3A_74 = %while3A_68 to %while3A_64 step %while3A_70  : i32 {
        %jit3A_75 = arith.constant 6 : i32
        %eq3A_76 = arith.constant 0 : i32
        %eq3A_77 = arith.cmpi eq, %jit3A_75, %eq3A_76 : i32
        %jit3A_78 = arith.constant 1 : i32
        %select_n3A_79 = arith.select %eq3A_77, %jit3A_78, %jit3A_75 : i32
        %rem3A = arith.remsi %while3A_74, %select_n3A_79 : i32
        %ne3A = arith.constant 0 : i32
        %ne3A_80 = arith.cmpi ne, %rem3A, %ne3A : i32
        %lt3A_81 = arith.constant 0 : i32
        %lt3A_82 = arith.cmpi slt, %rem3A, %lt3A_81 : i32
        %lt3A_83 = arith.constant 0 : i32
        %lt3A_84 = arith.cmpi slt, %select_n3A_79, %lt3A_83 : i32
        %ne3A_85 = arith.xori %lt3A_82, %lt3A_84 : i1
        %and3A = arith.andi %ne3A_85, %ne3A_80 : i1
        %add3A_86 = arith.addi %rem3A, %select_n3A_79 : i32
        %select_n3A_87 = arith.select %and3A, %add3A_86, %rem3A : i32
        %add3A_88 = arith.constant 6 : i32
        %add3A_89 = arith.addi %while3A_74, %add3A_88 : i32
        %sub3A = arith.constant 1 : i32
        %sub3A_90 = arith.subi %add3A_89, %sub3A : i32
        %lt3A_91 = arith.cmpi slt, %sub3A_90, %select_n3A_5 : i32
        %convert_element_type3A_92 = arith.extui %lt3A_91 : i1 to i32
        %cond3A_93 = arith.constant 0 : i32
        %cond3A_94 = arith.cmpi ne, %convert_element_type3A_92, %cond3A_93 : i32
        scf.if %cond3A_94 {
          %add3A_132 = arith.constant 6 : i32
          %add3A_133 = arith.addi %while3A_74, %add3A_132 : i32
          %sub3A_134 = arith.constant 1 : i32
          %sub3A_135 = arith.subi %add3A_133, %sub3A_134 : i32
          %add3A_136 = arith.constant 6 : i32
          %add3A_137 = arith.addi %while3A_74, %add3A_136 : i32
          %sub3A_138 = arith.constant 1 : i32
          %sub3A_139 = arith.subi %add3A_137, %sub3A_138 : i32
          %jit3A_140 = arith.constant 6 : i32
          %eq3A_141 = arith.constant 0 : i32
          %eq3A_142 = arith.cmpi eq, %jit3A_140, %eq3A_141 : i32
          %jit3A_143 = arith.constant 1 : i32
          %select_n3A_144 = arith.select %eq3A_142, %jit3A_143, %jit3A_140 : i32
          %rem3A_145 = arith.remsi %sub3A_139, %select_n3A_144 : i32
          %ne3A_146 = arith.constant 0 : i32
          %ne3A_147 = arith.cmpi ne, %rem3A_145, %ne3A_146 : i32
          %lt3A_148 = arith.constant 0 : i32
          %lt3A_149 = arith.cmpi slt, %rem3A_145, %lt3A_148 : i32
          %lt3A_150 = arith.constant 0 : i32
          %lt3A_151 = arith.cmpi slt, %select_n3A_144, %lt3A_150 : i32
          %ne3A_152 = arith.xori %lt3A_149, %lt3A_151 : i1
          %and3A_153 = arith.andi %ne3A_152, %ne3A_147 : i1
          %add3A_154 = arith.addi %rem3A_145, %select_n3A_144 : i32
          %select_n3A_155 = arith.select %and3A_153, %add3A_154, %rem3A_145 : i32
          %mul3A_156 = arith.constant 256 : i32
          %mul3A_157 = arith.muli %sub3A_135, %mul3A_156 : i32
          %add3A_158 = arith.addi %mul3A_0, %mul3A_157 : i32
          %multiple_of3A = tpu.assume_multiple %add3A_158, 128 : i32
          %dma_start3A = arith.constant 0 : i32
          %dma_start3A_159 = arith.constant 0 : i32
          %dma_start3A_160 = tpu.memref_slice %arg20[%select_n3A_155, %dma_start3A, %dma_start3A_159] : memref<6x32x256xf32, #tpu.memory_space<vmem>> -> memref<1x32x256xf32, #tpu.memory_space<vmem>>
          %dma_start3A_161 = tpu.memref_squeeze %dma_start3A_160 : memref<1x32x256xf32, #tpu.memory_space<vmem>> -> memref<32x256xf32, #tpu.memory_space<vmem>>
          %dma_start3A_162 = arith.constant 0 : i32
          %dma_start3A_163 = tpu.memref_slice %arg4[%dma_start3A_162, %multiple_of3A] : memref<32x1000000xf32, #tpu.memory_space<hbm>> -> memref<32x256xf32, #tpu.memory_space<hbm>>
          %dma_start3A_164 = tpu.memref_slice %arg18[%select_n3A_155] : memref<6x!tpu.dma_semaphore, #tpu.memory_space<semaphore_mem>> -> memref<1x!tpu.dma_semaphore, #tpu.memory_space<semaphore_mem>>
          %dma_start3A_165 = tpu.memref_squeeze %dma_start3A_164 : memref<1x!tpu.dma_semaphore, #tpu.memory_space<semaphore_mem>> -> memref<!tpu.dma_semaphore, #tpu.memory_space<semaphore_mem>>
          %dma_start3A_166 = arith.constant 0 : i32
          %dma_start3A_167 = arith.constant 0 : i32
          %dma_start3A_168 = tpu.memref_slice %arg20[%select_n3A_155, %dma_start3A_166, %dma_start3A_167] : memref<6x32x256xf32, #tpu.memory_space<vmem>> -> memref<1x32x256xf32, #tpu.memory_space<vmem>>
          %dma_start3A_169 = tpu.memref_squeeze %dma_start3A_168 : memref<1x32x256xf32, #tpu.memory_space<vmem>> -> memref<32x256xf32, #tpu.memory_space<vmem>>
          %dma_start3A_170 = arith.constant 0 : i32
          %dma_start3A_171 = tpu.memref_slice %arg4[%dma_start3A_170, %multiple_of3A] : memref<32x1000000xf32, #tpu.memory_space<hbm>> -> memref<32x256xf32, #tpu.memory_space<hbm>>
          tpu.enqueue_dma source(%dma_start3A_171 : memref<32x256xf32, #tpu.memory_space<hbm>>) target(%dma_start3A_169 : memref<32x256xf32, #tpu.memory_space<vmem>>) target_semaphore(%dma_start3A_165 : memref<!tpu.dma_semaphore, #tpu.memory_space<semaphore_mem>>)
        } else {
        }
        %dma_wait3A = arith.constant 0 : i32
        %dma_wait3A_95 = arith.constant 0 : i32
        %dma_wait3A_96 = tpu.memref_slice %arg20[%select_n3A_87, %dma_wait3A, %dma_wait3A_95] : memref<6x32x256xf32, #tpu.memory_space<vmem>> -> memref<1x32x256xf32, #tpu.memory_space<vmem>>
        %dma_wait3A_97 = tpu.memref_squeeze %dma_wait3A_96 : memref<1x32x256xf32, #tpu.memory_space<vmem>> -> memref<32x256xf32, #tpu.memory_space<vmem>>
        %dma_wait3A_98 = arith.constant 0 : i32
        %dma_wait3A_99 = arith.constant 0 : i32
        %dma_wait3A_100 = tpu.memref_slice %arg4[%dma_wait3A_98, %dma_wait3A_99] : memref<32x1000000xf32, #tpu.memory_space<hbm>> -> memref<32x256xf32, #tpu.memory_space<hbm>>
        %dma_wait3A_101 = tpu.memref_slice %arg18[%select_n3A_87] : memref<6x!tpu.dma_semaphore, #tpu.memory_space<semaphore_mem>> -> memref<1x!tpu.dma_semaphore, #tpu.memory_space<semaphore_mem>>
        %dma_wait3A_102 = tpu.memref_squeeze %dma_wait3A_101 : memref<1x!tpu.dma_semaphore, #tpu.memory_space<semaphore_mem>> -> memref<!tpu.dma_semaphore, #tpu.memory_space<semaphore_mem>>
        %dma_wait3A_103 = arith.constant 0 : i32
        %dma_wait3A_104 = arith.constant 0 : i32
        %dma_wait3A_105 = tpu.memref_slice %arg20[%select_n3A_87, %dma_wait3A_103, %dma_wait3A_104] : memref<6x32x256xf32, #tpu.memory_space<vmem>> -> memref<1x32x256xf32, #tpu.memory_space<vmem>>
        %dma_wait3A_106 = tpu.memref_squeeze %dma_wait3A_105 : memref<1x32x256xf32, #tpu.memory_space<vmem>> -> memref<32x256xf32, #tpu.memory_space<vmem>>
        %dma_wait3A_107 = arith.constant 0 : i32
        %dma_wait3A_108 = arith.constant 0 : i32
        %dma_wait3A_109 = tpu.memref_slice %arg4[%dma_wait3A_107, %dma_wait3A_108] : memref<32x1000000xf32, #tpu.memory_space<hbm>> -> memref<32x256xf32, #tpu.memory_space<hbm>>
        tpu.wait_dma2 semaphore(%dma_wait3A_102 : memref<!tpu.dma_semaphore, #tpu.memory_space<semaphore_mem>>) src(%dma_wait3A_109 : memref<32x256xf32, #tpu.memory_space<hbm>>) dst(%dma_wait3A_106 : memref<32x256xf32, #tpu.memory_space<vmem>>)
        %get3A = arith.index_cast %while3A_74 : i32 to index
        %get3A_110 = memref.load %arg11[%get3A] : memref<247xi32, #tpu.memory_space<smem>>
        %min3A = arith.constant 16 : i32
        %min3A_111 = arith.minsi %get3A_110, %min3A : i32
        %while3A_112 = arith.constant 0 : i32
        %while3A_113 = arith.constant 0 : i32
        %while3A_114 = arith.subi %min3A_111, %while3A_113 : i32
        %while3A_115 = arith.addi %while3A_113, %while3A_114 : i32
        %while3A_116 = arith.constant 1 : i32
        %while3A_117 = arith.divsi %while3A_114, %while3A_116 : i32
        %while3A_118 = arith.muli %while3A_117, %while3A_116 : i32
        %while3A_119 = arith.addi %while3A_113, %while3A_118 : i32
        %while3A_120 = arith.constant 1 : i32
        scf.for %while3A_132 = %while3A_113 to %while3A_119 step %while3A_120  : i32 {
          %mul3A_133 = arith.constant 16 : i32
          %mul3A_134 = arith.muli %while3A_74, %mul3A_133 : i32
          %add3A_135 = arith.addi %mul3A_134, %while3A_132 : i32
          %get3A_136 = arith.index_cast %add3A_135 : i32 to index
          %get3A_137 = tpu.vector_load %arg9[%get3A_136] {strides = array<i32>} : memref<3968xi32, #tpu.memory_space<vmem>>, vector<16xi32>,
          %slice3A = vector.extract_strided_slice %get3A_137 {offsets = [0], sizes = [1], strides = [1]} : vector<16xi32> to vector<1xi32>
          %squeeze3A = vector.extract %slice3A[0] : i32 from vector<1xi32>
          %mul3A_138 = arith.constant 16 : i32
          %mul3A_139 = arith.muli %while3A_74, %mul3A_138 : i32
          %add3A_140 = arith.addi %mul3A_139, %while3A_132 : i32
          %get3A_141 = arith.index_cast %add3A_140 : i32 to index
          %get3A_142 = tpu.vector_load %arg10[%get3A_141] {strides = array<i32>} : memref<3968xi32, #tpu.memory_space<vmem>>, vector<16xi32>,
          %slice3A_143 = vector.extract_strided_slice %get3A_142 {offsets = [0], sizes = [1], strides = [1]} : vector<16xi32> to vector<1xi32>
          %squeeze3A_144 = vector.extract %slice3A_143[0] : i32 from vector<1xi32>
          %broadcast_in_dim3A = vector.broadcast %select_n3A_87 : i32 to vector<16xi32>
          %mul3A_145 = arith.constant 256 : i32
          %mul3A_146 = arith.muli %while3A_74, %mul3A_145 : i32
          %add3A_147 = arith.addi %mul3A_0, %mul3A_146 : i32
          %sub3A_148 = arith.subi %squeeze3A, %add3A_147 : i32
          %broadcast_in_dim3A_149 = vector.broadcast %sub3A_148 : i32 to vector<16xi32>
          %gather3A = tpu.vector_load_idx %arg20[%broadcast_in_dim3A, %iota3A, %broadcast_in_dim3A_149] : memref<6x32x256xf32, #tpu.memory_space<vmem>>[vector<16xi32>, vector<16xi32>, vector<16xi32>], vector<16xf32>,
          %add3A_150 = arith.constant 16 : i32
          %add3A_151 = vector.broadcast %add3A_150 : i32 to vector<16xi32>
          %add3A_152 = arith.addi %iota3A, %add3A_151 : vector<16xi32>
          %gather3A_153 = tpu.vector_load_idx %arg20[%broadcast_in_dim3A, %add3A_152, %broadcast_in_dim3A_149] : memref<6x32x256xf32, #tpu.memory_space<vmem>>[vector<16xi32>, vector<16xi32>, vector<16xi32>], vector<16xf32>,
          %sub3A_154 = arith.constant 999936 : i32
          %sub3A_155 = arith.subi %squeeze3A, %sub3A_154 : i32
          %max3A = arith.constant 0 : i32
          %max3A_156 = arith.maxsi %sub3A_155, %max3A : i32
          %mul3A_157 = arith.constant 32 : i32
          %mul3A_158 = arith.muli %max3A_156, %mul3A_157 : i32
          %mul3A_159 = arith.constant 2048 : i32
          %mul3A_160 = arith.muli %arg0, %mul3A_159 : i32
          %add3A_161 = arith.addi %mul3A_158, %mul3A_160 : i32
          %add3A_162 = vector.broadcast %add3A_161 : i32 to vector<16xi32>
          %add3A_163 = arith.addi %add3A_162, %iota3A : vector<16xi32>
          %gather3A_164 = tpu.vector_load_idx %arg19[%add3A_163] : memref<4096xf32, #tpu.memory_space<vmem>>[vector<16xi32>], vector<16xf32>,
          %add3A_165 = arith.constant 16 : i32
          %add3A_166 = arith.addi %add3A_161, %add3A_165 : i32
          %add3A_167 = vector.broadcast %add3A_166 : i32 to vector<16xi32>
          %add3A_168 = arith.addi %add3A_167, %iota3A : vector<16xi32>
          %gather3A_169 = tpu.vector_load_idx %arg19[%add3A_168] : memref<4096xf32, #tpu.memory_space<vmem>>[vector<16xi32>], vector<16xf32>,
          %ge3A = arith.constant 999936 : i32
          %ge3A_170 = arith.cmpi sge, %squeeze3A, %ge3A : i32
          %broadcast_in_dim3A_171 = vector.broadcast %ge3A_170 : i1 to vector<16xi1>
          %select_n3A_172 = arith.select %broadcast_in_dim3A_171, %gather3A_164, %gather3A : vector<16xi1>, vector<16xf32>
          %select_n3A_173 = arith.select %broadcast_in_dim3A_171, %gather3A_169, %gather3A_153 : vector<16xi1>, vector<16xf32>
          %broadcast_in_dim3A_174 = vector.broadcast %while3A_132 : i32 to vector<16xi32>
          tpu.vector_store_idx %arg16[%broadcast_in_dim3A_174, %iota3A], %select_n3A_172 : memref<16x32xf32, #tpu.memory_space<vmem>>[vector<16xi32>, vector<16xi32>], vector<16xf32>,
          %add3A_175 = arith.constant 16 : i32
          %add3A_176 = vector.broadcast %add3A_175 : i32 to vector<16xi32>
          %add3A_177 = arith.addi %iota3A, %add3A_176 : vector<16xi32>
          tpu.vector_store_idx %arg16[%broadcast_in_dim3A_174, %add3A_177], %select_n3A_173 : memref<16x32xf32, #tpu.memory_space<vmem>>[vector<16xi32>, vector<16xi32>], vector<16xf32>,
          %dma_start3A = arith.constant 0 : i32
          %dma_start3A_178 = tpu.memref_slice %arg16[%while3A_132, %dma_start3A] : memref<16x32xf32, #tpu.memory_space<vmem>> -> memref<1x32xf32, #tpu.memory_space<vmem>>
          %dma_start3A_179 = tpu.memref_squeeze %dma_start3A_178 : memref<1x32xf32, #tpu.memory_space<vmem>> -> memref<32xf32, #tpu.memory_space<vmem>>
          %dma_start3A_180 = arith.constant 0 : i32
          %dma_start3A_181 = tpu.memref_slice %arg8[%squeeze3A_144, %dma_start3A_180] : memref<16384x32xf32, #tpu.memory_space<hbm>> -> memref<1x32xf32, #tpu.memory_space<hbm>>
          %dma_start3A_182 = tpu.memref_squeeze %dma_start3A_181 : memref<1x32xf32, #tpu.memory_space<hbm>> -> memref<32xf32, #tpu.memory_space<hbm>>
          %dma_start3A_183 = arith.constant 0 : i32
          %dma_start3A_184 = tpu.memref_slice %arg8[%squeeze3A_144, %dma_start3A_183] : memref<16384x32xf32, #tpu.memory_space<hbm>> -> memref<1x32xf32, #tpu.memory_space<hbm>>
          %dma_start3A_185 = tpu.memref_squeeze %dma_start3A_184 : memref<1x32xf32, #tpu.memory_space<hbm>> -> memref<32xf32, #tpu.memory_space<hbm>>
          %dma_start3A_186 = arith.constant 0 : i32
          %dma_start3A_187 = tpu.memref_slice %arg16[%while3A_132, %dma_start3A_186] : memref<16x32xf32, #tpu.memory_space<vmem>> -> memref<1x32xf32, #tpu.memory_space<vmem>>
          %dma_start3A_188 = tpu.memref_squeeze %dma_start3A_187 : memref<1x32xf32, #tpu.memory_space<vmem>> -> memref<32xf32, #tpu.memory_space<vmem>>
          tpu.enqueue_dma source(%dma_start3A_188 : memref<32xf32, #tpu.memory_space<vmem>>) target(%dma_start3A_185 : memref<32xf32, #tpu.memory_space<hbm>>) target_semaphore(%arg17 : memref<!tpu.dma_semaphore, #tpu.memory_space<semaphore_mem>>)
        }
        %while3A_121 = arith.constant 1 : i32
        scf.for %while3A_132 = %while3A_119 to %while3A_115 step %while3A_121  : i32 {
          %mul3A_133 = arith.constant 16 : i32
          %mul3A_134 = arith.muli %while3A_74, %mul3A_133 : i32
          %add3A_135 = arith.addi %mul3A_134, %while3A_132 : i32
          %get3A_136 = arith.index_cast %add3A_135 : i32 to index
          %get3A_137 = tpu.vector_load %arg9[%get3A_136] {strides = array<i32>} : memref<3968xi32, #tpu.memory_space<vmem>>, vector<16xi32>,
          %slice3A = vector.extract_strided_slice %get3A_137 {offsets = [0], sizes = [1], strides = [1]} : vector<16xi32> to vector<1xi32>
          %squeeze3A = vector.extract %slice3A[0] : i32 from vector<1xi32>
          %mul3A_138 = arith.constant 16 : i32
          %mul3A_139 = arith.muli %while3A_74, %mul3A_138 : i32
          %add3A_140 = arith.addi %mul3A_139, %while3A_132 : i32
          %get3A_141 = arith.index_cast %add3A_140 : i32 to index
          %get3A_142 = tpu.vector_load %arg10[%get3A_141] {strides = array<i32>} : memref<3968xi32, #tpu.memory_space<vmem>>, vector<16xi32>,
          %slice3A_143 = vector.extract_strided_slice %get3A_142 {offsets = [0], sizes = [1], strides = [1]} : vector<16xi32> to vector<1xi32>
          %squeeze3A_144 = vector.extract %slice3A_143[0] : i32 from vector<1xi32>
          %broadcast_in_dim3A = vector.broadcast %select_n3A_87 : i32 to vector<16xi32>
          %mul3A_145 = arith.constant 256 : i32
          %mul3A_146 = arith.muli %while3A_74, %mul3A_145 : i32
          %add3A_147 = arith.addi %mul3A_0, %mul3A_146 : i32
          %sub3A_148 = arith.subi %squeeze3A, %add3A_147 : i32
          %broadcast_in_dim3A_149 = vector.broadcast %sub3A_148 : i32 to vector<16xi32>
          %gather3A = tpu.vector_load_idx %arg20[%broadcast_in_dim3A, %iota3A, %broadcast_in_dim3A_149] : memref<6x32x256xf32, #tpu.memory_space<vmem>>[vector<16xi32>, vector<16xi32>, vector<16xi32>], vector<16xf32>,
          %add3A_150 = arith.constant 16 : i32
          %add3A_151 = vector.broadcast %add3A_150 : i32 to vector<16xi32>
          %add3A_152 = arith.addi %iota3A, %add3A_151 : vector<16xi32>
          %gather3A_153 = tpu.vector_load_idx %arg20[%broadcast_in_dim3A, %add3A_152, %broadcast_in_dim3A_149] : memref<6x32x256xf32, #tpu.memory_space<vmem>>[vector<16xi32>, vector<16xi32>, vector<16xi32>], vector<16xf32>,
          %sub3A_154 = arith.constant 999936 : i32
          %sub3A_155 = arith.subi %squeeze3A, %sub3A_154 : i32
          %max3A = arith.constant 0 : i32
          %max3A_156 = arith.maxsi %sub3A_155, %max3A : i32
          %mul3A_157 = arith.constant 32 : i32
          %mul3A_158 = arith.muli %max3A_156, %mul3A_157 : i32
          %mul3A_159 = arith.constant 2048 : i32
          %mul3A_160 = arith.muli %arg0, %mul3A_159 : i32
          %add3A_161 = arith.addi %mul3A_158, %mul3A_160 : i32
          %add3A_162 = vector.broadcast %add3A_161 : i32 to vector<16xi32>
          %add3A_163 = arith.addi %add3A_162, %iota3A : vector<16xi32>
          %gather3A_164 = tpu.vector_load_idx %arg19[%add3A_163] : memref<4096xf32, #tpu.memory_space<vmem>>[vector<16xi32>], vector<16xf32>,
          %add3A_165 = arith.constant 16 : i32
          %add3A_166 = arith.addi %add3A_161, %add3A_165 : i32
          %add3A_167 = vector.broadcast %add3A_166 : i32 to vector<16xi32>
          %add3A_168 = arith.addi %add3A_167, %iota3A : vector<16xi32>
          %gather3A_169 = tpu.vector_load_idx %arg19[%add3A_168] : memref<4096xf32, #tpu.memory_space<vmem>>[vector<16xi32>], vector<16xf32>,
          %ge3A = arith.constant 999936 : i32
          %ge3A_170 = arith.cmpi sge, %squeeze3A, %ge3A : i32
          %broadcast_in_dim3A_171 = vector.broadcast %ge3A_170 : i1 to vector<16xi1>
          %select_n3A_172 = arith.select %broadcast_in_dim3A_171, %gather3A_164, %gather3A : vector<16xi1>, vector<16xf32>
          %select_n3A_173 = arith.select %broadcast_in_dim3A_171, %gather3A_169, %gather3A_153 : vector<16xi1>, vector<16xf32>
          %broadcast_in_dim3A_174 = vector.broadcast %while3A_132 : i32 to vector<16xi32>
          tpu.vector_store_idx %arg16[%broadcast_in_dim3A_174, %iota3A], %select_n3A_172 : memref<16x32xf32, #tpu.memory_space<vmem>>[vector<16xi32>, vector<16xi32>], vector<16xf32>,
          %add3A_175 = arith.constant 16 : i32
          %add3A_176 = vector.broadcast %add3A_175 : i32 to vector<16xi32>
          %add3A_177 = arith.addi %iota3A, %add3A_176 : vector<16xi32>
          tpu.vector_store_idx %arg16[%broadcast_in_dim3A_174, %add3A_177], %select_n3A_173 : memref<16x32xf32, #tpu.memory_space<vmem>>[vector<16xi32>, vector<16xi32>], vector<16xf32>,
          %dma_start3A = arith.constant 0 : i32
          %dma_start3A_178 = tpu.memref_slice %arg16[%while3A_132, %dma_start3A] : memref<16x32xf32, #tpu.memory_space<vmem>> -> memref<1x32xf32, #tpu.memory_space<vmem>>
          %dma_start3A_179 = tpu.memref_squeeze %dma_start3A_178 : memref<1x32xf32, #tpu.memory_space<vmem>> -> memref<32xf32, #tpu.memory_space<vmem>>
          %dma_start3A_180 = arith.constant 0 : i32
          %dma_start3A_181 = tpu.memref_slice %arg8[%squeeze3A_144, %dma_start3A_180] : memref<16384x32xf32, #tpu.memory_space<hbm>> -> memref<1x32xf32, #tpu.memory_space<hbm>>
          %dma_start3A_182 = tpu.memref_squeeze %dma_start3A_181 : memref<1x32xf32, #tpu.memory_space<hbm>> -> memref<32xf32, #tpu.memory_space<hbm>>
          %dma_start3A_183 = arith.constant 0 : i32
          %dma_start3A_184 = tpu.memref_slice %arg8[%squeeze3A_144, %dma_start3A_183] : memref<16384x32xf32, #tpu.memory_space<hbm>> -> memref<1x32xf32, #tpu.memory_space<hbm>>
          %dma_start3A_185 = tpu.memref_squeeze %dma_start3A_184 : memref<1x32xf32, #tpu.memory_space<hbm>> -> memref<32xf32, #tpu.memory_space<hbm>>
          %dma_start3A_186 = arith.constant 0 : i32
          %dma_start3A_187 = tpu.memref_slice %arg16[%while3A_132, %dma_start3A_186] : memref<16x32xf32, #tpu.memory_space<vmem>> -> memref<1x32xf32, #tpu.memory_space<vmem>>
          %dma_start3A_188 = tpu.memref_squeeze %dma_start3A_187 : memref<1x32xf32, #tpu.memory_space<vmem>> -> memref<32xf32, #tpu.memory_space<vmem>>
          tpu.enqueue_dma source(%dma_start3A_188 : memref<32xf32, #tpu.memory_space<vmem>>) target(%dma_start3A_185 : memref<32xf32, #tpu.memory_space<hbm>>) target_semaphore(%arg17 : memref<!tpu.dma_semaphore, #tpu.memory_space<semaphore_mem>>)
        }
        %while3A_122 = arith.constant 0 : i32
        %while3A_123 = arith.constant 0 : i32
        %while3A_124 = arith.subi %min3A_111, %while3A_123 : i32
        %while3A_125 = arith.addi %while3A_123, %while3A_124 : i32
        %while3A_126 = arith.constant 1 : i32
        %while3A_127 = arith.divsi %while3A_124, %while3A_126 : i32
        %while3A_128 = arith.muli %while3A_127, %while3A_126 : i32
        %while3A_129 = arith.addi %while3A_123, %while3A_128 : i32
        %while3A_130 = arith.constant 1 : i32
        scf.for %while3A_132 = %while3A_123 to %while3A_129 step %while3A_130  : i32 {
          %dma_wait3A_133 = arith.constant 0 : i32
          %dma_wait3A_134 = arith.constant 0 : i32
          %dma_wait3A_135 = arith.constant 0 : i32
          %dma_wait3A_136 = tpu.memref_slice %arg16[%dma_wait3A_133, %dma_wait3A_135] : memref<16x32xf32, #tpu.memory_space<vmem>> -> memref<1x32xf32, #tpu.memory_space<vmem>>
          %dma_wait3A_137 = tpu.memref_squeeze %dma_wait3A_136 : memref<1x32xf32, #tpu.memory_space<vmem>> -> memref<32xf32, #tpu.memory_space<vmem>>
          %dma_wait3A_138 = arith.constant 0 : i32
          %dma_wait3A_139 = tpu.memref_slice %arg8[%dma_wait3A_134, %dma_wait3A_138] : memref<16384x32xf32, #tpu.memory_space<hbm>> -> memref<1x32xf32, #tpu.memory_space<hbm>>
          %dma_wait3A_140 = tpu.memref_squeeze %dma_wait3A_139 : memref<1x32xf32, #tpu.memory_space<hbm>> -> memref<32xf32, #tpu.memory_space<hbm>>
          %dma_wait3A_141 = arith.constant 0 : i32
          %dma_wait3A_142 = tpu.memref_slice %arg8[%dma_wait3A_134, %dma_wait3A_141] : memref<16384x32xf32, #tpu.memory_space<hbm>> -> memref<1x32xf32, #tpu.memory_space<hbm>>
          %dma_wait3A_143 = tpu.memref_squeeze %dma_wait3A_142 : memref<1x32xf32, #tpu.memory_space<hbm>> -> memref<32xf32, #tpu.memory_space<hbm>>
          %dma_wait3A_144 = arith.constant 0 : i32
          %dma_wait3A_145 = tpu.memref_slice %arg16[%dma_wait3A_133, %dma_wait3A_144] : memref<16x32xf32, #tpu.memory_space<vmem>> -> memref<1x32xf32, #tpu.memory_space<vmem>>
          %dma_wait3A_146 = tpu.memref_squeeze %dma_wait3A_145 : memref<1x32xf32, #tpu.memory_space<vmem>> -> memref<32xf32, #tpu.memory_space<vmem>>
          tpu.wait_dma2 semaphore(%arg17 : memref<!tpu.dma_semaphore, #tpu.memory_space<semaphore_mem>>) src(%dma_wait3A_146 : memref<32xf32, #tpu.memory_space<vmem>>) dst(%dma_wait3A_143 : memref<32xf32, #tpu.memory_space<hbm>>)
        }
        %while3A_131 = arith.constant 1 : i32
        scf.for %while3A_132 = %while3A_129 to %while3A_125 step %while3A_131  : i32 {
          %dma_wait3A_133 = arith.constant 0 : i32
          %dma_wait3A_134 = arith.constant 0 : i32
          %dma_wait3A_135 = arith.constant 0 : i32
          %dma_wait3A_136 = tpu.memref_slice %arg16[%dma_wait3A_133, %dma_wait3A_135] : memref<16x32xf32, #tpu.memory_space<vmem>> -> memref<1x32xf32, #tpu.memory_space<vmem>>
          %dma_wait3A_137 = tpu.memref_squeeze %dma_wait3A_136 : memref<1x32xf32, #tpu.memory_space<vmem>> -> memref<32xf32, #tpu.memory_space<vmem>>
          %dma_wait3A_138 = arith.constant 0 : i32
          %dma_wait3A_139 = tpu.memref_slice %arg8[%dma_wait3A_134, %dma_wait3A_138] : memref<16384x32xf32, #tpu.memory_space<hbm>> -> memref<1x32xf32, #tpu.memory_space<hbm>>
          %dma_wait3A_140 = tpu.memref_squeeze %dma_wait3A_139 : memref<1x32xf32, #tpu.memory_space<hbm>> -> memref<32xf32, #tpu.memory_space<hbm>>
          %dma_wait3A_141 = arith.constant 0 : i32
          %dma_wait3A_142 = tpu.memref_slice %arg8[%dma_wait3A_134, %dma_wait3A_141] : memref<16384x32xf32, #tpu.memory_space<hbm>> -> memref<1x32xf32, #tpu.memory_space<hbm>>
          %dma_wait3A_143 = tpu.memref_squeeze %dma_wait3A_142 : memref<1x32xf32, #tpu.memory_space<hbm>> -> memref<32xf32, #tpu.memory_space<hbm>>
          %dma_wait3A_144 = arith.constant 0 : i32
          %dma_wait3A_145 = tpu.memref_slice %arg16[%dma_wait3A_133, %dma_wait3A_144] : memref<16x32xf32, #tpu.memory_space<vmem>> -> memref<1x32xf32, #tpu.memory_space<vmem>>
          %dma_wait3A_146 = tpu.memref_squeeze %dma_wait3A_145 : memref<1x32xf32, #tpu.memory_space<vmem>> -> memref<32xf32, #tpu.memory_space<vmem>>
          tpu.wait_dma2 semaphore(%arg17 : memref<!tpu.dma_semaphore, #tpu.memory_space<semaphore_mem>>) src(%dma_wait3A_146 : memref<32xf32, #tpu.memory_space<vmem>>) dst(%dma_wait3A_143 : memref<32xf32, #tpu.memory_space<hbm>>)
        }
      }
      %convert_element_type3A_71 = arith.extui %eq3A_1 : i1 to i32
      %cond3A_72 = arith.constant 0 : i32
      %cond3A_73 = arith.cmpi ne, %convert_element_type3A_71, %cond3A_72 : i32
      scf.if %cond3A_73 {
        %get3A = arith.constant 246 : i32
        %get3A_74 = arith.index_cast %get3A : i32 to index
        %get3A_75 = memref.load %arg11[%get3A_74] : memref<247xi32, #tpu.memory_space<smem>>
        %min3A = arith.constant 16 : i32
        %min3A_76 = arith.minsi %get3A_75, %min3A : i32
        %while3A_77 = arith.constant 0 : i32
        %while3A_78 = arith.constant 0 : i32
        %while3A_79 = arith.subi %min3A_76, %while3A_78 : i32
        %while3A_80 = arith.addi %while3A_78, %while3A_79 : i32
        %while3A_81 = arith.constant 1 : i32
        %while3A_82 = arith.divsi %while3A_79, %while3A_81 : i32
        %while3A_83 = arith.muli %while3A_82, %while3A_81 : i32
        %while3A_84 = arith.addi %while3A_78, %while3A_83 : i32
        %while3A_85 = arith.constant 1 : i32
        scf.for %while3A_97 = %while3A_78 to %while3A_84 step %while3A_85  : i32 {
          %add3A_98 = arith.constant 3936 : i32
          %add3A_99 = arith.addi %add3A_98, %while3A_97 : i32
          %get3A_100 = arith.index_cast %add3A_99 : i32 to index
          %get3A_101 = tpu.vector_load %arg9[%get3A_100] {strides = array<i32>} : memref<3968xi32, #tpu.memory_space<vmem>>, vector<16xi32>,
          %slice3A = vector.extract_strided_slice %get3A_101 {offsets = [0], sizes = [1], strides = [1]} : vector<16xi32> to vector<1xi32>
          %squeeze3A = vector.extract %slice3A[0] : i32 from vector<1xi32>
          %add3A_102 = arith.constant 3936 : i32
          %add3A_103 = arith.addi %add3A_102, %while3A_97 : i32
          %get3A_104 = arith.index_cast %add3A_103 : i32 to index
          %get3A_105 = tpu.vector_load %arg10[%get3A_104] {strides = array<i32>} : memref<3968xi32, #tpu.memory_space<vmem>>, vector<16xi32>,
          %slice3A_106 = vector.extract_strided_slice %get3A_105 {offsets = [0], sizes = [1], strides = [1]} : vector<16xi32> to vector<1xi32>
          %squeeze3A_107 = vector.extract %slice3A_106[0] : i32 from vector<1xi32>
          %broadcast_in_dim3A = arith.constant 0 : i32
          %broadcast_in_dim3A_108 = vector.broadcast %broadcast_in_dim3A : i32 to vector<16xi32>
          %gather3A = tpu.vector_load_idx %arg14[%iota3A, %broadcast_in_dim3A_108] : memref<32x128xf32, #tpu.memory_space<vmem>>[vector<16xi32>, vector<16xi32>], vector<16xf32>,
          %add3A_109 = arith.constant 16 : i32
          %add3A_110 = vector.broadcast %add3A_109 : i32 to vector<16xi32>
          %add3A_111 = arith.addi %iota3A, %add3A_110 : vector<16xi32>
          %gather3A_112 = tpu.vector_load_idx %arg14[%add3A_111, %broadcast_in_dim3A_108] : memref<32x128xf32, #tpu.memory_space<vmem>>[vector<16xi32>, vector<16xi32>], vector<16xf32>,
          %sub3A = arith.constant 999936 : i32
          %sub3A_113 = arith.subi %squeeze3A, %sub3A : i32
          %max3A = arith.constant 0 : i32
          %max3A_114 = arith.maxsi %sub3A_113, %max3A : i32
          %mul3A_115 = arith.constant 32 : i32
          %mul3A_116 = arith.muli %max3A_114, %mul3A_115 : i32
          %mul3A_117 = arith.constant 2048 : i32
          %mul3A_118 = arith.muli %arg0, %mul3A_117 : i32
          %add3A_119 = arith.addi %mul3A_116, %mul3A_118 : i32
          %add3A_120 = vector.broadcast %add3A_119 : i32 to vector<16xi32>
          %add3A_121 = arith.addi %add3A_120, %iota3A : vector<16xi32>
          %gather3A_122 = tpu.vector_load_idx %arg19[%add3A_121] : memref<4096xf32, #tpu.memory_space<vmem>>[vector<16xi32>], vector<16xf32>,
          %add3A_123 = arith.constant 16 : i32
          %add3A_124 = arith.addi %add3A_119, %add3A_123 : i32
          %add3A_125 = vector.broadcast %add3A_124 : i32 to vector<16xi32>
          %add3A_126 = arith.addi %add3A_125, %iota3A : vector<16xi32>
          %gather3A_127 = tpu.vector_load_idx %arg19[%add3A_126] : memref<4096xf32, #tpu.memory_space<vmem>>[vector<16xi32>], vector<16xf32>,
          %ge3A = arith.constant 999936 : i32
          %ge3A_128 = arith.cmpi sge, %squeeze3A, %ge3A : i32
          %broadcast_in_dim3A_129 = vector.broadcast %ge3A_128 : i1 to vector<16xi1>
          %select_n3A_130 = arith.select %broadcast_in_dim3A_129, %gather3A_122, %gather3A : vector<16xi1>, vector<16xf32>
          %select_n3A_131 = arith.select %broadcast_in_dim3A_129, %gather3A_127, %gather3A_112 : vector<16xi1>, vector<16xf32>
          %broadcast_in_dim3A_132 = vector.broadcast %while3A_97 : i32 to vector<16xi32>
          tpu.vector_store_idx %arg16[%broadcast_in_dim3A_132, %iota3A], %select_n3A_130 : memref<16x32xf32, #tpu.memory_space<vmem>>[vector<16xi32>, vector<16xi32>], vector<16xf32>,
          %add3A_133 = arith.constant 16 : i32
          %add3A_134 = vector.broadcast %add3A_133 : i32 to vector<16xi32>
          %add3A_135 = arith.addi %iota3A, %add3A_134 : vector<16xi32>
          tpu.vector_store_idx %arg16[%broadcast_in_dim3A_132, %add3A_135], %select_n3A_131 : memref<16x32xf32, #tpu.memory_space<vmem>>[vector<16xi32>, vector<16xi32>], vector<16xf32>,
          %dma_start3A = arith.constant 0 : i32
          %dma_start3A_136 = tpu.memref_slice %arg16[%while3A_97, %dma_start3A] : memref<16x32xf32, #tpu.memory_space<vmem>> -> memref<1x32xf32, #tpu.memory_space<vmem>>
          %dma_start3A_137 = tpu.memref_squeeze %dma_start3A_136 : memref<1x32xf32, #tpu.memory_space<vmem>> -> memref<32xf32, #tpu.memory_space<vmem>>
          %dma_start3A_138 = arith.constant 0 : i32
          %dma_start3A_139 = tpu.memref_slice %arg8[%squeeze3A_107, %dma_start3A_138] : memref<16384x32xf32, #tpu.memory_space<hbm>> -> memref<1x32xf32, #tpu.memory_space<hbm>>
          %dma_start3A_140 = tpu.memref_squeeze %dma_start3A_139 : memref<1x32xf32, #tpu.memory_space<hbm>> -> memref<32xf32, #tpu.memory_space<hbm>>
          %dma_start3A_141 = arith.constant 0 : i32
          %dma_start3A_142 = tpu.memref_slice %arg8[%squeeze3A_107, %dma_start3A_141] : memref<16384x32xf32, #tpu.memory_space<hbm>> -> memref<1x32xf32, #tpu.memory_space<hbm>>
          %dma_start3A_143 = tpu.memref_squeeze %dma_start3A_142 : memref<1x32xf32, #tpu.memory_space<hbm>> -> memref<32xf32, #tpu.memory_space<hbm>>
          %dma_start3A_144 = arith.constant 0 : i32
          %dma_start3A_145 = tpu.memref_slice %arg16[%while3A_97, %dma_start3A_144] : memref<16x32xf32, #tpu.memory_space<vmem>> -> memref<1x32xf32, #tpu.memory_space<vmem>>
          %dma_start3A_146 = tpu.memref_squeeze %dma_start3A_145 : memref<1x32xf32, #tpu.memory_space<vmem>> -> memref<32xf32, #tpu.memory_space<vmem>>
          tpu.enqueue_dma source(%dma_start3A_146 : memref<32xf32, #tpu.memory_space<vmem>>) target(%dma_start3A_143 : memref<32xf32, #tpu.memory_space<hbm>>) target_semaphore(%arg17 : memref<!tpu.dma_semaphore, #tpu.memory_space<semaphore_mem>>)
        }
        %while3A_86 = arith.constant 1 : i32
        scf.for %while3A_97 = %while3A_84 to %while3A_80 step %while3A_86  : i32 {
          %add3A_98 = arith.constant 3936 : i32
          %add3A_99 = arith.addi %add3A_98, %while3A_97 : i32
          %get3A_100 = arith.index_cast %add3A_99 : i32 to index
          %get3A_101 = tpu.vector_load %arg9[%get3A_100] {strides = array<i32>} : memref<3968xi32, #tpu.memory_space<vmem>>, vector<16xi32>,
          %slice3A = vector.extract_strided_slice %get3A_101 {offsets = [0], sizes = [1], strides = [1]} : vector<16xi32> to vector<1xi32>
          %squeeze3A = vector.extract %slice3A[0] : i32 from vector<1xi32>
          %add3A_102 = arith.constant 3936 : i32
          %add3A_103 = arith.addi %add3A_102, %while3A_97 : i32
          %get3A_104 = arith.index_cast %add3A_103 : i32 to index
          %get3A_105 = tpu.vector_load %arg10[%get3A_104] {strides = array<i32>} : memref<3968xi32, #tpu.memory_space<vmem>>, vector<16xi32>,
          %slice3A_106 = vector.extract_strided_slice %get3A_105 {offsets = [0], sizes = [1], strides = [1]} : vector<16xi32> to vector<1xi32>
          %squeeze3A_107 = vector.extract %slice3A_106[0] : i32 from vector<1xi32>
          %broadcast_in_dim3A = arith.constant 0 : i32
          %broadcast_in_dim3A_108 = vector.broadcast %broadcast_in_dim3A : i32 to vector<16xi32>
          %gather3A = tpu.vector_load_idx %arg14[%iota3A, %broadcast_in_dim3A_108] : memref<32x128xf32, #tpu.memory_space<vmem>>[vector<16xi32>, vector<16xi32>], vector<16xf32>,
          %add3A_109 = arith.constant 16 : i32
          %add3A_110 = vector.broadcast %add3A_109 : i32 to vector<16xi32>
          %add3A_111 = arith.addi %iota3A, %add3A_110 : vector<16xi32>
          %gather3A_112 = tpu.vector_load_idx %arg14[%add3A_111, %broadcast_in_dim3A_108] : memref<32x128xf32, #tpu.memory_space<vmem>>[vector<16xi32>, vector<16xi32>], vector<16xf32>,
          %sub3A = arith.constant 999936 : i32
          %sub3A_113 = arith.subi %squeeze3A, %sub3A : i32
          %max3A = arith.constant 0 : i32
          %max3A_114 = arith.maxsi %sub3A_113, %max3A : i32
          %mul3A_115 = arith.constant 32 : i32
          %mul3A_116 = arith.muli %max3A_114, %mul3A_115 : i32
          %mul3A_117 = arith.constant 2048 : i32
          %mul3A_118 = arith.muli %arg0, %mul3A_117 : i32
          %add3A_119 = arith.addi %mul3A_116, %mul3A_118 : i32
          %add3A_120 = vector.broadcast %add3A_119 : i32 to vector<16xi32>
          %add3A_121 = arith.addi %add3A_120, %iota3A : vector<16xi32>
          %gather3A_122 = tpu.vector_load_idx %arg19[%add3A_121] : memref<4096xf32, #tpu.memory_space<vmem>>[vector<16xi32>], vector<16xf32>,
          %add3A_123 = arith.constant 16 : i32
          %add3A_124 = arith.addi %add3A_119, %add3A_123 : i32
          %add3A_125 = vector.broadcast %add3A_124 : i32 to vector<16xi32>
          %add3A_126 = arith.addi %add3A_125, %iota3A : vector<16xi32>
          %gather3A_127 = tpu.vector_load_idx %arg19[%add3A_126] : memref<4096xf32, #tpu.memory_space<vmem>>[vector<16xi32>], vector<16xf32>,
          %ge3A = arith.constant 999936 : i32
          %ge3A_128 = arith.cmpi sge, %squeeze3A, %ge3A : i32
          %broadcast_in_dim3A_129 = vector.broadcast %ge3A_128 : i1 to vector<16xi1>
          %select_n3A_130 = arith.select %broadcast_in_dim3A_129, %gather3A_122, %gather3A : vector<16xi1>, vector<16xf32>
          %select_n3A_131 = arith.select %broadcast_in_dim3A_129, %gather3A_127, %gather3A_112 : vector<16xi1>, vector<16xf32>
          %broadcast_in_dim3A_132 = vector.broadcast %while3A_97 : i32 to vector<16xi32>
          tpu.vector_store_idx %arg16[%broadcast_in_dim3A_132, %iota3A], %select_n3A_130 : memref<16x32xf32, #tpu.memory_space<vmem>>[vector<16xi32>, vector<16xi32>], vector<16xf32>,
          %add3A_133 = arith.constant 16 : i32
          %add3A_134 = vector.broadcast %add3A_133 : i32 to vector<16xi32>
          %add3A_135 = arith.addi %iota3A, %add3A_134 : vector<16xi32>
          tpu.vector_store_idx %arg16[%broadcast_in_dim3A_132, %add3A_135], %select_n3A_131 : memref<16x32xf32, #tpu.memory_space<vmem>>[vector<16xi32>, vector<16xi32>], vector<16xf32>,
          %dma_start3A = arith.constant 0 : i32
          %dma_start3A_136 = tpu.memref_slice %arg16[%while3A_97, %dma_start3A] : memref<16x32xf32, #tpu.memory_space<vmem>> -> memref<1x32xf32, #tpu.memory_space<vmem>>
          %dma_start3A_137 = tpu.memref_squeeze %dma_start3A_136 : memref<1x32xf32, #tpu.memory_space<vmem>> -> memref<32xf32, #tpu.memory_space<vmem>>
          %dma_start3A_138 = arith.constant 0 : i32
          %dma_start3A_139 = tpu.memref_slice %arg8[%squeeze3A_107, %dma_start3A_138] : memref<16384x32xf32, #tpu.memory_space<hbm>> -> memref<1x32xf32, #tpu.memory_space<hbm>>
          %dma_start3A_140 = tpu.memref_squeeze %dma_start3A_139 : memref<1x32xf32, #tpu.memory_space<hbm>> -> memref<32xf32, #tpu.memory_space<hbm>>
          %dma_start3A_141 = arith.constant 0 : i32
          %dma_start3A_142 = tpu.memref_slice %arg8[%squeeze3A_107, %dma_start3A_141] : memref<16384x32xf32, #tpu.memory_space<hbm>> -> memref<1x32xf32, #tpu.memory_space<hbm>>
          %dma_start3A_143 = tpu.memref_squeeze %dma_start3A_142 : memref<1x32xf32, #tpu.memory_space<hbm>> -> memref<32xf32, #tpu.memory_space<hbm>>
          %dma_start3A_144 = arith.constant 0 : i32
          %dma_start3A_145 = tpu.memref_slice %arg16[%while3A_97, %dma_start3A_144] : memref<16x32xf32, #tpu.memory_space<vmem>> -> memref<1x32xf32, #tpu.memory_space<vmem>>
          %dma_start3A_146 = tpu.memref_squeeze %dma_start3A_145 : memref<1x32xf32, #tpu.memory_space<vmem>> -> memref<32xf32, #tpu.memory_space<vmem>>
          tpu.enqueue_dma source(%dma_start3A_146 : memref<32xf32, #tpu.memory_space<vmem>>) target(%dma_start3A_143 : memref<32xf32, #tpu.memory_space<hbm>>) target_semaphore(%arg17 : memref<!tpu.dma_semaphore, #tpu.memory_space<semaphore_mem>>)
        }
        %while3A_87 = arith.constant 0 : i32
        %while3A_88 = arith.constant 0 : i32
        %while3A_89 = arith.subi %min3A_76, %while3A_88 : i32
        %while3A_90 = arith.addi %while3A_88, %while3A_89 : i32
        %while3A_91 = arith.constant 1 : i32
        %while3A_92 = arith.divsi %while3A_89, %while3A_91 : i32
        %while3A_93 = arith.muli %while3A_92, %while3A_91 : i32
        %while3A_94 = arith.addi %while3A_88, %while3A_93 : i32
        %while3A_95 = arith.constant 1 : i32
        scf.for %while3A_97 = %while3A_88 to %while3A_94 step %while3A_95  : i32 {
          %dma_wait3A = arith.constant 0 : i32
          %dma_wait3A_98 = arith.constant 0 : i32
          %dma_wait3A_99 = arith.constant 0 : i32
          %dma_wait3A_100 = tpu.memref_slice %arg16[%dma_wait3A, %dma_wait3A_99] : memref<16x32xf32, #tpu.memory_space<vmem>> -> memref<1x32xf32, #tpu.memory_space<vmem>>
          %dma_wait3A_101 = tpu.memref_squeeze %dma_wait3A_100 : memref<1x32xf32, #tpu.memory_space<vmem>> -> memref<32xf32, #tpu.memory_space<vmem>>
          %dma_wait3A_102 = arith.constant 0 : i32
          %dma_wait3A_103 = tpu.memref_slice %arg8[%dma_wait3A_98, %dma_wait3A_102] : memref<16384x32xf32, #tpu.memory_space<hbm>> -> memref<1x32xf32, #tpu.memory_space<hbm>>
          %dma_wait3A_104 = tpu.memref_squeeze %dma_wait3A_103 : memref<1x32xf32, #tpu.memory_space<hbm>> -> memref<32xf32, #tpu.memory_space<hbm>>
          %dma_wait3A_105 = arith.constant 0 : i32
          %dma_wait3A_106 = tpu.memref_slice %arg8[%dma_wait3A_98, %dma_wait3A_105] : memref<16384x32xf32, #tpu.memory_space<hbm>> -> memref<1x32xf32, #tpu.memory_space<hbm>>
          %dma_wait3A_107 = tpu.memref_squeeze %dma_wait3A_106 : memref<1x32xf32, #tpu.memory_space<hbm>> -> memref<32xf32, #tpu.memory_space<hbm>>
          %dma_wait3A_108 = arith.constant 0 : i32
          %dma_wait3A_109 = tpu.memref_slice %arg16[%dma_wait3A, %dma_wait3A_108] : memref<16x32xf32, #tpu.memory_space<vmem>> -> memref<1x32xf32, #tpu.memory_space<vmem>>
          %dma_wait3A_110 = tpu.memref_squeeze %dma_wait3A_109 : memref<1x32xf32, #tpu.memory_space<vmem>> -> memref<32xf32, #tpu.memory_space<vmem>>
          tpu.wait_dma2 semaphore(%arg17 : memref<!tpu.dma_semaphore, #tpu.memory_space<semaphore_mem>>) src(%dma_wait3A_110 : memref<32xf32, #tpu.memory_space<vmem>>) dst(%dma_wait3A_107 : memref<32xf32, #tpu.memory_space<hbm>>)
        }
        %while3A_96 = arith.constant 1 : i32
        scf.for %while3A_97 = %while3A_94 to %while3A_90 step %while3A_96  : i32 {
          %dma_wait3A = arith.constant 0 : i32
          %dma_wait3A_98 = arith.constant 0 : i32
          %dma_wait3A_99 = arith.constant 0 : i32
          %dma_wait3A_100 = tpu.memref_slice %arg16[%dma_wait3A, %dma_wait3A_99] : memref<16x32xf32, #tpu.memory_space<vmem>> -> memref<1x32xf32, #tpu.memory_space<vmem>>
          %dma_wait3A_101 = tpu.memref_squeeze %dma_wait3A_100 : memref<1x32xf32, #tpu.memory_space<vmem>> -> memref<32xf32, #tpu.memory_space<vmem>>
          %dma_wait3A_102 = arith.constant 0 : i32
          %dma_wait3A_103 = tpu.memref_slice %arg8[%dma_wait3A_98, %dma_wait3A_102] : memref<16384x32xf32, #tpu.memory_space<hbm>> -> memref<1x32xf32, #tpu.memory_space<hbm>>
          %dma_wait3A_104 = tpu.memref_squeeze %dma_wait3A_103 : memref<1x32xf32, #tpu.memory_space<hbm>> -> memref<32xf32, #tpu.memory_space<hbm>>
          %dma_wait3A_105 = arith.constant 0 : i32
          %dma_wait3A_106 = tpu.memref_slice %arg8[%dma_wait3A_98, %dma_wait3A_105] : memref<16384x32xf32, #tpu.memory_space<hbm>> -> memref<1x32xf32, #tpu.memory_space<hbm>>
          %dma_wait3A_107 = tpu.memref_squeeze %dma_wait3A_106 : memref<1x32xf32, #tpu.memory_space<hbm>> -> memref<32xf32, #tpu.memory_space<hbm>>
          %dma_wait3A_108 = arith.constant 0 : i32
          %dma_wait3A_109 = tpu.memref_slice %arg16[%dma_wait3A, %dma_wait3A_108] : memref<16x32xf32, #tpu.memory_space<vmem>> -> memref<1x32xf32, #tpu.memory_space<vmem>>
          %dma_wait3A_110 = tpu.memref_squeeze %dma_wait3A_109 : memref<1x32xf32, #tpu.memory_space<vmem>> -> memref<32xf32, #tpu.memory_space<vmem>>
          tpu.wait_dma2 semaphore(%arg17 : memref<!tpu.dma_semaphore, #tpu.memory_space<semaphore_mem>>) src(%dma_wait3A_110 : memref<32xf32, #tpu.memory_space<vmem>>) dst(%dma_wait3A_107 : memref<32xf32, #tpu.memory_space<hbm>>)
        }
      } else {
      }
    } else {
    }
    return
  }
}

module attributes {stable_mosaic.version = 14 : i64} {
  func.func @body(%arg0: i32, %arg1: memref<512x32xf32, #tpu.memory_space<vmem>>, %arg2: memref<512x32xf32, #tpu.memory_space<vmem>>, %arg3: memref<512xf32, #tpu.memory_space<vmem>>) attributes {dimension_semantics = [#tpu.dimension_semantics<arbitrary>], iteration_bounds = array<i64: 32>, scalar_prefetch = 0 : i64, scratch_operands = 0 : i64, tpu.core_type = #tpu.core_type<tc>, window_params = [{transform_indices = @transform_0, window_bounds = array<i64: 512, 32>}, {transform_indices = @transform_1, window_bounds = array<i64: 512, 32>}, {transform_indices = @transform_2, window_bounds = array<i64: 512>}]} {
    %get3A = arith.constant 0 : index
    %get3A_0 = arith.constant 0 : index
    %get3A_1 = vector.load %arg1[%get3A, %get3A_0] : memref<512x32xf32, #tpu.memory_space<vmem>>, vector<512x32xf32>
    %get3A_2 = arith.constant 0 : index
    %get3A_3 = arith.constant 0 : index
    %get3A_4 = vector.load %arg2[%get3A_2, %get3A_3] : memref<512x32xf32, #tpu.memory_space<vmem>>, vector<512x32xf32>
    %mul3A = arith.mulf %get3A_1, %get3A_4 : vector<512x32xf32>
    %reduce_sum3A = arith.constant dense<0.000000e+00> : vector<512xf32>
    %reduce_sum3A_5 = vector.multi_reduction <add>, %mul3A, %reduce_sum3A [1] : vector<512x32xf32> to vector<512xf32>
    %swap3A = arith.constant 0 : index
    %swap3A_6 = vector.load %arg3[%swap3A] : memref<512xf32, #tpu.memory_space<vmem>>, vector<512xf32>
    tpu.vector_store %arg3[%swap3A], %reduce_sum3A_5 {strides = array<i32>} : memref<512xf32, #tpu.memory_space<vmem>>, vector<512xf32>,
    return
  }
  func.func @transform_0(%arg0: i32) -> (i32, i32) {
    %c0_i32 = arith.constant 0 : i32
    %c0_i32_0 = arith.constant 0 : i32
    return %arg0, %c0_i32 : i32, i32
  }
  func.func @transform_1(%arg0: i32) -> (i32, i32) {
    %c0_i32 = arith.constant 0 : i32
    %c0_i32_0 = arith.constant 0 : i32
    return %arg0, %c0_i32 : i32, i32
  }
  func.func @transform_2(%arg0: i32) -> i32 {
    %c0_i32 = arith.constant 0 : i32
    return %arg0 : i32
  }
}

</mosaic_0001>

<sc_bundles>
// kernel: kernel.4.cloned.1.call-start
scs
__scs_entry_jumppad:
0x0: {  	(pc) =	sbr.rel $0x88, $3  }
0x1: {  	(tag) =	ssettag $0x0;
	lr =	simm.s32 $0x1  }
0x2: {  	[smem:$0x3F9E] =	sst lr;
	_ =	strace $0xD0000000  }
0x3: {  	_ = 	snop  }
0x4: {  	_ = 	snop  }
0x5: {  	_ = 	snop  }
0x6: {  	_ = 	snop  }
0x7: {  	_ = 	snop  }
__scs_overlays_trampoline_lowered:
0x8: {  	[smem:$0x3FAD] =	sst s0  }
0x9: {  	[smem:$0x3FAE] =	sst s1  }
0xa: {  	[smem:$0x3FAF] =	sst s2  }
0xb: {  	[smem:$0x3FB0] =	sst s3  }
0xc: {  	[smem:$0x3FB1] =	sst s4  }
0xd: {  	[smem:$0x3FB2] =	sst s5  }
0xe: {  	[smem:$0x3FB3] =	sst s6  }
0xf: {  	[smem:$0x3FB4] =	sst s7  }
0x10: {  	[smem:$0x3FB5] =	sst s8  }
0x11: {  	[smem:$0x3FB6] =	sst s9;
	s0 =	simm.s32 @!p0 $0x0  }
0x12: {  	s1 =	sld [smem:$0x3F9C];
	s0 =	simm.s32 @p0 $0x1  }
0x13: {  	[smem:$0x3FB7] =	sst s0;
	s0 =	simm.s32 @!p1 $0x0  }
0x14: {  	s2 =	sld [smem:$0x3F9B];
	s0 =	simm.s32 @p1 $0x1  }
0x15: {  	[smem:$0x3FB8] =	sst s0;
	s0 =	simm.s32 @!p2 $0x0  }
0x16: {  	s3 =	sld [smem:$0x3FDB];
	s0 =	simm.s32 @p2 $0x1  }
0x17: {  	s4 =	simm.s32 $0x1BF5;
	[smem:$0x3FBA] =	sst s0  }
0x18: {  	s0 =	sld [smem:$0x3F9D];
	_ =	swait.ge [sflag:s4], $0x0  }
0x19: {  	s7 =	sld [smem:$0x3F9E]  }
0x1a: {  	s8 =	sadd.s32 $0xFFFFE003, lr  }
0x1b: {  	s9 =	sadd.s32 $0xFFFFFEF7, lr;
	s5 =	simm.s32 $0xFFFFFFFF;
	p2 =	slt.u32 s8, $0xFFFFF086  }
0x1c: {  	p1 =	slt.u32 s9, $0xF7A;
	s5 =	simm.s32 @!p2 $0x0  }
0x1d: {  	s5 =	simm.s32 @p1 $0x1;
	p0 =	seq.s32 s7, s2  }
0x1e: {  	s7 =	smul.u32 @!p0 $0xF7A, s2;
	p2 =	seq.s32 @!p0 s5, $0x0  }
0x1f: {  	s9 =	smul.u32 $0xF7A, s1;
	s8 =	simm.s32 @!p0 $0x1BF5;
	p2 =	por !p2, p0  }
0x20: {  	[sflag:s8] =	ssyncset.s32 @!p0 $0xFFFFF086;
	s6 =	sadd.s32 @!p0 s3, s7;
	s7 =	simm.s32 @!p0 $0x108  }
0x21: {  	s3 =	sadd.s32 s3, s9;
	s6 =	sadd.s32 @!p0 $0x88, s6;
	s7 =	simm.s32 @p2 $0x1082  }
0x22: {  	[simem:s7], [sflag:s8] =	dma.local @!p0 [hbm:s6], $0xF7A  }
0x23: {  	s9 =	sor.u32 $0xD0000000, s2;
	s6 =	simm.s32 $0x108;
	_ =	swait.ge @!p0 [sflag:s8], $0x0  }
0x24: {  	s3 =	sadd.s32 $0x88, s3;
	s6 =	simm.s32 @!p1 $0x1082;
	[sflag:s4] =	ssyncset.s32 $0xFFFFF086  }
0x25: {  	[simem:s6], [sflag:s4] =	dma.local [hbm:s3], $0xF7A  }
0x26: {  	[smem:$0x3F9E] =	sst s1;
	(tag) =	ssettag s2;
	_ =	strace s9  }
0x27: {  	s1 =	sld [smem:$0x3FAE]  }
0x28: {  	s2 =	sld [smem:$0x3FAF]  }
0x29: {  	s4 =	sld [smem:$0x3FB1]  }
0x2a: {  	p0 =	seq.s32 s5, $0x0;
	s5 =	sld [smem:$0x3FB2]  }
0x2b: {  	s6 =	sld [smem:$0x3FB3]  }
0x2c: {  	s7 =	sld [smem:$0x3FB4]  }
0x2d: {  	s3 =	simm.s32 $0x108;
	s8 =	sld [smem:$0x3FB5]  }
0x2e: {  	s3 =	simm.s32 @!p0 $0x1082;
	s9 =	sld [smem:$0x3FB6]  }
0x2f: {  	lr =	sadd.s32 s0, s3;
	s0 =	sld [smem:$0x3FAD]  }
0x30: {  	s3 =	sld [smem:$0x3FB0]  }
0x31: {  	[smem:$0x3FB9] =	sst s10  }
0x32: {  	s10 =	sld [smem:$0x3FB7];
	_ =	sdelay $0x3  }
0x33: {  	p0 =	seq.s32 s10, $0x1;
	s10 =	sld [smem:$0x3FB9];
	_ =	sdelay $0x3  }
0x34: {  	[smem:$0x3FB9] =	sst s10  }
0x35: {  	s10 =	sld [smem:$0x3FB8];
	_ =	sdelay $0x3  }
0x36: {  	p1 =	seq.s32 s10, $0x1;
	s10 =	sld [smem:$0x3FB9];
	_ =	sdelay $0x3  }
0x37: {  	[smem:$0x3FB9] =	sst s10  }
0x38: {  	s10 =	sld [smem:$0x3FBA]  }
0x39: {  	_ = 	snop;
	(pc) =	sbr.ind lr, $3  }
0x3a: {  	_ = 	snop  }
0x3b: {  	_ = 	snop  }
0x3c: {  	p2 =	seq.s32 s10, $0x1;
	s10 =	sld [smem:$0x3FB9]  }
0x3d: {  	_ =	shalt  }
0x3e: {  	_ =	shalt  }
0x3f: {  	_ =	shalt  }
0x40: {  	_ =	shalt  }
0x41: {  	_ =	shalt  }
0x42: {  	_ =	shalt  }
0x43: {  	_ =	shalt  }
0x44: {  	_ =	shalt  }
0x45: {  	_ =	shalt  }
0x46: {  	_ =	shalt  }
0x47: {  	_ =	shalt  }
0x48: {  	_ =	shalt  }
0x49: {  	_ =	shalt  }
0x4a: {  	_ =	shalt  }
0x4b: {  	_ =	shalt  }
0x4c: {  	_ =	shalt  }
0x4d: {  	_ =	shalt  }
0x4e: {  	_ =	shalt  }
0x4f: {  	_ =	shalt  }
0x50: {  	_ =	shalt  }
0x51: {  	_ =	shalt  }
0x52: {  	_ =	shalt  }
0x53: {  	_ =	shalt  }
0x54: {  	_ =	shalt  }
0x55: {  	_ =	shalt  }
0x56: {  	_ =	shalt  }
0x57: {  	_ =	shalt  }
0x58: {  	_ =	shalt  }
0x59: {  	_ =	shalt  }
0x5a: {  	_ =	shalt  }
0x5b: {  	_ =	shalt  }
0x5c: {  	_ =	shalt  }
0x5d: {  	_ =	shalt  }
0x5e: {  	_ =	shalt  }
0x5f: {  	_ =	shalt  }
0x60: {  	_ =	shalt  }
0x61: {  	_ =	shalt  }
0x62: {  	_ =	shalt  }
0x63: {  	_ =	shalt  }
0x64: {  	_ =	shalt  }
0x65: {  	_ =	shalt  }
0x66: {  	_ =	shalt  }
0x67: {  	_ =	shalt  }
0x68: {  	_ =	shalt  }
0x69: {  	_ =	shalt  }
0x6a: {  	_ =	shalt  }
0x6b: {  	_ =	shalt  }
0x6c: {  	_ =	shalt  }
0x6d: {  	_ =	shalt  }
0x6e: {  	_ =	shalt  }
0x6f: {  	_ =	shalt  }
0x70: {  	_ =	shalt  }
0x71: {  	_ =	shalt  }
0x72: {  	_ =	shalt  }
0x73: {  	_ =	shalt  }
0x74: {  	_ =	shalt  }
0x75: {  	_ =	shalt  }
0x76: {  	_ =	shalt  }
0x77: {  	_ =	shalt  }
0x78: {  	_ =	shalt  }
0x79: {  	_ =	shalt  }
0x7a: {  	_ =	shalt  }
0x7b: {  	_ =	shalt  }
0x7c: {  	_ =	shalt  }
0x7d: {  	_ =	shalt  }
0x7e: {  	_ =	shalt  }
0x7f: {  	_ =	shalt  }
0x80: {  	_ =	shalt  }
0x81: {  	_ =	shalt  }
0x82: {  	_ =	shalt  }
0x83: {  	_ =	shalt  }
0x84: {  	_ =	shalt  }
0x85: {  	_ =	shalt  }
0x86: {  	_ =	shalt  }
0x87: {  	_ =	shalt  }
.Lfunc_end0:
.L_simem_size_0:
called_computation_lowered:
.L_overlay_start_0:
0x88: {  	s2 =	sld [smem:$0x3FD9]  }
0x89: {  	s3 =	sld [smem:$0x3FFE];
	_ =	sdelay $0x1  }
0x8a: {  	s1 =	srdreg.scid  }
0x8b: {  	s0 =	sand.u32 $0x1, s1  }
0x8c: {  	s17 =	sshll.u32 s0, $0xA;
	s2 =	sadd.s32 s3, s2  }
0x8d: {  	s2 =	sadd.s32 s2, s17  }
0x8e: {  	[smem:$0x3FC5] =	sst s2  }
0x8f: {  	_ = 	snop  }
0x90: {  	s2 =	sld [smem:$0x3FC8]  }
0x91: {  	s18 =	sld [smem:$0x3FC7]  }
0x92: {  	s4 =	sld [smem:$0x3FD0];
	(tm) =	ssettm $0x1  }
0x93: {  	s5 =	sld [smem:$0x3FFB];
	_ =	sdelay $0x3  }
0x94: {  	_ =	strace s5  }
0x95: {  	s5 =	sld [smem:$0x3FFC];
	_ =	sdelay $0x3  }
0x96: {  	_ =	strace s5  }
0x97: {  	s5 =	sld [smem:$0x3FFD];
	_ =	sdelay $0x3  }
0x98: {  	_ =	strace s5  }
0x99: {  	_ =	strace $0x8FFFFFFF  }
0x9a: {  	s19 =	sld [smem:$0x3FDB];
	_ =	sdelay $0x1  }
0x9b: {  	s6 =	simm.s32 $_scs_section_size  }
0x9c: {  	s7 =	simm.s32 $_size__tile_overlayer_lowered;
	s8 =	simm.s32 $_tile_overlayer_lowered  }
0x9d: {  	s22 =	simm.s32 $0x1BFF;
	s21 =	sshll.u32 s8, $0x1;
	s5 =	sadd.s32 s6, s19  }
0x9e: {  	s9 =	simm.s32 $0x0;
	s20 =	sshll.u32 s7, $0x1;
	s7 =	sadd.s32 s21, s5  }
0x9f: {  	[timem:s9], [sflag:s22] =	dma.local [hbm:s7], s20  }
0xa0: {  	_ =	swait.ge [sflag:s22], s20  }
0xa1: {  	s6 =	ssub.s32 $0x0, s20;
	[sflag:s22] =	ssyncset.done $0x0  }
0xa2: {  	[sflag:s22] =	ssyncadd.s32 s6;
	_ =	sdelay $0x1  }
0xa3: {  	s23 =	simm.s32 $0x1B8B  }
0xa4: {  	_ =	swait.ge [sflag:s23], $0x1  }
0xa5: {  	[sflag:s23] =	ssyncset.done $0x0  }
0xa6: {  	s25 =	simm.s32 $0x1B8E;
	s24 =	sld [smem:$0x3FFE];
	[sflag:s23] =	ssyncadd.s32 $0xFFFFFFFF  }
0xa7: {  	s26 =	simm.s32 $execute0_lowered;
	[smem:$0x3FD2] =	sst s25  }
0xa8: {  	s7 =	sshll.u32 s26, $0x1;
	_ =	strace $0x80000046;
	[dreg:$0x1] =	wrdreg $0xFFFFFFFF  }
0xa9: {  	s28 =	simm.s32 $_size_execute0_lowered;
	s5 =	sadd.s32 s5, s7;
	[dreg:$0x0] =	wrdreg $0x0  }
0xaa: {  	s7 =	sshll.u32 s28, $0x1;
	[dreg:$0x2] =	wrdreg s5  }
0xab: {  	[dreg:$0x3] =	wrdreg s7  }
0xac: {  	[dreg:$0x4] =	wrdreg $0xC0  }
0xad: {  	_ =	task [dreg:s9], $0x5FFFF  }
0xae: {  	[dreg:$0x1] =	wrdreg $0xFFFFFFFF  }
0xaf: {  	[dreg:$0x0] =	wrdreg $0x60  }
0xb0: {  	[dreg:$0x2] =	wrdreg s24  }
0xb1: {  	[dreg:$0x3] =	wrdreg s2  }
0xb2: {  	[dreg:$0x4] =	wrdreg s18  }
0xb3: {  	[dreg:$0x5] =	wrdreg s4  }
0xb4: {  	[dreg:$0x6] =	wrdreg $0x9  }
0xb5: {  	_ =	task.clear_ibuf [dreg:s9], $0x7FFFF;
	_ =	strace $0x90000046  }
0xb6: {  	s29 =	simm.s32 $0x9;
	_ =	strace $0x80000048  }
0xb7: {  	_ =	swait.ge [sflag:s29], $0x1  }
0xb8: {  	[sflag:s29] =	ssyncadd.s32 $0xFFFFFFFF  }
0xb9: {  	_ =	strace $0x90000048  }
0xba: {  	_ =	sfence  }
0xbb: {  	s30 =	sld [smem:$0x0];
	_ =	sdelay $0x2  }
0xbc: {  	s31 =	sshll.u32 s1, $0xD;
	s1 =	sshrl.u32 s1, $0x2  }
0xbd: {  	s3 =	sand.u32 $0x4000, s31;
	s1 =	sadd.s32 s1, s30  }
0xbe: {  	s0 =	sor.u32 s3, s0;
	s1 =	sshll.u32 s1, $0x11  }
0xbf: {  	s0 =	sor.u32 s1, s0  }
0xc0: {  	s0 =	sadd.s32 $0x8F2B, s0  }
0xc1: {  	[sflag:s0] =	ssyncadd.remote.s32 $0x1  }
0xc2: {  	_ =	sfence.sel $0xFFFF  }
0xc3: {  	[dreg:$0x0] =	wrdreg $0xFFFFFFFF;
	(pc) =	sbr.abs _section_cstart, $3  }
0xc4: {  	[dreg:$0x1] =	wrdreg $0xFFFFFFFF  }
0xc5: {  	_ =	task.clear_ibuf [dreg:s9], $0x2FFFF;
	_ =	strace $0x9FFFFFFF  }
0xc6: {  	(tm) =	ssettm $0x7FFFFFFF  }
0xc7: {  	_ =	shalt  }
tec
execute0_lowered:
.L_overlay_start_1:
0x0: {  	(tag) =	ssettag $0x1  }
0x1: {  	s0 =	rddreg [dreg:$0x0]  }
0x2: {  	s2 =	rddreg [dreg:$0x1]  }
0x3: {  	s13 =	stileid.u32;
	s3 =	rddreg [dreg:$0x2];
	s6 =	simm.s32 $0x0  }
0x4: {  	v2 =	vimm.s32 $0xB80;
	vm0 =	vcmask $0x300;
	vm1 =	vcmask $0x704;
	s18 =	srdreg.scid;
	s10 =	simm.s32 $0xF6;
	s30 =	simm.s32 $0xE800  }
0x5: {  	vm2 =	vcmask $0xB08;
	v3 =	vimm.s32 $0x1B80;
	vm3 =	vcmask $0xF0C;
	s31 =	simm.s32 $0x1;
	s1 =	smul.u32 $0xF400, s13;
	p0 =	seq.s32 s13, $0xF  }
0x6: {  	vm15 =	vcmask $0x1310;
	vm6 =	vcmask $0x1714;
	v2 =	vsel vm0, $0x0, v2;
	[smem:$0x7FF] =	sst s6;
	s7 =	sadd.s32 $0xE00, s0;
	s5 =	sadd.s32 $0xC00, s0  }
0x7: {  	vm7 =	vcmask $0x1B18;
	v3 =	vsel vm0, $0x1000, v3;
	s9 =	sadd.s32 $0x1E00, s0;
	s11 =	smul.u32 $0x7A000, s13;
	s12 =	sadd.s32 $0x41E00, s0;
	v2 =	vsel vm1, $0x80, v2  }
0x8: {  	vm8 =	vcmask $0x1F1C;
	_ =	strace $0x80000047;
	v3 =	vsel vm1, $0x1080, v3;
	[dreg:$0x5] =	wrdreg s5;
	v2 =	vsel vm2, $0x100, v2;
	s21 =	sadd.s32 s2, s1  }
0x9: {  	vm9 =	vcmask $0x2320;
	p1 =	sne.s32 s13, $0xF;
	v3 =	vsel vm2, $0x1100, v3;
	s26 =	sadd.s32 s3, s1;
	v2 =	vsel vm3, $0x180, v2;
	[dreg:$0x6] =	wrdreg s21  }
0xa: {  	vm10 =	vcmask $0x2724;
	s10 =	simm.s32 @!p0 $0xF4;
	v3 =	vsel vm3, $0x1180, v3;
	s23 =	sadd.s32 $0x100, s21;
	[dreg:$0xb] =	wrdreg s26;
	v2 =	vsel vm15, $0x200, v2  }
0xb: {  	vm11 =	vcmask $0x2B28;
	s4 =	sadd.s32 $0xF400, s1;
	s24 =	sadd.s32 $0x200, s21;
	v3 =	vsel vm15, $0x1200, v3;
	[dreg:$0x7] =	wrdreg s23;
	v2 =	vsel vm6, $0x280, v2  }
0xc: {  	vm12 =	vcmask $0x2F2C;
	s22 =	sshrl.u32 s11, $0x3;
	s5 =	sadd.s32 $0x300, s21;
	[dreg:$0x8] =	wrdreg s24;
	v3 =	vsel vm6, $0x1280, v3;
	v2 =	vsel vm7, $0x300, v2  }
0xd: {  	vm13 =	vcmask $0x3330;
	s4 =	simm.s32 @p0 $0xF4240;
	s28 =	sadd.s32 $0x100, s26;
	[dreg:$0x9] =	wrdreg s5;
	v3 =	vsel vm7, $0x1300, v3;
	v2 =	vsel vm8, $0x380, v2  }
0xe: {  	s29 =	sadd.s32 $0x200, s26;
	v1 =	vmov s4;
	s4 =	sand.u32 $0x1, s18;
	[dreg:$0xc] =	wrdreg s28;
	v3 =	vsel vm8, $0x1380, v3;
	v2 =	vsel vm9, $0x800, v2  }
0xf: {  	vm14 =	vcmask $0x3734;
	[dreg:$0xd] =	wrdreg s29;
	s5 =	sadd.s32 $0x300, s26;
	s24 =	simm.s32 $0xD800;
	v3 =	vsel vm9, $0x1800, v3;
	v2 =	vsel vm10, $0x880, v2  }
0x10: {  	v0 =	vmov s1;
	s26 =	simm.s32 $0xB000;
	s19 =	ssub.s32 $0x2, s4;
	p0 =	seq.s32 s4, $0x1;
	v3 =	vsel vm10, $0x1880, v3;
	v2 =	vsel vm11, $0x900, v2  }
.Ltmp0:
0x11: {  	vm15 =	vcmask $0x3B38;
	s4 =	sadd.s32 $0x400, s22;
	[dreg:$0xe] =	wrdreg s5;
	v3 =	vsel vm11, $0x1900, v3;
	v2 =	vsel vm12, $0x980, v2;
	(pc) =	sbr.rel .LBB2_1-.Ltmp0, $4  }
0x12: {  	s5 =	simm.s32 $0x0;
	s8 =	sshrl.u32 s19, $0x1;
	s25 =	sadd.s32 s2, s4;
	v3 =	vsel vm12, $0x1980, v3;
	v4 =	vsel vm13, $0xA00, v2;
	v2 =	vlaneseq.u32  }
0x13: {  	s4 =	sadd.s32 s3, s4;
	s20 =	ssub.s32 s19, s8;
	[dreg:$0xa] =	wrdreg s25;
	v6 =	vsel vm13, $0x1A00, v3;
	v5 =	vsel vm14, $0xA80, v4;
	v3 =	vmul.u32 $0x80, v2  }
0x14: {  	[dreg:$0xf] =	wrdreg s4;
	s25 =	simm.s32 $0x8;
	s0 =	smax.u32 s20, $0x1;
	v4 =	vmul.u32 $0x2, v2;
	v6 =	vsel vm14, $0x1A80, v6;
	v7 =	vor.u32 $0x10, v2  }
0x15: {  	s4 =	simm.s32 $0xD000;
	[dreg:$0x10] =	wrdreg s0;
	s0 =	simm.s32 $0xA000;
	v5 =	vsel vm15, $0xB00, v5;
	v6 =	vsel vm15, $0x1B00, v6;
	v8 =	vor.u32 $0x800, v3  }
.LBB2_25:
0x16: {  	[sflag:s31] =	ssyncadd.s32 $0xFFFFFF80  }
.LBB2_26:
0x17: {  	s5 =	sadd.s32 $0x1, s5;
	s8 =	rddreg [dreg:$0x10]  }
0x18: {  	p2 =	sne.s32 s5, s8  }
.Ltmp1:
0x19: {  	_ = 	snop;
	(pc) =	sbr.rel @!p2 .LBB2_27-.Ltmp1, $1  }
0x1a: {  	_ =	sdelay $0x3  }
.LBB2_1:
0x1b: {  	s8 =	rddreg [dreg:$0x3]  }
0x1c: {  	[tilespmem:s24], [sflag:$0x8] =	stream.linear.gather [hbm4b:s8+s6], $0x800, $0x38;
	[tilespmem:$0x1A800] =	vst v63  }
0x1d: {  	_ =	swait.ge [sflag:s25], $0x800  }
0x1e: {  	[sflag:s25] =	ssyncset.done $0x0  }
0x1f: {  	s13 =	simm.s32 $0xE000;
	s29 =	rddreg [dreg:$0x5];
	[sflag:s25] =	ssyncadd.s32 $0xFFFFF800  }
0x20: {  	[tilespmem:s13], [sflag:$0x8] =	stream.linear.gather [hbm4b:s29+s6], $0x800, $0x38;
	[tilespmem:$0x1A800] =	vst v63  }
0x21: {  	_ =	swait.ge [sflag:s25], $0x800  }
0x22: {  	[sflag:s25] =	ssyncset.done $0x0  }
0x23: {  	s8 =	simm.s32 $0x4;
	s13 =	simm.s32 $0x0;
	[sflag:s25] =	ssyncadd.s32 $0xFFFFF800  }
.LBB2_2:
0x24: {  	p2 =	sne.s32 s8, $0x3D8  }
0x25: {  	[smem:s13] =	sst s6;
	s13 =	smov.u32 s8;
	s8 =	sadd.s32 $0x4, s8  }
.Ltmp2:
0x26: {  	(pc) =	sbr.rel @p2 .LBB2_2-.Ltmp2, $2  }
0x27: {  	_ =	sdelay $0x2  }
0x28: {  	s13 =	sshra.s32 s13, $0x2  }
.Ltmp3:
0x29: {  	(pc) =	sbr.rel @!p0 .LBB2_4-.Ltmp3, $2  }
0x2a: {  	_ =	sdelay $0x2  }
0x2b: {  	[smem:s13] =	sst s6  }
0x2c: {  	s8 =	rddreg [dreg:$0xb];
	s13 =	simm.s32 $0x800;
	s14 =	simm.s32 $0x7A1400  }
0x2d: {  	[tilespmem:s30], [sflag:$0x2] =	stream.strided.gather [hbm4b:s8+s13], $0x2000, s14, s13, $0x38;
	[tilespmem:$0x1A800] =	vst v63  }
0x2e: {  	s19 =	rddreg [dreg:$0xc];
	s15 =	simm.s32 $0x10800  }
0x2f: {  	[tilespmem:s15], [sflag:$0x3] =	stream.strided.gather [hbm4b:s19+s13], $0x2000, s14, s13, $0x38;
	[tilespmem:$0x1A800] =	vst v63  }
0x30: {  	s20 =	rddreg [dreg:$0xd];
	s21 =	simm.s32 $0x12800  }
0x31: {  	[tilespmem:s21], [sflag:$0x4] =	stream.strided.gather [hbm4b:s20+s13], $0x2000, s14, s13, $0x38;
	[tilespmem:$0x1A800] =	vst v63  }
0x32: {  	s22 =	rddreg [dreg:$0xe];
	s23 =	simm.s32 $0x14800  }
0x33: {  	[tilespmem:s23], [sflag:$0x5] =	stream.strided.gather [hbm4b:s22+s13], $0x2000, s14, s13, $0x38;
	[tilespmem:$0x1A800] =	vst v63  }
0x34: {  	s28 =	rddreg [dreg:$0xf];
	s29 =	simm.s32 $0x16800;
	s16 =	simm.s32 $0x0  }
0x35: {  	[tilespmem:s29], [sflag:$0x6] =	stream.strided.gather [hbm4b:s28+s13], $0x2000, s14, s13, $0x38;
	[tilespmem:$0x1A800] =	vst v63  }
0x36: {  	s15 =	simm.s32 $0x0;
	s14 =	simm.s32 $0x0;
	s13 =	simm.s32 $0x0  }
.LBB2_47:
0x37: {  	v9 =	vmov s14  }
0x38: {  	v9 =	vshll.u32 v9, $0x1  }
0x39: {  	s8 =	sshll.u32 s16, $0xA;
	v9 =	vor.u32 v4, v9  }
0x3a: {  	s8 =	sadd.s32 s7, s8;
	v9 =	vor.u32 $0x1, v9  }
0x3b: {  	[tilespmem:s26], [sflag:$0x8] =	stream.linear.gather [hbm4b:s8+s14], $0x2000, $0x38;
	[tilespmem:$0x1A800] =	vst v63  }
0x3c: {  	_ =	swait.ge [sflag:s25], $0x2000  }
0x3d: {  	[sflag:s25] =	ssyncset.done $0x0  }
0x3e: {  	[sflag:s25] =	ssyncadd.s32 $0xFFFFE000  }
0x3f: {  	s8 =	simm.s32 $0x10;
	v9 =	vld.idx.msk [tilespmem:v9+s26+$0x0], $0xffff  }
0x40: {  	v10 =	vmov s8  }
0x41: {  	v10 =	vshll.u32 v10, $0x1  }
0x42: {  	v10 =	vor.u32 v4, v10  }
0x43: {  	v10 =	vor.u32 $0x1, v10  }
0x44: {  	vm0 =	vge.s32 v9, v0;
	vm1 =	vlt.s32 v9, v1  }
0x45: {  	s17 =	sadd.s32 $0x0, s15;
	vm0 =	vmand vm0, vm1  }
0x46: {  	[tilespmem:s13+$0x1F00] =	vst.msk vm0, v9;
	v9 =	vor.u32 s17, v2  }
0x47: {  	[tilespmem:s13+$0x5F80] =	vst.msk vm0, v9  }
0x48: {  	v9 =	vld.idx.msk [tilespmem:v10+s26+$0x0], $0xffff;
	v10 =	vmpcnt.ones.xlane vm0;
	_ =	sdelay $0x1  }
0x49: {  	(v2sf) =	vpush v10, $0x0;
	_ =	sdelay $0xb  }
0x4a: {  	vm0 =	vge.s32 v9, v0;
	vm1 =	vlt.s32 v9, v1  }
0x4b: {  	s17 =	simm.s32 $0x20;
	vm0 =	vmand vm0, vm1  }
0x4c: {  	s18 =	simm.s32 $0x30;
	v11 =	vmov s17;
	v10 =	vmpcnt.ones.xlane vm0  }
.LBB2_48:
0x4d: {  	p2 =	sne.s32 s18, $0xFF0;
	v11 =	vshll.u32 v11, $0x1;
	s19 =	spop (v2sf)  }
0x4e: {  	s20 =	sadd.s32 s8, s15;
	s8 =	smov.u32 s17;
	v11 =	vor.u32 v4, v11;
	(v2sf) =	vpush v10, $0x0;
	s13 =	sadd.s32 s13, s19  }
0x4f: {  	s17 =	smov.u32 s18;
	v10 =	vor.u32 $0x1, v11;
	[tilespmem:s13+$0x1F00] =	vst.msk vm0, v9;
	v9 =	vor.u32 s20, v2  }
0x50: {  	[tilespmem:s13+$0x5F80] =	vst.msk vm0, v9;
	_ =	sdelay $0x3  }
0x51: {  	v9 =	vld.idx.msk [tilespmem:v10+s26+$0x0], $0xffff;
	_ =	sdelay $0x3  }
.Ltmp4:
0x52: {  	(pc) =	sbr.rel @p2 .LBB2_48-.Ltmp4, $4  }
0x53: {  	_ = 	snop  }
0x54: {  	vm0 =	vge.s32 v9, v0;
	vm1 =	vlt.s32 v9, v1  }
0x55: {  	vm0 =	vmand vm0, vm1  }
0x56: {  	s18 =	sadd.s32 $0x10, s18;
	v11 =	vmov s17;
	v10 =	vmpcnt.ones.xlane vm0  }
0x57: {  	v11 =	vshll.u32 v11, $0x1  }
0x58: {  	v11 =	vor.u32 v4, v11  }
0x59: {  	v11 =	vor.u32 $0x1, v11  }
0x5a: {  	s18 =	spop (v2sf)  }
0x5b: {  	s8 =	sadd.s32 s8, s15;
	s13 =	sadd.s32 s13, s18  }
0x5c: {  	[tilespmem:s13+$0x1F00] =	vst.msk vm0, v9;
	v9 =	vor.u32 s8, v2  }
0x5d: {  	[tilespmem:s13+$0x5F80] =	vst.msk vm0, v9  }
0x5e: {  	v9 =	vld.idx.msk [tilespmem:v11+s26+$0x0], $0xffff;
	_ =	sdelay $0x4  }
0x5f: {  	vm15 =	vge.s32 v9, v0;
	vm1 =	vlt.s32 v9, v1  }
0x60: {  	vm0 =	vmand vm15, vm1  }
0x61: {  	(v2sf) =	vpush v10, $0x0;
	v10 =	vmpcnt.ones.xlane vm0;
	_ =	sdelay $0x1  }
0x62: {  	(v2sf) =	vpush v10, $0x0;
	_ =	sdelay $0x9  }
0x63: {  	s16 =	sadd.s32 $0x1, s16  }
0x64: {  	p2 =	seq.s32 s16, $0x4  }
.Ltmp5:
0x65: {  	_ = 	snop;
	(pc) =	sbr.rel @!p2 .LBB2_47-.Ltmp5, $4  }
0x66: {  	s29 =	spop (v2sf)  }
0x67: {  	s17 =	sadd.s32 s17, s15;
	s8 =	sadd.s32 s13, s29  }
0x68: {  	[tilespmem:s8+$0x1F00] =	vst.msk vm0, v9;
	v9 =	vor.u32 s17, v2;
	s17 =	spop (v2sf)  }
0x69: {  	s15 =	sadd.s32 $0x1000, s15;
	[tilespmem:s8+$0x5F80] =	vst.msk vm0, v9;
	s13 =	sadd.s32 s8, s17  }
0x6a: {  	p2 =	slt.s32 s13, $0x1  }
.Ltmp6:
0x6b: {  	_ = 	snop;
	(pc) =	sbr.rel @p2 .LBB2_32-.Ltmp6, $1  }
0x6c: {  	_ =	sdelay $0x3  }
0x6d: {  	s21 =	simm.s32 $0x1F00  }
0x6e: {  	v9 =	vld [tilespmem:s21+$0x0];
	_ =	sdelay $0x4  }
0x6f: {  	(v2sf) =	vpush v9, $0x0;
	_ =	sdelay $0xe  }
0x70: {  	s15 =	spop (v2sf)  }
0x71: {  	s16 =	simm.s32 $0x1;
	s22 =	ssub.s32 s15, s1;
	p2 =	sne.s32 s15, s1  }
0x72: {  	s23 =	sshra.s32 s22, $0x1F;
	s16 =	simm.s32 @!p2 $0x0  }
0x73: {  	s18 =	sand.u32 $0xFF, s15;
	s16 =	sor.u32 s16, s23  }
0x74: {  	p3 =	sne.s32 s18, $0x0;
	p6 =	sne.s32 s16, $0x1  }
0x75: {  	s13 =	sadd.s32 s8, s17;
	s28 =	sshrl.u32 s23, $0x18;
	p2 =	por !p3, !p6  }
0x76: {  	s8 =	sadd.s32 s28, s22;
	s16 =	simm.s32 $0x1;
	p2 =	por !p2, !p2  }
0x77: {  	s8 =	sshra.s32 s8, $0x8;
	s16 =	simm.s32 @!p2 $0x0  }
0x78: {  	s8 =	ssub.s32 s8, s16  }
0x79: {  	s16 =	sld [smem:s8+$0x0];
	_ =	sdelay $0x2  }
0x7a: {  	p2 =	sgt.s32 s16, $0xF  }
0x7b: {  	s17 =	sshra.s32 @p2 s15, $0x1F  }
0x7c: {  	s17 =	sshrl.u32 @p2 s17, $0x19  }
0x7d: {  	s17 =	sadd.s32 @p2 s17, s15  }
0x7e: {  	s18 =	sand.u32 @p2 $0xFFFFFF80, s17  }
0x7f: {  	p3 =	slt.s32 @p2 s15, $0x1;
	p4 =	sne.s32 @p2 s15, s18  }
0x80: {  	p3 =	por @p2 !p3, !p4  }
0x81: {  	p3 =	por @p2 !p3, !p3  }
0x82: {  	s18 =	simm.s32 @p2 $0x1;
	p3 =	por !p3, !p2  }
0x83: {  	s17 =	sshrl.u32 @p2 s17, $0x7;
	s18 =	simm.s32 @p3 $0x0  }
0x84: {  	s17 =	ssub.s32 @p2 s17, s18  }
0x85: {  	s17 =	sshll.u32 @p2 s17, $0x7  }
0x86: {  	p3 =	slt.s32 @p2 s17, $0xF4180  }
0x87: {  	s14 =	simm.s32 $0x5F80;
	p3 =	por !p3, !p2  }
0x88: {  	v10 =	vld [tilespmem:s14+$0x0];
	s19 =	simm.s32 @p2 $0x400;
	s17 =	simm.s32 @p3 $0xF4180  }
0x89: {  	s20 =	simm.s32 @p2 $0x7A1400;
	s18 =	simm.s32 @p2 $0xA000;
	s17 =	sadd.s32 @p2 s3, s17  }
0x8a: {  	[tilespmem:s18], [sflag:$0x9] =	stream.strided.gather @p2 [hbm4b:s17+s19], $0x1000, s20, s19, $0x38;
	[tilespmem:$0x1A800] =	vst v63  }
0x8b: {  	s17 =	sadd.s32 @p2 $0xFFF0BE00, s15  }
0x8c: {  	p3 =	sgt.s32 @p2 s17, $0x0  }
0x8d: {  	(v2sf) =	vpush @p2 v10, $0x0;
	p3 =	por !p3, !p2  }
0x8e: {  	s17 =	simm.s32 @p3 $0x0  }
0x8f: {  	s17 =	sshll.u32 @p2 s17, $0x5  }
0x90: {  	v11 =	vlaneseq.u32 @p2;
	s19 =	sadd.s32 @p2 $0x810, s17  }
0x91: {  	s29 =	sadd.s32 $0x1, s16;
	v12 =	vmul.u32 @p2 $0x80, v11;
	s17 =	sadd.s32 @p2 $0x800, s17;
	v13 =	vor.u32 @p2 s19, v11  }
0x92: {  	[smem:s8] =	sst s29;
	s20 =	simm.s32 @p2 $0x9;
	s19 =	sand.u32 @p2 $0x7F, s15;
	v15 =	vor.u32 @p2 s17, v11  }
0x93: {  	_ =	swait.ge @p2 [sflag:s20], $0x1000;
	v14 =	vor.u32 @p2 s19, v12;
	v12 =	vor.u32 @p2 $0x800, v12  }
0x94: {  	[sflag:s20] =	ssyncset.done @p2 $0x0;
	v12 =	vor.u32 @p2 s19, v12  }
0x95: {  	[sflag:s20] =	ssyncadd.s32 @p2 $0xFFFFF000;
	s17 =	simm.s32 @p2 $0xD800  }
0x96: {  	v13 =	vld.idx.msk @p2 [tilespmem:v13+s17+$0x0], $0xffff  }
0x97: {  	v15 =	vld.idx.msk @p2 [tilespmem:v15+s17+$0x0], $0xffff  }
0x98: {  	v14 =	vld.idx.msk @p2 [tilespmem:v14+s18+$0x0], $0xffff  }
0x99: {  	v12 =	vld.idx.msk @p2 [tilespmem:v12+s18+$0x0], $0xffff;
	_ =	sdelay $0x2  }
0x9a: {  	v16 =	vor.u32 @p2 $0x10, v11;
	p3 =	sgt.s32 @p2 s15, $0xF41FF;
	s15 =	spop @p2 (v2sf)  }
0x9b: {  	p3 =	por !p3, !p2;
	s17 =	sshll.u32 @p2 s15, $0x4;
	s15 =	sadd.s32 $0xFFFFFFFF, s13  }
0x9c: {  	v14 =	vpsel p3, v14, v15;
	v12 =	vpsel p3, v12, v13;
	p3 =	sne.s32 s15, $0x0  }
.Ltmp7:
0x9d: {  	s8 =	sshll.u32 @!p2 s8, $0x4;
	s18 =	simm.s32 @p2 $0xD000;
	(pc) =	sbr.rel @!p3 .LBB2_31-.Ltmp7, $4  }
0x9e: {  	s16 =	sadd.s32 @!p2 s16, s8;
	s13 =	sand.u32 @p2 $0x1FFFFFF0, s17;
	[tilespmem:v11+s18+$0x0] =	vst.idx.msk @p2 $0xffff, v14  }
0x9f: {  	s8 =	simm.s32 @p2 $0x8;
	s17 =	simm.s32 @p2 $0x0;
	s13 =	sadd.s32 @p2 s12, s13;
	v11 =	vmov @!p2 s16;
	[tilespmem:v16+s18+$0x0] =	vst.idx.msk @p2 $0xffff, v12  }
0xa0: {  	[hbm4b:s13+s17] =	stream.linear.scatter @p2 [tilespmem:s18], [sflag:$0x8], $0x80, $0x38;
	[tilespmem:$0x1A800] =	vst v63  }
0xa1: {  	v9 =	vbroadcast @!p2 v9, $0x0;
	v10 =	vbroadcast @!p2 v10, $0x0;
	s16 =	simm.s32 $0x1F01;
	s13 =	simm.s32 @!p2 $0x0;
	_ =	swait.ge @p2 [sflag:s8], $0x80  }
.LBB2_30:
0xa2: {  	s15 =	sadd.s32 $0xFFFFFFFF, s15;
	[sflag:s8] =	ssyncset.done @p2 $0x0;
	s14 =	sadd.s32 $0x1, s14  }
0xa3: {  	p3 =	sne.s32 s15, $0x0;
	[sflag:s8] =	ssyncadd.s32 @p2 $0xFFFFFF80;
	s8 =	simm.s32 @!p2 $0xF80  }
0xa4: {  	[tilespmem:v11+s13+$0x0] =	vst.idx.msk @!p2 $0x1, v9  }
0xa5: {  	[tilespmem:v11+s8+$0x0] =	vst.idx.msk @!p2 $0x1, v10  }
0xa6: {  	v9 =	vld [tilespmem:s16+$0x0];
	_ =	sdelay $0x4  }
0xa7: {  	(v2sf) =	vpush v9, $0x0;
	_ =	sdelay $0xe  }
0xa8: {  	s19 =	simm.s32 $0x1;
	s17 =	spop (v2sf)  }
0xa9: {  	s8 =	ssub.s32 s17, s1;
	p2 =	sne.s32 s17, s1;
	s13 =	sand.u32 $0xFF, s17  }
0xaa: {  	s18 =	sshra.s32 s8, $0x1F;
	s19 =	simm.s32 @!p2 $0x0  }
0xab: {  	s20 =	sshrl.u32 s18, $0x18;
	s18 =	sor.u32 s19, s18  }
0xac: {  	p4 =	sne.s32 s13, $0x0;
	s8 =	sadd.s32 s20, s8;
	p2 =	sne.s32 s18, $0x1  }
0xad: {  	p2 =	por !p4, !p2  }
0xae: {  	s13 =	simm.s32 $0x1;
	p2 =	por !p2, !p2  }
0xaf: {  	s8 =	sshra.s32 s8, $0x8;
	s13 =	simm.s32 @!p2 $0x0  }
0xb0: {  	s8 =	ssub.s32 s8, s13  }
0xb1: {  	v11 =	vld [tilespmem:s14+$0x0];
	s13 =	sld [smem:s8+$0x0];
	_ =	sdelay $0x2  }
0xb2: {  	s18 =	sadd.s32 $0x1, s13;
	p2 =	sgt.s32 s13, $0xF  }
0xb3: {  	s19 =	sshra.s32 @p2 s17, $0x1F;
	p5 =	slt.s32 @p2 s17, $0x1;
	s20 =	sadd.s32 @p2 $0xFFF0BE00, s17;
	v9 =	vbroadcast @!p2 v9, $0x0  }
0xb4: {  	[smem:s8] =	sst s18;
	s18 =	sshrl.u32 @p2 s19, $0x19;
	p4 =	sgt.s32 @p2 s20, $0x0;
	v10 =	vbroadcast @!p2 v11, $0x0;
	(v2sf) =	vpush @p2 v11, $0x0  }
0xb5: {  	s18 =	sadd.s32 @p2 s18, s17;
	p6 =	por !p4, !p2;
	p4 =	sgt.s32 @p2 s17, $0xF41FF  }
0xb6: {  	s19 =	sshrl.u32 @p2 s18, $0x7;
	s18 =	sand.u32 @p2 $0xFFFFFF80, s18;
	s20 =	simm.s32 @p6 $0x0  }
0xb7: {  	s8 =	sshll.u32 @!p2 s8, $0x4;
	p6 =	sne.s32 @p2 s17, s18;
	s18 =	sshll.u32 @p2 s20, $0x5  }
0xb8: {  	v11 =	vlaneseq.u32 @p2;
	p5 =	por @p2 !p5, !p6;
	s20 =	sadd.s32 @p2 $0x800, s18;
	s18 =	sadd.s32 @p2 $0x810, s18  }
0xb9: {  	v12 =	vmul.u32 @p2 $0x80, v11;
	s8 =	sadd.s32 @!p2 s13, s8;
	s13 =	simm.s32 @!p2 $0x0;
	p5 =	por @p2 !p5, !p5;
	v13 =	vor.u32 @p2 s20, v11;
	v14 =	vor.u32 @p2 s18, v11  }
0xba: {  	v15 =	vor.u32 @p2 $0x10, v11;
	s17 =	sand.u32 @p2 $0x7F, s17;
	s18 =	simm.s32 @p2 $0x1;
	p5 =	por !p5, !p2  }
0xbb: {  	v16 =	vor.u32 @p2 s17, v12;
	v12 =	vor.u32 @p2 $0x800, v12;
	s18 =	simm.s32 @p5 $0x0  }
0xbc: {  	v12 =	vor.u32 @p2 s17, v12;
	s18 =	ssub.s32 @p2 s19, s18  }
0xbd: {  	s17 =	sshll.u32 @p2 s18, $0x7  }
0xbe: {  	p5 =	slt.s32 @p2 s17, $0xF4180  }
0xbf: {  	p5 =	por !p5, !p2  }
0xc0: {  	s19 =	simm.s32 @p2 $0x9;
	s18 =	simm.s32 @p2 $0xA000;
	s17 =	simm.s32 @p5 $0xF4180  }
0xc1: {  	s21 =	simm.s32 @p2 $0x7A1400;
	s20 =	simm.s32 @p2 $0x400;
	s17 =	sadd.s32 @p2 s3, s17  }
0xc2: {  	[tilespmem:s18], [sflag:$0x9] =	stream.strided.gather @p2 [hbm4b:s17+s20], $0x1000, s21, s20, $0x38;
	[tilespmem:$0x1A800] =	vst v63  }
0xc3: {  	_ =	swait.ge @p2 [sflag:s19], $0x1000  }
0xc4: {  	s17 =	spop @p2 (v2sf)  }
0xc5: {  	[sflag:s19] =	ssyncset.done @p2 $0x0;
	s17 =	sshll.u32 @p2 s17, $0x4  }
0xc6: {  	[sflag:s19] =	ssyncadd.s32 @p2 $0xFFFFF000;
	s19 =	simm.s32 @p2 $0xD800;
	s17 =	sand.u32 @p2 $0x1FFFFFF0, s17  }
0xc7: {  	v14 =	vld.idx.msk @p2 [tilespmem:v14+s19+$0x0], $0xffff;
	s17 =	sadd.s32 @p2 s12, s17  }
0xc8: {  	v12 =	vld.idx.msk @p2 [tilespmem:v12+s18+$0x0], $0xffff  }
0xc9: {  	v16 =	vld.idx.msk @p2 [tilespmem:v16+s18+$0x0], $0xffff  }
0xca: {  	v13 =	vld.idx.msk @p2 [tilespmem:v13+s19+$0x0], $0xffff;
	_ =	sdelay $0x2  }
0xcb: {  	p4 =	por !p4, !p2  }
0xcc: {  	v12 =	vpsel p4, v12, v14  }
0xcd: {  	s18 =	simm.s32 @p2 $0xD000  }
.Ltmp8:
0xce: {  	v13 =	vpsel p4, v16, v13;
	(pc) =	sbr.rel @p3 .LBB2_30-.Ltmp8, $4  }
0xcf: {  	s19 =	simm.s32 @p2 $0x0;
	[tilespmem:v11+s18+$0x0] =	vst.idx.msk @p2 $0xffff, v13;
	v11 =	vmov @!p2 s8  }
0xd0: {  	s8 =	simm.s32 @p2 $0x8;
	[tilespmem:v15+s18+$0x0] =	vst.idx.msk @p2 $0xffff, v12  }
0xd1: {  	[hbm4b:s17+s19] =	stream.linear.scatter @p2 [tilespmem:s18], [sflag:$0x8], $0x80, $0x38;
	[tilespmem:$0x1A800] =	vst v63  }
0xd2: {  	s16 =	sadd.s32 $0x1, s16;
	_ =	swait.ge @p2 [sflag:s8], $0x80  }
.LBB2_31:
0xd3: {  	_ =	sdelay $0x1  }
0xd4: {  	[sflag:s8] =	ssyncset.done @p2 $0x0  }
0xd5: {  	[sflag:s8] =	ssyncadd.s32 @p2 $0xFFFFFF80  }
0xd6: {  	s8 =	simm.s32 @!p2 $0xF80;
	[tilespmem:v11+s13+$0x0] =	vst.idx.msk @!p2 $0x1, v9  }
0xd7: {  	[tilespmem:v11+s8+$0x0] =	vst.idx.msk @!p2 $0x1, v10  }
.LBB2_32:
.Ltmp9:
0xd8: {  	(pc) =	sbr.rel .LBB2_33-.Ltmp9, $2  }
0xd9: {  	_ =	sdelay $0x2  }
0xda: {  	s14 =	simm.s32 $0x0;
	s15 =	simm.s32 $0xF80;
	s16 =	simm.s32 $0x0  }
.LBB2_38:
0xdb: {  	[sflag:s31] =	ssyncadd.s32 $0xFFFFFF80  }
.LBB2_39:
0xdc: {  	s16 =	sadd.s32 $0x1, s16  }
0xdd: {  	p2 =	sne.s32 s16, s10  }
.Ltmp10:
0xde: {  	_ = 	snop;
	(pc) =	sbr.rel @!p2 .LBB2_40-.Ltmp10, $2  }
0xdf: {  	_ =	sdelay $0x2  }
0xe0: {  	s14 =	sadd.s32 $0x10, s14;
	s15 =	sadd.s32 $0x10, s15  }
.LBB2_33:
0xe1: {  	s8 =	sadd.s32 $0x5, s16  }
0xe2: {  	s17 =	smulhi.u32 $0xAAAAAAAB, s16;
	p2 =	sge.u32 s8, s10  }
0xe3: {  	s13 =	smulhi.u32 @!p2 $0xAAAAAAAB, s8  }
0xe4: {  	s17 =	sshrl.u32 s17, $0x2  }
0xe5: {  	s17 =	smul.u32 $0x6, s17;
	s13 =	sshrl.u32 @!p2 s13, $0x2  }
0xe6: {  	s13 =	smul.u32 @!p2 $0x6, s13  }
0xe7: {  	s18 =	sshll.u32 @!p2 s8, $0xB;
	s19 =	simm.s32 @!p2 $0x800;
	s20 =	simm.s32 @!p2 $0x7A1400  }
0xe8: {  	s13 =	ssub.s32 @!p2 s8, s13;
	s8 =	ssub.s32 s16, s17;
	s17 =	sadd.s32 @!p2 s11, s18  }
0xe9: {  	s18 =	sshll.u32 @!p2 s13, $0xD;
	s13 =	sadd.s32 @!p2 $0x2, s13;
	s17 =	sshrl.u32 @!p2 s17, $0x3  }
0xea: {  	s29 =	sadd.s32 $0x2, s8;
	s18 =	sadd.s32 @!p2 $0xE800, s18;
	s17 =	sadd.s32 @!p2 s3, s17  }
0xeb: {  	[tilespmem:s18], [sflag:s13] =	stream.strided.gather @!p2 [hbm4b:s17+s19], $0x2000, s20, s19, $0x38;
	[tilespmem:$0x1A800] =	vst v63  }
0xec: {  	_ =	swait.ge [sflag:s29], $0x2000  }
0xed: {  	[sflag:s29] =	ssyncset.done $0x0  }
0xee: {  	[sflag:s29] =	ssyncadd.s32 $0xFFFFE000  }
0xef: {  	s17 =	sld [smem:s16+$0x0];
	_ =	sdelay $0x2  }
0xf0: {  	p2 =	slt.s32 s17, $0x1  }
.Ltmp11:
0xf1: {  	_ = 	snop;
	(pc) =	sbr.rel @p2 .LBB2_39-.Ltmp11, $1  }
0xf2: {  	_ =	sdelay $0x3  }
0xf3: {  	v9 =	vld [tilespmem:s14+$0x0];
	_ =	sdelay $0x4  }
0xf4: {  	(v2sf) =	vpush v9, $0x0;
	_ =	sdelay $0xa  }
0xf5: {  	v9 =	vld [tilespmem:s15+$0x0];
	_ =	sdelay $0x1  }
0xf6: {  	s13 =	sshll.u32 s16, $0x8  }
0xf7: {  	s13 =	sadd.s32 s1, s13  }
0xf8: {  	s19 =	ssub.s32 $0x0, s13;
	s21 =	spop (v2sf)  }
0xf9: {  	(v2sf) =	vpush v9, $0x0;
	s18 =	sadd.s32 s21, s19;
	s20 =	sadd.s32 $0xFFF0BE00, s21  }
0xfa: {  	s8 =	sshll.u32 s8, $0xD;
	v10 =	vmov s18;
	p2 =	sgt.s32 s20, $0x0  }
0xfb: {  	v9 =	vor.u32 s8, v5;
	v11 =	vand.u32 $0x7F, v10;
	v10 =	vshll.u32 v10, $0x3;
	s20 =	simm.s32 @!p2 $0x0  }
0xfc: {  	v12 =	vand.u32 $0xFFFFFC00, v10;
	v10 =	vor.u32 v11, v9;
	s22 =	sshll.u32 s20, $0x5  }
0xfd: {  	v13 =	vadd.s32 v12, v10;
	s20 =	sadd.s32 $0x810, s22  }
0xfe: {  	v10 =	vor.u32 s8, v6;
	s23 =	sadd.s32 $0x800, s22;
	v14 =	vor.u32 s20, v2  }
0xff: {  	v11 =	vor.u32 v11, v10;
	v15 =	vor.u32 s23, v2  }
0x100: {  	v11 =	vadd.s32 v12, v11;
	_ =	sdelay $0x1  }
0x101: {  	v12 =	vld.idx.msk [tilespmem:v13+s30+$0x0], $0xffff  }
0x102: {  	p2 =	slt.s32 s17, $0x10;
	v13 =	vld.idx.msk [tilespmem:v14+s24+$0x0], $0xffff  }
0x103: {  	s28 =	simm.s32 $0x0;
	s17 =	simm.s32 @!p2 $0x10;
	v14 =	vld.idx.msk [tilespmem:v15+s24+$0x0], $0xffff  }
0x104: {  	v16 =	vor.u32 s28, v2;
	p3 =	sne.s32 s17, $0x1;
	v15 =	vld.idx.msk [tilespmem:v11+s30+$0x0], $0xffff  }
.Ltmp12:
0x105: {  	_ = 	snop;
	(pc) =	sbr.rel @!p3 .LBB2_36-.Ltmp12, $4  }
0x106: {  	v11 =	vor.u32 s28, v7  }
0x107: {  	s13 =	sadd.s32 $0x1, s15;
	p6 =	sgt.s32 s21, $0xF41FF;
	s29 =	spop (v2sf)  }
0x108: {  	s21 =	simm.s32 $0x1;
	s18 =	simm.s32 $0xD000;
	s8 =	sshll.u32 s29, $0x4;
	v14 =	vpsel p6, v14, v12  }
0x109: {  	s22 =	sadd.s32 $0x1, s14;
	s20 =	simm.s32 $0xD000;
	s8 =	sand.u32 $0x1FFFFFF0, s8;
	v12 =	vpsel p6, v13, v15;
	[tilespmem:v16+s4+$0x0] =	vst.idx.msk $0xffff, v14  }
.LBB2_35:
0x10a: {  	s23 =	sadd.s32 s12, s8  }
0x10b: {  	[tilespmem:v11+s4+$0x0] =	vst.idx.msk $0xffff, v12;
	s18 =	sadd.s32 $0x80, s18;
	s8 =	smov.u32 s21;
	s21 =	sadd.s32 $0x1, s21  }
0x10c: {  	[hbm4b:s23+s6] =	stream.linear.scatter [tilespmem:s20], [sflag:$0x1], $0x80, $0x38;
	[tilespmem:$0x1A800] =	vst v63  }
0x10d: {  	p2 =	sne.s32 s17, s21;
	s20 =	smov.u32 s18;
	v11 =	vld [tilespmem:s22+$0x0];
	_ =	sdelay $0x4  }
0x10e: {  	(v2sf) =	vpush v11, $0x0;
	_ =	sdelay $0xb  }
0x10f: {  	v11 =	vld [tilespmem:s13+$0x0];
	_ =	sdelay $0x2  }
0x110: {  	s23 =	spop (v2sf)  }
0x111: {  	s28 =	sadd.s32 s23, s19;
	s29 =	sadd.s32 $0xFFF0BE00, s23  }
0x112: {  	v12 =	vmov s28;
	p3 =	sgt.s32 s29, $0x0;
	(v2sf) =	vpush v11, $0x0  }
0x113: {  	v11 =	vand.u32 $0x7F, v12;
	v12 =	vshll.u32 v12, $0x3;
	s29 =	simm.s32 @!p3 $0x0  }
0x114: {  	v12 =	vand.u32 $0xFFFFFC00, v12;
	v13 =	vor.u32 v11, v9;
	v11 =	vor.u32 v11, v10;
	s28 =	sshll.u32 s29, $0x5  }
0x115: {  	v13 =	vadd.s32 v12, v13;
	v11 =	vadd.s32 v12, v11;
	s29 =	sadd.s32 $0x800, s28;
	s28 =	sadd.s32 $0x810, s28  }
0x116: {  	v12 =	vor.u32 s29, v2;
	v14 =	vor.u32 s28, v2;
	_ =	sdelay $0x3  }
0x117: {  	v13 =	vld.idx.msk [tilespmem:v13+s30+$0x0], $0xffff  }
0x118: {  	v14 =	vld.idx.msk [tilespmem:v14+s24+$0x0], $0xffff  }
0x119: {  	v12 =	vld.idx.msk [tilespmem:v12+s24+$0x0], $0xffff  }
0x11a: {  	s8 =	sshll.u32 s8, $0x7;
	v15 =	vld.idx.msk [tilespmem:v11+s30+$0x0], $0xffff  }
0x11b: {  	v16 =	vor.u32 s8, v2  }
.Ltmp13:
0x11c: {  	v11 =	vor.u32 s8, v7;
	(pc) =	sbr.rel @p2 .LBB2_35-.Ltmp13, $4  }
0x11d: {  	_ = 	snop  }
0x11e: {  	p3 =	sgt.s32 s23, $0xF41FF;
	s8 =	spop (v2sf)  }
0x11f: {  	v13 =	vpsel p3, v12, v13;
	s8 =	sshll.u32 s8, $0x4  }
0x120: {  	s22 =	sadd.s32 $0x1, s22;
	s13 =	sadd.s32 $0x1, s13;
	v12 =	vpsel p3, v14, v15;
	[tilespmem:v16+s4+$0x0] =	vst.idx.msk $0xffff, v13;
	s8 =	sand.u32 $0x1FFFFFF0, s8  }
.LBB2_36:
0x121: {  	_ =	sdelay $0x1  }
0x122: {  	p2 =	sne.s32 s17, $0x1  }
.Ltmp14:
0x123: {  	_ = 	snop;
	(pc) =	sbr.rel @!p2 .LBB2_38-.Ltmp14, $4  }
0x124: {  	[tilespmem:v11+s4+$0x0] =	vst.idx.msk $0xffff, v12;
	s8 =	sadd.s32 s12, s8  }
0x125: {  	[hbm4b:s8+s6] =	stream.linear.scatter [tilespmem:s20], [sflag:$0x1], $0x80, $0x38;
	[tilespmem:$0x1A800] =	vst v63  }
0x126: {  	_ =	swait.ge [sflag:s31], $0x80  }
0x127: {  	s8 =	sadd.s32 $0xFFFFFFFF, s17;
	[sflag:s31] =	ssyncset.done $0x0  }
.LBB2_37:
0x128: {  	p2 =	sne.s32 s8, $0x1;
	s8 =	sadd.s32 $0xFFFFFFFF, s8;
	[sflag:s31] =	ssyncadd.s32 $0xFFFFFF80  }
.Ltmp15:
0x129: {  	(pc) =	sbr.rel @p2 .LBB2_37-.Ltmp15, $3  }
0x12a: {  	_ =	sdelay $0x1  }
0x12b: {  	_ =	swait.ge [sflag:s31], $0x80  }
0x12c: {  	[sflag:s31] =	ssyncset.done $0x0  }
.Ltmp16:
0x12d: {  	_ = 	snop;
	(pc) =	sbr.rel .LBB2_38-.Ltmp16, $1  }
0x12e: {  	_ =	sdelay $0x3  }
.LBB2_4:
0x12f: {  	s8 =	rddreg [dreg:$0x6];
	s13 =	simm.s32 $0x800;
	s14 =	simm.s32 $0x7A1400  }
0x130: {  	[tilespmem:s30], [sflag:$0x2] =	stream.strided.gather [hbm4b:s8+s13], $0x2000, s14, s13, $0x38;
	[tilespmem:$0x1A800] =	vst v63  }
0x131: {  	s19 =	rddreg [dreg:$0x7];
	s15 =	simm.s32 $0x10800  }
0x132: {  	[tilespmem:s15], [sflag:$0x3] =	stream.strided.gather [hbm4b:s19+s13], $0x2000, s14, s13, $0x38;
	[tilespmem:$0x1A800] =	vst v63  }
0x133: {  	s20 =	rddreg [dreg:$0x8];
	s21 =	simm.s32 $0x12800  }
0x134: {  	[tilespmem:s21], [sflag:$0x4] =	stream.strided.gather [hbm4b:s20+s13], $0x2000, s14, s13, $0x38;
	[tilespmem:$0x1A800] =	vst v63  }
0x135: {  	s22 =	rddreg [dreg:$0x9];
	s23 =	simm.s32 $0x14800  }
0x136: {  	[tilespmem:s23], [sflag:$0x5] =	stream.strided.gather [hbm4b:s22+s13], $0x2000, s14, s13, $0x38;
	[tilespmem:$0x1A800] =	vst v63  }
0x137: {  	s28 =	rddreg [dreg:$0xa];
	s29 =	simm.s32 $0x16800;
	s16 =	simm.s32 $0x0  }
0x138: {  	[tilespmem:s29], [sflag:$0x6] =	stream.strided.gather [hbm4b:s28+s13], $0x2000, s14, s13, $0x38;
	[tilespmem:$0x1A800] =	vst v63  }
0x139: {  	s15 =	simm.s32 $0x0;
	s14 =	simm.s32 $0x0;
	s13 =	simm.s32 $0x0  }
.LBB2_5:
0x13a: {  	v9 =	vmov s14  }
0x13b: {  	s8 =	sshll.u32 s16, $0xA;
	v9 =	vshll.u32 v9, $0x1  }
0x13c: {  	s8 =	sadd.s32 s7, s8;
	v9 =	vor.u32 v4, v9  }
0x13d: {  	[tilespmem:s26], [sflag:$0x8] =	stream.linear.gather [hbm4b:s8+s14], $0x2000, $0x38;
	[tilespmem:$0x1A800] =	vst v63  }
0x13e: {  	_ =	swait.ge [sflag:s25], $0x2000  }
0x13f: {  	[sflag:s25] =	ssyncset.done $0x0  }
0x140: {  	[sflag:s25] =	ssyncadd.s32 $0xFFFFE000  }
0x141: {  	v9 =	vld.idx.msk [tilespmem:v9+s26+$0x0], $0xffff;
	_ =	sdelay $0x4  }
0x142: {  	vm0 =	vge.s32 v9, v0;
	vm1 =	vlt.s32 v9, v1  }
0x143: {  	vm0 =	vmand vm0, vm1  }
0x144: {  	v10 =	vmpcnt.ones.xlane vm0  }
0x145: {  	s17 =	simm.s32 $0x10  }
0x146: {  	(v2sf) =	vpush v10, $0x0;
	v10 =	vmov s17  }
0x147: {  	v10 =	vshll.u32 v10, $0x1  }
0x148: {  	v10 =	vor.u32 v4, v10;
	_ =	sdelay $0x1  }
0x149: {  	s29 =	sadd.s32 $0x0, s15  }
0x14a: {  	[tilespmem:s13+$0x1F00] =	vst.msk vm0, v9;
	v9 =	vor.u32 s29, v2  }
0x14b: {  	[tilespmem:s13+$0x5F80] =	vst.msk vm0, v9  }
0x14c: {  	v9 =	vld.idx.msk [tilespmem:v10+s26+$0x0], $0xffff;
	_ =	sdelay $0x4  }
0x14d: {  	vm0 =	vge.s32 v9, v0;
	vm1 =	vlt.s32 v9, v1  }
0x14e: {  	vm0 =	vmand vm0, vm1  }
0x14f: {  	s8 =	simm.s32 $0x20;
	v10 =	vmpcnt.ones.xlane vm0  }
0x150: {  	s18 =	simm.s32 $0x30;
	v11 =	vmov s8;
	s19 =	spop (v2sf)  }
.LBB2_6:
0x151: {  	p2 =	sne.s32 s18, $0xFF0;
	v11 =	vshll.u32 v11, $0x1;
	s17 =	sadd.s32 s17, s15;
	(v2sf) =	vpush v10, $0x0;
	s13 =	sadd.s32 s13, s19  }
0x152: {  	v10 =	vor.u32 v4, v11;
	[tilespmem:s13+$0x1F00] =	vst.msk vm0, v9;
	v9 =	vor.u32 s17, v2;
	s17 =	smov.u32 s8;
	s8 =	smov.u32 s18  }
0x153: {  	[tilespmem:s13+$0x5F80] =	vst.msk vm0, v9;
	_ =	sdelay $0x3  }
0x154: {  	v9 =	vld.idx.msk [tilespmem:v10+s26+$0x0], $0xffff;
	_ =	sdelay $0x4  }
.Ltmp17:
0x155: {  	(pc) =	sbr.rel @p2 .LBB2_6-.Ltmp17, $4  }
0x156: {  	vm0 =	vge.s32 v9, v0;
	vm1 =	vlt.s32 v9, v1  }
0x157: {  	vm0 =	vmand vm0, vm1  }
0x158: {  	v10 =	vmpcnt.ones.xlane vm0  }
0x159: {  	s18 =	sadd.s32 $0x10, s18;
	v11 =	vmov s8;
	s19 =	spop (v2sf)  }
0x15a: {  	v11 =	vshll.u32 v11, $0x1  }
0x15b: {  	v11 =	vor.u32 v4, v11;
	_ =	sdelay $0x1  }
0x15c: {  	s17 =	sadd.s32 s17, s15;
	s13 =	sadd.s32 s13, s19  }
0x15d: {  	[tilespmem:s13+$0x1F00] =	vst.msk vm0, v9;
	v9 =	vor.u32 s17, v2  }
0x15e: {  	[tilespmem:s13+$0x5F80] =	vst.msk vm0, v9  }
0x15f: {  	v9 =	vld.idx.msk [tilespmem:v11+s26+$0x0], $0xffff;
	_ =	sdelay $0x4  }
0x160: {  	vm15 =	vge.s32 v9, v0;
	vm1 =	vlt.s32 v9, v1  }
0x161: {  	vm0 =	vmand vm15, vm1  }
0x162: {  	(v2sf) =	vpush v10, $0x0;
	v10 =	vmpcnt.ones.xlane vm0;
	_ =	sdelay $0x1  }
0x163: {  	(v2sf) =	vpush v10, $0x0;
	_ =	sdelay $0x9  }
0x164: {  	s16 =	sadd.s32 $0x1, s16  }
0x165: {  	p2 =	seq.s32 s16, $0x4  }
.Ltmp18:
0x166: {  	_ = 	snop;
	(pc) =	sbr.rel @!p2 .LBB2_5-.Ltmp18, $4  }
0x167: {  	s29 =	spop (v2sf)  }
0x168: {  	s18 =	sadd.s32 s8, s15;
	s8 =	sadd.s32 s13, s29  }
0x169: {  	[tilespmem:s8+$0x1F00] =	vst.msk vm0, v9;
	v9 =	vor.u32 s18, v2;
	s17 =	spop (v2sf)  }
0x16a: {  	s15 =	sadd.s32 $0x1000, s15;
	[tilespmem:s8+$0x5F80] =	vst.msk vm0, v9;
	s13 =	sadd.s32 s8, s17  }
0x16b: {  	p2 =	slt.s32 s13, $0x1  }
.Ltmp19:
0x16c: {  	_ = 	snop;
	(pc) =	sbr.rel @p2 .LBB2_12-.Ltmp19, $1  }
0x16d: {  	_ =	sdelay $0x3  }
0x16e: {  	s21 =	simm.s32 $0x1F00  }
0x16f: {  	v9 =	vld [tilespmem:s21+$0x0];
	_ =	sdelay $0x4  }
0x170: {  	(v2sf) =	vpush v9, $0x0;
	_ =	sdelay $0xe  }
0x171: {  	s15 =	spop (v2sf)  }
0x172: {  	s16 =	simm.s32 $0x1;
	s22 =	ssub.s32 s15, s1;
	p2 =	sne.s32 s15, s1  }
0x173: {  	s23 =	sshra.s32 s22, $0x1F;
	s16 =	simm.s32 @!p2 $0x0  }
0x174: {  	s18 =	sand.u32 $0xFF, s15;
	s16 =	sor.u32 s16, s23  }
0x175: {  	p3 =	sne.s32 s18, $0x0;
	p6 =	sne.s32 s16, $0x1  }
0x176: {  	s13 =	sadd.s32 s8, s17;
	s28 =	sshrl.u32 s23, $0x18;
	p2 =	por !p3, !p6  }
0x177: {  	s8 =	sadd.s32 s28, s22;
	s16 =	simm.s32 $0x1;
	p2 =	por !p2, !p2  }
0x178: {  	s8 =	sshra.s32 s8, $0x8;
	s16 =	simm.s32 @!p2 $0x0  }
0x179: {  	s16 =	ssub.s32 s8, s16  }
0x17a: {  	s8 =	sld [smem:s16+$0x0];
	_ =	sdelay $0x2  }
0x17b: {  	p2 =	sgt.s32 s8, $0xF  }
0x17c: {  	s17 =	sshra.s32 @p2 s15, $0x1F  }
0x17d: {  	s17 =	sshrl.u32 @p2 s17, $0x19  }
0x17e: {  	s17 =	sadd.s32 @p2 s17, s15  }
0x17f: {  	s18 =	sand.u32 @p2 $0xFFFFFF80, s17  }
0x180: {  	p3 =	slt.s32 @p2 s15, $0x1;
	p4 =	sne.s32 @p2 s15, s18  }
0x181: {  	p3 =	por @p2 !p3, !p4  }
0x182: {  	p3 =	por @p2 !p3, !p3  }
0x183: {  	s18 =	simm.s32 @p2 $0x1;
	p3 =	por !p3, !p2  }
0x184: {  	s17 =	sshrl.u32 @p2 s17, $0x7;
	s18 =	simm.s32 @p3 $0x0  }
0x185: {  	s17 =	ssub.s32 @p2 s17, s18  }
0x186: {  	s17 =	sshll.u32 @p2 s17, $0x7  }
0x187: {  	s14 =	simm.s32 $0x5F80;
	p3 =	slt.s32 @p2 s17, $0xF4180  }
0x188: {  	v10 =	vld [tilespmem:s14+$0x0];
	p3 =	por !p3, !p2  }
0x189: {  	s19 =	simm.s32 @p2 $0x400;
	s17 =	simm.s32 @p3 $0xF4180  }
0x18a: {  	s20 =	simm.s32 @p2 $0x7A1400;
	s18 =	simm.s32 @p2 $0xA000;
	s17 =	sadd.s32 @p2 s2, s17  }
0x18b: {  	[tilespmem:s18], [sflag:$0x9] =	stream.strided.gather @p2 [hbm4b:s17+s19], $0x1000, s20, s19, $0x38;
	[tilespmem:$0x1A800] =	vst v63  }
0x18c: {  	s17 =	sadd.s32 @p2 $0xFFF0BE00, s15  }
0x18d: {  	(v2sf) =	vpush @p2 v10, $0x0;
	p3 =	sgt.s32 @p2 s17, $0x0  }
0x18e: {  	p3 =	por !p3, !p2  }
0x18f: {  	s17 =	simm.s32 @p3 $0x0  }
0x190: {  	v11 =	vlaneseq.u32 @p2;
	s17 =	sshll.u32 @p2 s17, $0x5  }
0x191: {  	s29 =	sadd.s32 $0x1, s8;
	v12 =	vmul.u32 @p2 $0x80, v11;
	s19 =	sor.u32 @p2 $0x10, s17;
	v15 =	vor.u32 @p2 s17, v11  }
0x192: {  	[smem:s16] =	sst s29;
	s20 =	simm.s32 @p2 $0x9;
	v13 =	vor.u32 @p2 s19, v11;
	s19 =	sand.u32 @p2 $0x7F, s15  }
0x193: {  	_ =	swait.ge @p2 [sflag:s20], $0x1000;
	v14 =	vor.u32 @p2 s19, v12;
	v12 =	vor.u32 @p2 $0x800, v12  }
0x194: {  	[sflag:s20] =	ssyncset.done @p2 $0x0;
	v12 =	vor.u32 @p2 s19, v12  }
0x195: {  	[sflag:s20] =	ssyncadd.s32 @p2 $0xFFFFF000;
	s17 =	simm.s32 @p2 $0xD800  }
0x196: {  	v15 =	vld.idx.msk @p2 [tilespmem:v15+s17+$0x0], $0xffff  }
0x197: {  	v13 =	vld.idx.msk @p2 [tilespmem:v13+s17+$0x0], $0xffff  }
0x198: {  	v14 =	vld.idx.msk @p2 [tilespmem:v14+s18+$0x0], $0xffff  }
0x199: {  	v12 =	vld.idx.msk @p2 [tilespmem:v12+s18+$0x0], $0xffff;
	_ =	sdelay $0x2  }
0x19a: {  	v16 =	vor.u32 @p2 $0x10, v11;
	p3 =	sgt.s32 @p2 s15, $0xF41FF;
	s15 =	spop @p2 (v2sf)  }
0x19b: {  	p3 =	por !p3, !p2;
	s17 =	sshll.u32 @p2 s15, $0x4;
	s15 =	sadd.s32 $0xFFFFFFFF, s13  }
0x19c: {  	v14 =	vpsel p3, v14, v15;
	v12 =	vpsel p3, v12, v13;
	p3 =	sne.s32 s15, $0x0  }
.Ltmp20:
0x19d: {  	s16 =	sshll.u32 @!p2 s16, $0x4;
	s18 =	simm.s32 @p2 $0xD000;
	(pc) =	sbr.rel @!p3 .LBB2_11-.Ltmp20, $4  }
0x19e: {  	s16 =	sadd.s32 @!p2 s8, s16;
	s13 =	sand.u32 @p2 $0x1FFFFFF0, s17;
	[tilespmem:v11+s18+$0x0] =	vst.idx.msk @p2 $0xffff, v14  }
0x19f: {  	s8 =	simm.s32 @p2 $0x8;
	s17 =	simm.s32 @p2 $0x0;
	s13 =	sadd.s32 @p2 s9, s13;
	v11 =	vmov @!p2 s16;
	[tilespmem:v16+s18+$0x0] =	vst.idx.msk @p2 $0xffff, v12  }
0x1a0: {  	[hbm4b:s13+s17] =	stream.linear.scatter @p2 [tilespmem:s18], [sflag:$0x8], $0x80, $0x38;
	[tilespmem:$0x1A800] =	vst v63  }
0x1a1: {  	v9 =	vbroadcast @!p2 v9, $0x0;
	v10 =	vbroadcast @!p2 v10, $0x0;
	s16 =	simm.s32 $0x1F01;
	s13 =	simm.s32 @!p2 $0x0;
	_ =	swait.ge @p2 [sflag:s8], $0x80  }
.LBB2_10:
0x1a2: {  	s15 =	sadd.s32 $0xFFFFFFFF, s15;
	[sflag:s8] =	ssyncset.done @p2 $0x0;
	s14 =	sadd.s32 $0x1, s14  }
0x1a3: {  	p3 =	sne.s32 s15, $0x0;
	[sflag:s8] =	ssyncadd.s32 @p2 $0xFFFFFF80;
	s8 =	simm.s32 @!p2 $0xF80  }
0x1a4: {  	[tilespmem:v11+s13+$0x0] =	vst.idx.msk @!p2 $0x1, v9  }
0x1a5: {  	[tilespmem:v11+s8+$0x0] =	vst.idx.msk @!p2 $0x1, v10  }
0x1a6: {  	v9 =	vld [tilespmem:s16+$0x0];
	_ =	sdelay $0x4  }
0x1a7: {  	(v2sf) =	vpush v9, $0x0;
	_ =	sdelay $0xe  }
0x1a8: {  	s19 =	simm.s32 $0x1;
	s17 =	spop (v2sf)  }
0x1a9: {  	s8 =	ssub.s32 s17, s1;
	p2 =	sne.s32 s17, s1;
	s13 =	sand.u32 $0xFF, s17  }
0x1aa: {  	s18 =	sshra.s32 s8, $0x1F;
	s19 =	simm.s32 @!p2 $0x0  }
0x1ab: {  	s20 =	sshrl.u32 s18, $0x18;
	s18 =	sor.u32 s19, s18  }
0x1ac: {  	p4 =	sne.s32 s13, $0x0;
	s8 =	sadd.s32 s20, s8;
	p2 =	sne.s32 s18, $0x1  }
0x1ad: {  	p2 =	por !p4, !p2  }
0x1ae: {  	s13 =	simm.s32 $0x1;
	p2 =	por !p2, !p2  }
0x1af: {  	s8 =	sshra.s32 s8, $0x8;
	s13 =	simm.s32 @!p2 $0x0  }
0x1b0: {  	s8 =	ssub.s32 s8, s13  }
0x1b1: {  	v11 =	vld [tilespmem:s14+$0x0];
	s13 =	sld [smem:s8+$0x0];
	_ =	sdelay $0x2  }
0x1b2: {  	s18 =	sadd.s32 $0x1, s13;
	p2 =	sgt.s32 s13, $0xF  }
0x1b3: {  	s19 =	sshra.s32 @p2 s17, $0x1F;
	p5 =	slt.s32 @p2 s17, $0x1;
	s20 =	sadd.s32 @p2 $0xFFF0BE00, s17;
	v9 =	vbroadcast @!p2 v9, $0x0  }
0x1b4: {  	[smem:s8] =	sst s18;
	s18 =	sshrl.u32 @p2 s19, $0x19;
	p4 =	sgt.s32 @p2 s20, $0x0;
	v10 =	vbroadcast @!p2 v11, $0x0;
	(v2sf) =	vpush @p2 v11, $0x0  }
0x1b5: {  	s18 =	sadd.s32 @p2 s18, s17;
	p6 =	por !p4, !p2;
	p4 =	sgt.s32 @p2 s17, $0xF41FF  }
0x1b6: {  	s19 =	sshrl.u32 @p2 s18, $0x7;
	s18 =	sand.u32 @p2 $0xFFFFFF80, s18;
	s20 =	simm.s32 @p6 $0x0  }
0x1b7: {  	s8 =	sshll.u32 @!p2 s8, $0x4;
	p6 =	sne.s32 @p2 s17, s18;
	s18 =	sshll.u32 @p2 s20, $0x5  }
0x1b8: {  	v11 =	vlaneseq.u32 @p2;
	s8 =	sadd.s32 @!p2 s13, s8;
	p5 =	por @p2 !p5, !p6;
	s20 =	sor.u32 @p2 $0x10, s18  }
0x1b9: {  	v12 =	vmul.u32 @p2 $0x80, v11;
	s13 =	simm.s32 @!p2 $0x0;
	v13 =	vor.u32 @p2 s18, v11;
	p5 =	por @p2 !p5, !p5;
	v14 =	vor.u32 @p2 s20, v11  }
0x1ba: {  	v15 =	vor.u32 @p2 $0x10, v11;
	s17 =	sand.u32 @p2 $0x7F, s17;
	s18 =	simm.s32 @p2 $0x1;
	p5 =	por !p5, !p2  }
0x1bb: {  	v16 =	vor.u32 @p2 s17, v12;
	v12 =	vor.u32 @p2 $0x800, v12;
	s18 =	simm.s32 @p5 $0x0  }
0x1bc: {  	v12 =	vor.u32 @p2 s17, v12;
	s18 =	ssub.s32 @p2 s19, s18  }
0x1bd: {  	s17 =	sshll.u32 @p2 s18, $0x7  }
0x1be: {  	p5 =	slt.s32 @p2 s17, $0xF4180  }
0x1bf: {  	p5 =	por !p5, !p2  }
0x1c0: {  	s19 =	simm.s32 @p2 $0x9;
	s18 =	simm.s32 @p2 $0xA000;
	s17 =	simm.s32 @p5 $0xF4180  }
0x1c1: {  	s21 =	simm.s32 @p2 $0x7A1400;
	s20 =	simm.s32 @p2 $0x400;
	s17 =	sadd.s32 @p2 s2, s17  }
0x1c2: {  	[tilespmem:s18], [sflag:$0x9] =	stream.strided.gather @p2 [hbm4b:s17+s20], $0x1000, s21, s20, $0x38;
	[tilespmem:$0x1A800] =	vst v63  }
0x1c3: {  	_ =	swait.ge @p2 [sflag:s19], $0x1000  }
0x1c4: {  	s17 =	spop @p2 (v2sf)  }
0x1c5: {  	[sflag:s19] =	ssyncset.done @p2 $0x0;
	s17 =	sshll.u32 @p2 s17, $0x4  }
0x1c6: {  	[sflag:s19] =	ssyncadd.s32 @p2 $0xFFFFF000;
	s19 =	simm.s32 @p2 $0xD800;
	s17 =	sand.u32 @p2 $0x1FFFFFF0, s17  }
0x1c7: {  	v14 =	vld.idx.msk @p2 [tilespmem:v14+s19+$0x0], $0xffff;
	s17 =	sadd.s32 @p2 s9, s17  }
0x1c8: {  	v12 =	vld.idx.msk @p2 [tilespmem:v12+s18+$0x0], $0xffff  }
0x1c9: {  	v16 =	vld.idx.msk @p2 [tilespmem:v16+s18+$0x0], $0xffff  }
0x1ca: {  	v13 =	vld.idx.msk @p2 [tilespmem:v13+s19+$0x0], $0xffff;
	_ =	sdelay $0x2  }
0x1cb: {  	p4 =	por !p4, !p2  }
0x1cc: {  	v12 =	vpsel p4, v12, v14  }
0x1cd: {  	s18 =	simm.s32 @p2 $0xD000  }
.Ltmp21:
0x1ce: {  	v13 =	vpsel p4, v16, v13;
	(pc) =	sbr.rel @p3 .LBB2_10-.Ltmp21, $4  }
0x1cf: {  	s19 =	simm.s32 @p2 $0x0;
	[tilespmem:v11+s18+$0x0] =	vst.idx.msk @p2 $0xffff, v13;
	v11 =	vmov @!p2 s8  }
0x1d0: {  	s8 =	simm.s32 @p2 $0x8;
	[tilespmem:v15+s18+$0x0] =	vst.idx.msk @p2 $0xffff, v12  }
0x1d1: {  	[hbm4b:s17+s19] =	stream.linear.scatter @p2 [tilespmem:s18], [sflag:$0x8], $0x80, $0x38;
	[tilespmem:$0x1A800] =	vst v63  }
0x1d2: {  	s16 =	sadd.s32 $0x1, s16;
	_ =	swait.ge @p2 [sflag:s8], $0x80  }
.LBB2_11:
0x1d3: {  	_ =	sdelay $0x1  }
0x1d4: {  	[sflag:s8] =	ssyncset.done @p2 $0x0  }
0x1d5: {  	[sflag:s8] =	ssyncadd.s32 @p2 $0xFFFFFF80  }
0x1d6: {  	s8 =	simm.s32 @!p2 $0xF80;
	[tilespmem:v11+s13+$0x0] =	vst.idx.msk @!p2 $0x1, v9  }
0x1d7: {  	[tilespmem:v11+s8+$0x0] =	vst.idx.msk @!p2 $0x1, v10  }
.LBB2_12:
.Ltmp22:
0x1d8: {  	(pc) =	sbr.rel .LBB2_13-.Ltmp22, $2  }
0x1d9: {  	_ =	sdelay $0x2  }
0x1da: {  	s14 =	simm.s32 $0x0;
	s15 =	simm.s32 $0xF80;
	s16 =	simm.s32 $0x0  }
.LBB2_18:
0x1db: {  	[sflag:s31] =	ssyncadd.s32 $0xFFFFFF80  }
.LBB2_19:
0x1dc: {  	s16 =	sadd.s32 $0x1, s16  }
0x1dd: {  	p2 =	sne.s32 s16, s10  }
.Ltmp23:
0x1de: {  	_ = 	snop;
	(pc) =	sbr.rel @!p2 .LBB2_20-.Ltmp23, $2  }
0x1df: {  	_ =	sdelay $0x2  }
0x1e0: {  	s14 =	sadd.s32 $0x10, s14;
	s15 =	sadd.s32 $0x10, s15  }
.LBB2_13:
0x1e1: {  	s8 =	sadd.s32 $0x5, s16  }
0x1e2: {  	s17 =	smulhi.u32 $0xAAAAAAAB, s16;
	p2 =	sge.u32 s8, s10  }
0x1e3: {  	s13 =	smulhi.u32 @!p2 $0xAAAAAAAB, s8  }
0x1e4: {  	s17 =	sshrl.u32 s17, $0x2  }
0x1e5: {  	s17 =	smul.u32 $0x6, s17;
	s13 =	sshrl.u32 @!p2 s13, $0x2  }
0x1e6: {  	s13 =	smul.u32 @!p2 $0x6, s13  }
0x1e7: {  	s18 =	sshll.u32 @!p2 s8, $0xB;
	s19 =	simm.s32 @!p2 $0x800;
	s20 =	simm.s32 @!p2 $0x7A1400  }
0x1e8: {  	s13 =	ssub.s32 @!p2 s8, s13;
	s8 =	ssub.s32 s16, s17;
	s17 =	sadd.s32 @!p2 s11, s18  }
0x1e9: {  	s18 =	sshll.u32 @!p2 s13, $0xD;
	s13 =	sadd.s32 @!p2 $0x2, s13;
	s17 =	sshrl.u32 @!p2 s17, $0x3  }
0x1ea: {  	s29 =	sadd.s32 $0x2, s8;
	s18 =	sadd.s32 @!p2 $0xE800, s18;
	s17 =	sadd.s32 @!p2 s2, s17  }
0x1eb: {  	[tilespmem:s18], [sflag:s13] =	stream.strided.gather @!p2 [hbm4b:s17+s19], $0x2000, s20, s19, $0x38;
	[tilespmem:$0x1A800] =	vst v63  }
0x1ec: {  	_ =	swait.ge [sflag:s29], $0x2000  }
0x1ed: {  	[sflag:s29] =	ssyncset.done $0x0  }
0x1ee: {  	[sflag:s29] =	ssyncadd.s32 $0xFFFFE000  }
0x1ef: {  	s17 =	sld [smem:s16+$0x0];
	_ =	sdelay $0x2  }
0x1f0: {  	p2 =	slt.s32 s17, $0x1  }
.Ltmp24:
0x1f1: {  	_ = 	snop;
	(pc) =	sbr.rel @p2 .LBB2_19-.Ltmp24, $1  }
0x1f2: {  	_ =	sdelay $0x3  }
0x1f3: {  	v9 =	vld [tilespmem:s14+$0x0];
	_ =	sdelay $0x4  }
0x1f4: {  	(v2sf) =	vpush v9, $0x0;
	_ =	sdelay $0x9  }
0x1f5: {  	v9 =	vld [tilespmem:s15+$0x0];
	_ =	sdelay $0x2  }
0x1f6: {  	s13 =	sshll.u32 s16, $0x8  }
0x1f7: {  	s13 =	sadd.s32 s1, s13  }
0x1f8: {  	s19 =	ssub.s32 $0x0, s13;
	(v2sf) =	vpush v9, $0x0;
	s18 =	spop (v2sf)  }
0x1f9: {  	s13 =	sadd.s32 s18, s19  }
0x1fa: {  	s8 =	sshll.u32 s8, $0xD;
	s20 =	sadd.s32 $0xFFF0BE00, s18;
	v10 =	vmov s13  }
0x1fb: {  	v9 =	vor.u32 s8, v5;
	p2 =	sgt.s32 s20, $0x0;
	v11 =	vand.u32 $0x7F, v10;
	v10 =	vshll.u32 v10, $0x3  }
0x1fc: {  	s20 =	simm.s32 @!p2 $0x0;
	v12 =	vand.u32 $0xFFFFFC00, v10;
	v10 =	vor.u32 v11, v9  }
0x1fd: {  	s22 =	sshll.u32 s20, $0x5;
	v13 =	vadd.s32 v12, v10;
	v10 =	vor.u32 s8, v6  }
0x1fe: {  	v14 =	vor.u32 s22, v2;
	v11 =	vor.u32 v11, v10  }
0x1ff: {  	s23 =	sor.u32 $0x10, s22;
	v11 =	vadd.s32 v12, v11  }
0x200: {  	v12 =	vor.u32 s23, v2  }
0x201: {  	p2 =	slt.s32 s17, $0x10  }
0x202: {  	s17 =	simm.s32 @!p2 $0x10;
	v15 =	vld.idx.msk [tilespmem:v13+s30+$0x0], $0xffff  }
0x203: {  	p2 =	sne.s32 s17, $0x1;
	v16 =	vld.idx.msk [tilespmem:v14+s24+$0x0], $0xffff  }
.Ltmp25:
0x204: {  	s29 =	simm.s32 $0x0;
	v11 =	vld.idx.msk [tilespmem:v11+s30+$0x0], $0xffff;
	(pc) =	sbr.rel @!p2 .LBB2_16-.Ltmp25, $4  }
0x205: {  	v14 =	vor.u32 s29, v2;
	v13 =	vld.idx.msk [tilespmem:v12+s24+$0x0], $0xffff  }
0x206: {  	s21 =	simm.s32 $0x1;
	p3 =	sgt.s32 s18, $0xF41FF;
	v12 =	vor.u32 s29, v7  }
0x207: {  	s18 =	simm.s32 $0xD000;
	s13 =	sadd.s32 $0x1, s15;
	s28 =	spop (v2sf)  }
0x208: {  	s20 =	simm.s32 $0xD000;
	s22 =	sadd.s32 $0x1, s14;
	s8 =	sshll.u32 s28, $0x4;
	v15 =	vpsel p3, v16, v15  }
.LBB2_15:
0x209: {  	s23 =	sand.u32 $0x1FFFFFF0, s8  }
0x20a: {  	v11 =	vpsel p3, v13, v11;
	[tilespmem:v14+s4+$0x0] =	vst.idx.msk $0xffff, v15;
	s18 =	sadd.s32 $0x80, s18;
	s8 =	smov.u32 s21;
	s21 =	sadd.s32 $0x1, s21  }
0x20b: {  	p2 =	sne.s32 s17, s21;
	[tilespmem:v12+s4+$0x0] =	vst.idx.msk $0xffff, v11;
	s23 =	sadd.s32 s9, s23  }
0x20c: {  	[hbm4b:s23+s6] =	stream.linear.scatter [tilespmem:s20], [sflag:$0x1], $0x80, $0x38;
	[tilespmem:$0x1A800] =	vst v63  }
0x20d: {  	s20 =	smov.u32 s18;
	v11 =	vld [tilespmem:s22+$0x0];
	_ =	sdelay $0x4  }
0x20e: {  	(v2sf) =	vpush v11, $0x0;
	_ =	sdelay $0xb  }
0x20f: {  	v11 =	vld [tilespmem:s13+$0x0];
	_ =	sdelay $0x2  }
0x210: {  	s23 =	spop (v2sf)  }
0x211: {  	s28 =	sadd.s32 s23, s19;
	s29 =	sadd.s32 $0xFFF0BE00, s23  }
0x212: {  	v12 =	vmov s28;
	p3 =	sgt.s32 s29, $0x0;
	(v2sf) =	vpush v11, $0x0  }
0x213: {  	v11 =	vand.u32 $0x7F, v12;
	v12 =	vshll.u32 v12, $0x3;
	s29 =	simm.s32 @!p3 $0x0  }
0x214: {  	v12 =	vand.u32 $0xFFFFFC00, v12;
	v13 =	vor.u32 v11, v9;
	v11 =	vor.u32 v11, v10;
	s28 =	sshll.u32 s29, $0x5  }
0x215: {  	v13 =	vadd.s32 v12, v13;
	v11 =	vadd.s32 v12, v11;
	v12 =	vor.u32 s28, v2;
	s28 =	sor.u32 $0x10, s28  }
0x216: {  	v14 =	vor.u32 s28, v2;
	_ =	sdelay $0x3  }
0x217: {  	v11 =	vld.idx.msk [tilespmem:v11+s30+$0x0], $0xffff  }
0x218: {  	v15 =	vld.idx.msk [tilespmem:v13+s30+$0x0], $0xffff  }
0x219: {  	v16 =	vld.idx.msk [tilespmem:v12+s24+$0x0], $0xffff  }
0x21a: {  	s8 =	sshll.u32 s8, $0x7;
	v13 =	vld.idx.msk [tilespmem:v14+s24+$0x0], $0xffff  }
.Ltmp26:
0x21b: {  	v14 =	vor.u32 s8, v2;
	(pc) =	sbr.rel @p2 .LBB2_15-.Ltmp26, $3  }
0x21c: {  	v12 =	vor.u32 s8, v7;
	_ =	sdelay $0x1  }
0x21d: {  	p3 =	sgt.s32 s23, $0xF41FF;
	s8 =	spop (v2sf)  }
0x21e: {  	s22 =	sadd.s32 $0x1, s22;
	s13 =	sadd.s32 $0x1, s13;
	v15 =	vpsel p3, v16, v15;
	s8 =	sshll.u32 s8, $0x4  }
.LBB2_16:
0x21f: {  	_ =	sdelay $0x2  }
0x220: {  	p2 =	sne.s32 s17, $0x1  }
.Ltmp27:
0x221: {  	[tilespmem:v14+s4+$0x0] =	vst.idx.msk $0xffff, v15;
	s8 =	sand.u32 $0x1FFFFFF0, s8;
	v9 =	vpsel p3, v13, v11;
	(pc) =	sbr.rel @!p2 .LBB2_18-.Ltmp27, $4  }
0x222: {  	s8 =	sadd.s32 s9, s8;
	[tilespmem:v12+s4+$0x0] =	vst.idx.msk $0xffff, v9  }
0x223: {  	[hbm4b:s8+s6] =	stream.linear.scatter [tilespmem:s20], [sflag:$0x1], $0x80, $0x38;
	[tilespmem:$0x1A800] =	vst v63  }
0x224: {  	_ =	swait.ge [sflag:s31], $0x80  }
0x225: {  	s8 =	sadd.s32 $0xFFFFFFFF, s17;
	[sflag:s31] =	ssyncset.done $0x0  }
.LBB2_17:
0x226: {  	p2 =	sne.s32 s8, $0x1;
	s8 =	sadd.s32 $0xFFFFFFFF, s8;
	[sflag:s31] =	ssyncadd.s32 $0xFFFFFF80  }
.Ltmp28:
0x227: {  	(pc) =	sbr.rel @p2 .LBB2_17-.Ltmp28, $3  }
0x228: {  	_ =	sdelay $0x1  }
0x229: {  	_ =	swait.ge [sflag:s31], $0x80  }
0x22a: {  	[sflag:s31] =	ssyncset.done $0x0  }
.Ltmp29:
0x22b: {  	_ = 	snop;
	(pc) =	sbr.rel .LBB2_18-.Ltmp29, $1  }
0x22c: {  	_ =	sdelay $0x3  }
.LBB2_40:
0x22d: {  	s14 =	sld @!p1 [smem:$0xF6];
	_ =	sdelay $0x2  }
0x22e: {  	p2 =	slt.s32 @!p1 s14, $0x1  }
0x22f: {  	p2 =	por p1, p2  }
.Ltmp30:
0x230: {  	_ = 	snop;
	(pc) =	sbr.rel @p2 .LBB2_26-.Ltmp30, $1  }
0x231: {  	_ =	sdelay $0x3  }
0x232: {  	s8 =	simm.s32 @!p1 $0xF60  }
0x233: {  	v9 =	vld [tilespmem:s8+$0x0];
	_ =	sdelay $0x4  }
0x234: {  	(v2sf) =	vpush v9, $0x0;
	_ =	sdelay $0x8  }
0x235: {  	s8 =	simm.s32 @!p1 $0x1EE0  }
0x236: {  	v9 =	vld [tilespmem:s8+$0x0];
	_ =	sdelay $0x4  }
0x237: {  	s23 =	spop (v2sf);
	(v2sf) =	vpush v9, $0x0  }
0x238: {  	s13 =	sadd.s32 $0xFFF0BE00, s23  }
0x239: {  	p2 =	sgt.s32 s13, $0x0  }
0x23a: {  	s13 =	simm.s32 @!p2 $0x0  }
0x23b: {  	s13 =	sshll.u32 s13, $0x5  }
0x23c: {  	s15 =	sadd.s32 $0x800, s13  }
0x23d: {  	s13 =	sadd.s32 $0x810, s13;
	v9 =	vor.u32 s15, v2  }
0x23e: {  	v10 =	vor.u32 s13, v2;
	_ =	sdelay $0x1  }
0x23f: {  	v11 =	vld.idx.msk [tilespmem:v8+s0+$0x0], $0xffff  }
0x240: {  	v12 =	vld.idx.msk [tilespmem:v3+s0+$0x0], $0xffff;
	p2 =	slt.s32 @!p1 s14, $0x10  }
0x241: {  	s28 =	simm.s32 $0x0;
	p2 =	por !p2, p1;
	v9 =	vld.idx.msk [tilespmem:v9+s24+$0x0], $0xffff  }
0x242: {  	v13 =	vor.u32 s28, v2;
	s14 =	simm.s32 @p2 $0x10;
	v10 =	vld.idx.msk [tilespmem:v10+s24+$0x0], $0xffff  }
0x243: {  	v14 =	vor.u32 s28, v7;
	p3 =	sne.s32 s14, $0x1  }
.Ltmp31:
0x244: {  	_ = 	snop;
	(pc) =	sbr.rel @!p3 .LBB2_43-.Ltmp31, $4  }
0x245: {  	p6 =	sgt.s32 s23, $0xF41FF;
	s29 =	spop (v2sf)  }
0x246: {  	s16 =	simm.s32 $0x1EE1;
	v9 =	vpsel p6, v9, v12;
	s8 =	sshll.u32 s29, $0x4  }
0x247: {  	s17 =	simm.s32 $0xD080;
	s18 =	simm.s32 $0xF61;
	v10 =	vpsel p6, v10, v11;
	[tilespmem:v13+s4+$0x0] =	vst.idx.msk $0xffff, v9;
	s8 =	sand.u32 $0x1FFFFFF0, s8  }
0x248: {  	s15 =	simm.s32 @!p1 $0xD000;
	s13 =	simm.s32 $0x1;
	[tilespmem:v14+s4+$0x0] =	vst.idx.msk $0xffff, v10;
	s8 =	sadd.s32 s12, s8  }
.LBB2_42:
0x249: {  	[hbm4b:s8+s6] =	stream.linear.scatter [tilespmem:s15], [sflag:$0x1], $0x80, $0x38;
	[tilespmem:$0x1A800] =	vst v63  }
0x24a: {  	s8 =	smov.u32 s13;
	s13 =	sadd.s32 $0x1, s13;
	s15 =	smov.u32 s17;
	v9 =	vld [tilespmem:s18+$0x0]  }
0x24b: {  	p2 =	sne.s32 s14, s13;
	_ =	sdelay $0x3  }
0x24c: {  	(v2sf) =	vpush v9, $0x0;
	_ =	sdelay $0xa  }
0x24d: {  	v9 =	vld [tilespmem:s16+$0x0];
	_ =	sdelay $0x3  }
0x24e: {  	s19 =	spop (v2sf)  }
0x24f: {  	s20 =	sadd.s32 $0xFFF0BE00, s19;
	(v2sf) =	vpush v9, $0x0  }
0x250: {  	p3 =	sgt.s32 s20, $0x0  }
0x251: {  	s20 =	simm.s32 @!p3 $0x0  }
0x252: {  	s20 =	sshll.u32 s20, $0x5  }
0x253: {  	s21 =	sadd.s32 $0x800, s20;
	s20 =	sadd.s32 $0x810, s20  }
0x254: {  	v9 =	vor.u32 s21, v2;
	v10 =	vor.u32 s20, v2;
	_ =	sdelay $0x2  }
0x255: {  	v11 =	vld.idx.msk [tilespmem:v8+s0+$0x0], $0xffff  }
0x256: {  	v12 =	vld.idx.msk [tilespmem:v3+s0+$0x0], $0xffff  }
0x257: {  	v9 =	vld.idx.msk [tilespmem:v9+s24+$0x0], $0xffff  }
0x258: {  	s8 =	sshll.u32 s8, $0x7;
	v10 =	vld.idx.msk [tilespmem:v10+s24+$0x0], $0xffff  }
0x259: {  	v13 =	vor.u32 s8, v2  }
0x25a: {  	v14 =	vor.u32 s8, v7  }
.Ltmp32:
0x25b: {  	(pc) =	sbr.rel @p2 .LBB2_42-.Ltmp32, $4  }
0x25c: {  	p3 =	sgt.s32 s19, $0xF41FF;
	s8 =	spop (v2sf)  }
0x25d: {  	v9 =	vpsel p3, v9, v12;
	s8 =	sshll.u32 s8, $0x4  }
0x25e: {  	s16 =	sadd.s32 $0x1, s16;
	v10 =	vpsel p3, v10, v11;
	[tilespmem:v13+s4+$0x0] =	vst.idx.msk $0xffff, v9;
	s8 =	sand.u32 $0x1FFFFFF0, s8  }
0x25f: {  	s17 =	sadd.s32 $0x80, s17;
	s18 =	sadd.s32 $0x1, s18;
	[tilespmem:v14+s4+$0x0] =	vst.idx.msk $0xffff, v10;
	s8 =	sadd.s32 s12, s8  }
.LBB2_43:
0x260: {  	p2 =	sne.s32 s14, $0x1  }
.Ltmp33:
0x261: {  	_ = 	snop;
	(pc) =	sbr.rel @!p2 .LBB2_45-.Ltmp33, $4  }
0x262: {  	_ = 	snop  }
0x263: {  	[hbm4b:s8+s6] =	stream.linear.scatter [tilespmem:s15], [sflag:$0x1], $0x80, $0x38;
	[tilespmem:$0x1A800] =	vst v63  }
0x264: {  	_ =	swait.ge [sflag:s31], $0x80  }
0x265: {  	s8 =	sadd.s32 $0xFFFFFFFF, s14;
	[sflag:s31] =	ssyncset.done $0x0  }
.LBB2_44:
0x266: {  	p2 =	sne.s32 s8, $0x1;
	s8 =	sadd.s32 $0xFFFFFFFF, s8;
	[sflag:s31] =	ssyncadd.s32 $0xFFFFFF80  }
.Ltmp34:
0x267: {  	(pc) =	sbr.rel @p2 .LBB2_44-.Ltmp34, $3  }
0x268: {  	_ =	sdelay $0x1  }
0x269: {  	_ =	swait.ge [sflag:s31], $0x80  }
0x26a: {  	[sflag:s31] =	ssyncset.done $0x0  }
.LBB2_45:
.Ltmp35:
0x26b: {  	(pc) =	sbr.rel .LBB2_26-.Ltmp35, $2  }
0x26c: {  	_ =	sdelay $0x2  }
0x26d: {  	[sflag:s31] =	ssyncadd.s32 $0xFFFFFF80  }
.LBB2_20:
0x26e: {  	s14 =	sld @!p1 [smem:$0xF6];
	_ =	sdelay $0x2  }
0x26f: {  	p2 =	slt.s32 @!p1 s14, $0x1  }
0x270: {  	p2 =	por p1, p2  }
.Ltmp36:
0x271: {  	_ = 	snop;
	(pc) =	sbr.rel @p2 .LBB2_26-.Ltmp36, $1  }
0x272: {  	_ =	sdelay $0x3  }
0x273: {  	s8 =	simm.s32 @!p1 $0xF60  }
0x274: {  	v9 =	vld [tilespmem:s8+$0x0];
	_ =	sdelay $0x4  }
0x275: {  	(v2sf) =	vpush v9, $0x0;
	_ =	sdelay $0x7  }
0x276: {  	s8 =	simm.s32 @!p1 $0x1EE0  }
0x277: {  	v9 =	vld [tilespmem:s8+$0x0];
	_ =	sdelay $0x4  }
0x278: {  	(v2sf) =	vpush v9, $0x0  }
0x279: {  	s23 =	spop (v2sf)  }
0x27a: {  	s13 =	sadd.s32 $0xFFF0BE00, s23  }
0x27b: {  	p2 =	sgt.s32 s13, $0x0  }
0x27c: {  	s13 =	simm.s32 @!p2 $0x0  }
0x27d: {  	s13 =	sshll.u32 s13, $0x5  }
0x27e: {  	v9 =	vor.u32 s13, v2;
	s13 =	sor.u32 $0x10, s13  }
0x27f: {  	v10 =	vor.u32 s13, v2;
	_ =	sdelay $0x1  }
0x280: {  	v11 =	vld.idx.msk [tilespmem:v8+s0+$0x0], $0xffff  }
0x281: {  	v12 =	vld.idx.msk [tilespmem:v3+s0+$0x0], $0xffff;
	p2 =	slt.s32 @!p1 s14, $0x10  }
0x282: {  	s28 =	simm.s32 $0x0;
	p2 =	por !p2, p1;
	v9 =	vld.idx.msk [tilespmem:v9+s24+$0x0], $0xffff  }
0x283: {  	v13 =	vor.u32 s28, v2;
	s14 =	simm.s32 @p2 $0x10;
	v10 =	vld.idx.msk [tilespmem:v10+s24+$0x0], $0xffff  }
0x284: {  	v14 =	vor.u32 s28, v7;
	p3 =	sne.s32 s14, $0x1  }
.Ltmp37:
0x285: {  	_ = 	snop;
	(pc) =	sbr.rel @!p3 .LBB2_23-.Ltmp37, $4  }
0x286: {  	p6 =	sgt.s32 s23, $0xF41FF;
	s29 =	spop (v2sf)  }
0x287: {  	s15 =	simm.s32 @!p1 $0xD000;
	s8 =	sshll.u32 s29, $0x4;
	v9 =	vpsel p6, v9, v12  }
0x288: {  	s16 =	simm.s32 $0x1EE1;
	s17 =	simm.s32 $0xD080;
	s8 =	sand.u32 $0x1FFFFFF0, s8;
	v10 =	vpsel p6, v10, v11;
	[tilespmem:v13+s4+$0x0] =	vst.idx.msk $0xffff, v9  }
0x289: {  	s18 =	simm.s32 $0xF61;
	s13 =	simm.s32 $0x1;
	s8 =	sadd.s32 s9, s8;
	[tilespmem:v14+s4+$0x0] =	vst.idx.msk $0xffff, v10  }
.LBB2_22:
0x28a: {  	[hbm4b:s8+s6] =	stream.linear.scatter [tilespmem:s15], [sflag:$0x1], $0x80, $0x38;
	[tilespmem:$0x1A800] =	vst v63  }
0x28b: {  	s8 =	smov.u32 s13;
	s13 =	sadd.s32 $0x1, s13;
	s15 =	smov.u32 s17;
	v9 =	vld [tilespmem:s18+$0x0]  }
0x28c: {  	p2 =	sne.s32 s14, s13;
	_ =	sdelay $0x3  }
0x28d: {  	(v2sf) =	vpush v9, $0x0;
	_ =	sdelay $0x9  }
0x28e: {  	v9 =	vld [tilespmem:s16+$0x0];
	_ =	sdelay $0x4  }
0x28f: {  	s19 =	spop (v2sf);
	(v2sf) =	vpush v9, $0x0  }
0x290: {  	s20 =	sadd.s32 $0xFFF0BE00, s19  }
0x291: {  	p3 =	sgt.s32 s20, $0x0  }
0x292: {  	s20 =	simm.s32 @!p3 $0x0  }
0x293: {  	s20 =	sshll.u32 s20, $0x5  }
0x294: {  	v9 =	vor.u32 s20, v2;
	s20 =	sor.u32 $0x10, s20  }
0x295: {  	v10 =	vor.u32 s20, v2;
	_ =	sdelay $0x1  }
0x296: {  	v11 =	vld.idx.msk [tilespmem:v8+s0+$0x0], $0xffff  }
0x297: {  	v12 =	vld.idx.msk [tilespmem:v3+s0+$0x0], $0xffff  }
0x298: {  	v9 =	vld.idx.msk [tilespmem:v9+s24+$0x0], $0xffff  }
0x299: {  	s8 =	sshll.u32 s8, $0x7;
	v10 =	vld.idx.msk [tilespmem:v10+s24+$0x0], $0xffff  }
0x29a: {  	v13 =	vor.u32 s8, v2  }
0x29b: {  	v14 =	vor.u32 s8, v7  }
.Ltmp38:
0x29c: {  	(pc) =	sbr.rel @p2 .LBB2_22-.Ltmp38, $4  }
0x29d: {  	p3 =	sgt.s32 s19, $0xF41FF;
	s8 =	spop (v2sf)  }
0x29e: {  	v9 =	vpsel p3, v9, v12;
	s8 =	sshll.u32 s8, $0x4  }
0x29f: {  	s16 =	sadd.s32 $0x1, s16;
	v10 =	vpsel p3, v10, v11;
	[tilespmem:v13+s4+$0x0] =	vst.idx.msk $0xffff, v9;
	s8 =	sand.u32 $0x1FFFFFF0, s8  }
0x2a0: {  	s17 =	sadd.s32 $0x80, s17;
	s18 =	sadd.s32 $0x1, s18;
	[tilespmem:v14+s4+$0x0] =	vst.idx.msk $0xffff, v10;
	s8 =	sadd.s32 s9, s8  }
.LBB2_23:
0x2a1: {  	p2 =	seq.s32 s14, $0x1  }
.Ltmp39:
0x2a2: {  	_ = 	snop;
	(pc) =	sbr.rel @p2 .LBB2_25-.Ltmp39, $4  }
0x2a3: {  	_ = 	snop  }
0x2a4: {  	[hbm4b:s8+s6] =	stream.linear.scatter [tilespmem:s15], [sflag:$0x1], $0x80, $0x38;
	[tilespmem:$0x1A800] =	vst v63  }
0x2a5: {  	_ =	swait.ge [sflag:s31], $0x80  }
0x2a6: {  	s8 =	sadd.s32 $0xFFFFFFFF, s14;
	[sflag:s31] =	ssyncset.done $0x0  }
.LBB2_24:
0x2a7: {  	p2 =	seq.s32 s8, $0x1;
	s8 =	sadd.s32 $0xFFFFFFFF, s8;
	[sflag:s31] =	ssyncadd.s32 $0xFFFFFF80  }
.Ltmp40:
0x2a8: {  	(pc) =	sbr.rel @!p2 .LBB2_24-.Ltmp40, $3  }
0x2a9: {  	_ =	sdelay $0x1  }
0x2aa: {  	_ =	swait.ge [sflag:s31], $0x80  }
0x2ab: {  	[sflag:s31] =	ssyncset.done $0x0  }
.Ltmp41:
0x2ac: {  	_ = 	snop;
	(pc) =	sbr.rel .LBB2_25-.Ltmp41, $1  }
0x2ad: {  	_ =	sdelay $0x3  }
.LBB2_27:
0x2ae: {  	_ =	sfence.sel $0x180000  }
0x2af: {  	[bflag:$0x0] =	sbarrier.arrive $0xFFFF  }
0x2b0: {  	_ =	strace $0x90000047  }
0x2b1: {  	s0 =	stileid.u32;
	[bflag:$0x2] =	sbarrier.arrive $0xFFFF  }
0x2b2: {  	p0 =	sne.s32 s0, $0x0;
	s0 =	rddreg [dreg:$0x4]  }
0x2b3: {  	s0 =	sadd.s32 @!p0 $0x100000, s0  }
0x2b4: {  	[sflag:s0] =	ssyncadd.tile.s32 @!p0 $0x1;
	_ =	shalt  }
.Lfunc_end2:
_tile_overlayer_lowered:
.L_overlay_start_2:
0x2b5: {  	(tag) =	ssettag $0x2  }
0x2b6: {  	s0 =	rddreg [dreg:$0x0];
	s2 =	stileid.u32  }
0x2b7: {  	s1 =	rddreg [dreg:$0x1];
	p0 =	sne.s32 s2, $0x0  }
0x2b8: {  	s3 =	rddreg [dreg:$0x2];
	[bflag:$0x3] =	sbarrier.arrive $0xFFFF;
	s2 =	simm.s32 @!p0 $0x1C08  }
0x2b9: {  	[timem:s3], [sflag:s2] =	dma.local @!p0 [hbm:s0], s1  }
0x2ba: {  	s0 =	simm.s32 @!p0 $0x8  }
0x2bb: {  	_ =	swait.ge @!p0 [sflag:s0], s1  }
0x2bc: {  	s1 =	ssub.s32 @!p0 $0x0, s1;
	[sflag:s0] =	ssyncset.done @!p0 $0x0  }
0x2bd: {  	[sflag:s0] =	ssyncadd.s32 @!p0 s1  }
0x2be: {  	[bflag:$0x3] =	sbarrier.arrive $0xFFFF  }
0x2bf: {  	_ =	shalt  }

</sc_bundles>
